<compile_context>
chip_gen: v7x
topology: tpu7x:2x2x1
jax: 0.10.2.dev20260603
libtpu: 0.0.44.dev20260713+nightly
codegen_flags: <defaults>
</compile_context>

<pallas_src>
import functools

import jax
import jax.numpy as jnp
from jax import lax
from jax.experimental import pallas as pl
from jax.experimental.pallas import tpu as pltpu
from jax.experimental.pallas import tpu_sc as plsc

V = 1000
BT = 51200
NC, NS = 2, 16
NW = NC * NS
NB = 125
REPS = 4
NCOL = REPS * 8
S = 1280
NCHUNK = BT // S
BPW = BT // NW


def _lse_body(table_ref, lse_ref):
    t = table_ref[...]
    m = jnp.max(t, axis=1)
    s = jnp.sum(jnp.exp(t - m[:, None]), axis=1)
    lse_ref[...] = m + jnp.log(s)


def _lse_call(table):
    return pl.pallas_call(
        _lse_body,
        out_shape=jax.ShapeDtypeStruct((V,), jnp.float32),
    )(table)


def _loss_body(part_ref, out_ref):
    out_ref[0, 0] = jnp.sum(part_ref[...]) * (1.0 / BT)


def _loss_call(part):
    return pl.pallas_call(
        _loss_body,
        out_shape=jax.ShapeDtypeStruct((1, 1), jnp.float32),
        out_specs=pl.BlockSpec(memory_space=pltpu.SMEM),
    )(part)


@functools.partial(
    pl.kernel,
    out_type=(
        jax.ShapeDtypeStruct((NB, 8, BT), jnp.float32),
        jax.ShapeDtypeStruct((NW, 16), jnp.float32),
    ),
    mesh=plsc.VectorSubcoreMesh(core_axis_name="c", subcore_axis_name="s"),
    compiler_params=pltpu.CompilerParams(
        needs_layout_passes=False, use_tc_tiling_on_sc=True
    ),
    scratch_types=[
        pltpu.VMEM((NCOL * V,), jnp.float32),
        pltpu.VMEM((2, S), jnp.int32),
        pltpu.VMEM((2, S), jnp.int32),
        pltpu.VMEM((V,), jnp.float32),
        pltpu.VMEM((BPW,), jnp.int32),
        pltpu.VMEM((2, NCOL, S), jnp.float32),
        pltpu.VMEM((16,), jnp.float32),
        pltpu.SemaphoreType.DMA,
        pltpu.SemaphoreType.DMA,
        pltpu.SemaphoreType.DMA,
        pltpu.SemaphoreType.DMA,
    ],
)
def _sc_gather(tt_hbm, idx_hbm, tgt_hbm, lse_hbm, out_hbm, part_hbm,
               tt_v, idx_v, tgt_v, lse_v, idxl_v, slab_v, acc_v,
               lsem0, lsem1, wsem0, wsem1):
    wid = lax.axis_index("s") * NC + lax.axis_index("c")

    for rep in range(REPS):
        b = wid + NW * rep

        @pl.when(b < NB)
        def _():
            pltpu.sync_copy(tt_hbm.at[pl.ds(b * 8 * V, 8 * V)],
                            tt_v.at[pl.ds(rep * 8 * V, 8 * V)])

    pltpu.sync_copy(lse_hbm, lse_v)

    pltpu.sync_copy(idx_hbm.at[pl.ds(wid * BPW, BPW)], idxl_v)

    def lse_grp(g, a):
        tok = idxl_v[pl.ds(g * 16, 16)]
        return a + plsc.load_gather(lse_v, [tok])

    acc = plsc.parallel_loop(0, BPW // 16, 1, unroll=8,
                             carry=jnp.zeros((16,), jnp.float32))(lse_grp)

    def load_chunk(ci, par, lsem):
        pltpu.async_copy(idx_hbm.at[pl.ds(ci * S, S)], idx_v.at[par], lsem)
        pltpu.async_copy(tgt_hbm.at[pl.ds(ci * S, S)], tgt_v.at[par], lsem)

    def wait_load(par, lsem):
        pltpu.make_async_copy(idx_hbm.at[pl.ds(0, S)], idx_v.at[par],
                              lsem).wait()
        pltpu.make_async_copy(tgt_hbm.at[pl.ds(0, S)], tgt_v.at[par],
                              lsem).wait()

    def start_writes(ci, par, wsem):
        s0 = ci * S
        for rep in range(REPS):
            b = wid + NW * rep

            @pl.when(b < NB)
            def _():
                pltpu.async_copy(slab_v.at[par, pl.ds(rep * 8, 8)],
                                 out_hbm.at[b, :, pl.ds(s0, S)], wsem)

    def wait_writes(par, wsem):
        for rep in range(REPS):
            b = wid + NW * rep

            @pl.when(b < NB)
            def _():
                pltpu.make_async_copy(slab_v.at[par, pl.ds(rep * 8, 8)],
                                      out_hbm.at[b, :, pl.ds(0, S)],
                                      wsem).wait()

    load_chunk(0, 0, lsem0)
    load_chunk(1, 1, lsem1)

    def chunk(ci, acc):
        par = lax.rem(ci, 2)

        @pl.when(par == 0)
        def _():
            wait_load(0, lsem0)

        @pl.when(par == 1)
        def _():
            wait_load(1, lsem1)

        @pl.when((par == 0) & (ci >= 2))
        def _():
            wait_writes(0, wsem0)

        @pl.when((par == 1) & (ci >= 2))
        def _():
            wait_writes(1, wsem1)

        def gi_body(gb, acc):
            tok = idx_v[par, pl.ds(gb, 16)]
            tg = tgt_v[par, pl.ds(gb, 16)]

            def col4(k0):
                for j in range(4):
                    k = k0 + j
                    vals = plsc.load_gather(tt_v, [tok + k * V])
                    slab_v[par, k, pl.ds(gb, 16)] = vals

            plsc.parallel_loop(0, NCOL, 4, unroll=8)(col4)

            for rep in range(REPS):
                rb = 8 * (wid + NW * rep)
                m = (tg >= rb) & (tg < rb + 8)
                pidx = (tg - rb + 8 * rep) * V + tok
                p = plsc.load_gather(tt_v, [pidx], mask=m)
                acc = acc - jnp.where(m, p, 0.0)
            return acc

        acc = plsc.parallel_loop(0, S, 16, unroll=8, carry=acc)(gi_body)

        @pl.when(par == 0)
        def _():
            start_writes(ci, 0, wsem0)

            @pl.when(ci + 2 < NCHUNK)
            def _():
                load_chunk(ci + 2, 0, lsem0)

        @pl.when(par == 1)
        def _():
            start_writes(ci, 1, wsem1)

            @pl.when(ci + 2 < NCHUNK)
            def _():
                load_chunk(ci + 2, 1, lsem1)

        return acc

    acc = lax.fori_loop(0, NCHUNK, chunk, acc)
    wait_writes(0, wsem0)
    wait_writes(1, wsem1)
    acc_v[...] = acc
    pltpu.sync_copy(acc_v, part_hbm.at[wid])


def kernel(idx, targets, table):
    idxf = idx.reshape(-1).astype(jnp.int32)
    tgtf = targets.reshape(-1).astype(jnp.int32)
    tt_flat = jnp.transpose(table).reshape(-1)
    lse = _lse_call(table)
    out3, part = _sc_gather(tt_flat, idxf, tgtf, lse)
    logits = jnp.transpose(out3.reshape(V, BT))
    loss = _loss_call(part)[0, 0]
    return (logits, loss)

# --- scband reference (transcript-rebuilt; emitter-appended) ---
"""Pipeline reference for scband-bigram-language-model-15479062135079 (READ-ONLY COPY).

The authoritative reference and input builder live on the scoring server;
editing this copy changes nothing except your own understanding.
"""

import jax, jax.numpy as jnp
import numpy as np

VOCAB = 1000
B, T = 1024, 50


def setup_inputs(seed: int = 0) -> dict:
    key = jax.random.key(seed)
    k1, k2, k3 = jax.random.split(key, 3)
    idx = jax.random.randint(k1, (B, T), 0, VOCAB)
    targets = jax.random.randint(k2, (B, T), 0, VOCAB)
    table = jax.random.normal(k3, (VOCAB, VOCAB), dtype=jnp.float32) * 0.02
    return {"idx": idx, "targets": targets, "table": table}


def reference(idx, targets, table):
    # logits = token_embedding_table(idx)  -> gather rows of the table
    logits = jnp.take(table, idx, axis=0)  # (B, T, C)
    b, t, c = logits.shape
    logits2 = logits.reshape(b * t, c)
    tgt = targets.reshape(b * t)
    # F.cross_entropy(logits, targets) with mean reduction
    lse = jax.scipy.special.logsumexp(logits2, axis=1)
    picked = jnp.take_along_axis(logits2, tgt[:, None], axis=1)[:, 0]
    loss = jnp.mean(lse - picked)
    return (logits2, loss)

if __name__ == "__main__":
    import jax
    _d = setup_inputs()
    print(jax.jit(kernel)(*tuple(_d.values())))

</pallas_src>

<mosaic_0001>
#map = affine_map<(d0, d1) -> (0)>
#map1 = affine_map<(d0, d1) -> (0, 0, 0)>
#map2 = affine_map<(d0, d1) -> (0, 0)>
module attributes {stable_mosaic.version = 14 : i64} {
  func.func @_sc_gather(%arg0: i32, %arg1: i32, %arg2: memref<1000000xf32, #tpu.memory_space<hbm>>, %arg3: memref<51200xi32, #tpu.memory_space<hbm>>, %arg4: memref<51200xi32, #tpu.memory_space<hbm>>, %arg5: memref<1000xf32, #tpu.memory_space<hbm>>, %arg6: memref<125x8x51200xf32, #tpu.memory_space<hbm>>, %arg7: memref<32x16xf32, #tpu.memory_space<hbm>>, %arg8: memref<32000xf32, #tpu.memory_space<vmem>>, %arg9: memref<2x1280xi32, #tpu.memory_space<vmem>>, %arg10: memref<2x1280xi32, #tpu.memory_space<vmem>>, %arg11: memref<1000xf32, #tpu.memory_space<vmem>>, %arg12: memref<1600xi32, #tpu.memory_space<vmem>>, %arg13: memref<2x32x1280xf32, #tpu.memory_space<vmem>>, %arg14: memref<16xf32, #tpu.memory_space<vmem>>, %arg15: memref<!tpu.dma_semaphore, #tpu.memory_space<semaphore_mem>>, %arg16: memref<!tpu.dma_semaphore, #tpu.memory_space<semaphore_mem>>, %arg17: memref<!tpu.dma_semaphore, #tpu.memory_space<semaphore_mem>>, %arg18: memref<!tpu.dma_semaphore, #tpu.memory_space<semaphore_mem>>) attributes {dimension_semantics = [#tpu.dimension_semantics<core_parallel>, #tpu.dimension_semantics<subcore_parallel>], iteration_bounds = array<i64: 2, 16>, scalar_prefetch = 0 : i64, scratch_operands = 11 : i64, tpu.core_type = #tpu.core_type<sc_vector_subcore>, window_params = [{transform_indices = #map}, {transform_indices = #map}, {transform_indices = #map}, {transform_indices = #map}, {transform_indices = #map1}, {transform_indices = #map2}]} {
    %mul3A = arith.constant 2 : i32
    %mul3A_0 = arith.muli %arg1, %mul3A : i32
    %add3A = arith.addi %mul3A_0, %arg0 : i32
    %add3A_1 = arith.constant 0 : i32
    %add3A_2 = arith.addi %add3A, %add3A_1 : i32
    %lt3A = arith.constant 125 : i32
    %lt3A_3 = arith.cmpi slt, %add3A_2, %lt3A : i32
    %convert_element_type3A = arith.extui %lt3A_3 : i1 to i32
    %cond3A = arith.constant 0 : i32
    %cond3A_4 = arith.cmpi ne, %convert_element_type3A, %cond3A : i32
    scf.if %cond3A_4 {
      %mul3A_137 = arith.constant 8 : i32
      %mul3A_138 = arith.muli %add3A_2, %mul3A_137 : i32
      %mul3A_139 = arith.constant 1000 : i32
      %mul3A_140 = arith.muli %mul3A_138, %mul3A_139 : i32
      "tpu.region"() ({
        %run_scoped3A = tpu.sem_alloc : memref<!tpu.dma_semaphore, #tpu.memory_space<semaphore_mem>>
        %dma_start3A_141 = arith.constant 0 : i32
        %dma_start3A_142 = tpu.memref_slice %arg8[%dma_start3A_141] : memref<32000xf32, #tpu.memory_space<vmem>> -> memref<8000xf32, #tpu.memory_space<vmem>>
        %dma_start3A_143 = tpu.memref_slice %arg2[%mul3A_140] : memref<1000000xf32, #tpu.memory_space<hbm>> -> memref<8000xf32, #tpu.memory_space<hbm>>
        %dma_start3A_144 = arith.constant 0 : i32
        %dma_start3A_145 = tpu.memref_slice %arg8[%dma_start3A_144] : memref<32000xf32, #tpu.memory_space<vmem>> -> memref<8000xf32, #tpu.memory_space<vmem>>
        %dma_start3A_146 = tpu.memref_slice %arg2[%mul3A_140] : memref<1000000xf32, #tpu.memory_space<hbm>> -> memref<8000xf32, #tpu.memory_space<hbm>>
        tpu.enqueue_dma source(%dma_start3A_146 : memref<8000xf32, #tpu.memory_space<hbm>>) target(%dma_start3A_145 : memref<8000xf32, #tpu.memory_space<vmem>>) target_semaphore(%run_scoped3A : memref<!tpu.dma_semaphore, #tpu.memory_space<semaphore_mem>>)
        %dma_wait3A = arith.constant 0 : i32
        %dma_wait3A_147 = tpu.memref_slice %arg8[%dma_wait3A] : memref<32000xf32, #tpu.memory_space<vmem>> -> memref<8000xf32, #tpu.memory_space<vmem>>
        %dma_wait3A_148 = tpu.memref_slice %arg2[%mul3A_140] : memref<1000000xf32, #tpu.memory_space<hbm>> -> memref<8000xf32, #tpu.memory_space<hbm>>
        %dma_wait3A_149 = arith.constant 0 : i32
        %dma_wait3A_150 = tpu.memref_slice %arg8[%dma_wait3A_149] : memref<32000xf32, #tpu.memory_space<vmem>> -> memref<8000xf32, #tpu.memory_space<vmem>>
        %dma_wait3A_151 = tpu.memref_slice %arg2[%mul3A_140] : memref<1000000xf32, #tpu.memory_space<hbm>> -> memref<8000xf32, #tpu.memory_space<hbm>>
        tpu.wait_dma2 semaphore(%run_scoped3A : memref<!tpu.dma_semaphore, #tpu.memory_space<semaphore_mem>>) src(%dma_wait3A_151 : memref<8000xf32, #tpu.memory_space<hbm>>) dst(%dma_wait3A_150 : memref<8000xf32, #tpu.memory_space<vmem>>)
        tpu.yield
      }) : () -> ()
    } else {
    }
    %add3A_5 = arith.constant 32 : i32
    %add3A_6 = arith.addi %add3A, %add3A_5 : i32
    %lt3A_7 = arith.constant 125 : i32
    %lt3A_8 = arith.cmpi slt, %add3A_6, %lt3A_7 : i32
    %convert_element_type3A_9 = arith.extui %lt3A_8 : i1 to i32
    %cond3A_10 = arith.constant 0 : i32
    %cond3A_11 = arith.cmpi ne, %convert_element_type3A_9, %cond3A_10 : i32
    scf.if %cond3A_11 {
      %mul3A_137 = arith.constant 8 : i32
      %mul3A_138 = arith.muli %add3A_6, %mul3A_137 : i32
      %mul3A_139 = arith.constant 1000 : i32
      %mul3A_140 = arith.muli %mul3A_138, %mul3A_139 : i32
      "tpu.region"() ({
        %run_scoped3A = tpu.sem_alloc : memref<!tpu.dma_semaphore, #tpu.memory_space<semaphore_mem>>
        %dma_start3A_141 = arith.constant 8000 : i32
        %dma_start3A_142 = tpu.memref_slice %arg8[%dma_start3A_141] : memref<32000xf32, #tpu.memory_space<vmem>> -> memref<8000xf32, #tpu.memory_space<vmem>>
        %dma_start3A_143 = tpu.memref_slice %arg2[%mul3A_140] : memref<1000000xf32, #tpu.memory_space<hbm>> -> memref<8000xf32, #tpu.memory_space<hbm>>
        %dma_start3A_144 = arith.constant 8000 : i32
        %dma_start3A_145 = tpu.memref_slice %arg8[%dma_start3A_144] : memref<32000xf32, #tpu.memory_space<vmem>> -> memref<8000xf32, #tpu.memory_space<vmem>>
        %dma_start3A_146 = tpu.memref_slice %arg2[%mul3A_140] : memref<1000000xf32, #tpu.memory_space<hbm>> -> memref<8000xf32, #tpu.memory_space<hbm>>
        tpu.enqueue_dma source(%dma_start3A_146 : memref<8000xf32, #tpu.memory_space<hbm>>) target(%dma_start3A_145 : memref<8000xf32, #tpu.memory_space<vmem>>) target_semaphore(%run_scoped3A : memref<!tpu.dma_semaphore, #tpu.memory_space<semaphore_mem>>)
        %dma_wait3A = arith.constant 8000 : i32
        %dma_wait3A_147 = tpu.memref_slice %arg8[%dma_wait3A] : memref<32000xf32, #tpu.memory_space<vmem>> -> memref<8000xf32, #tpu.memory_space<vmem>>
        %dma_wait3A_148 = tpu.memref_slice %arg2[%mul3A_140] : memref<1000000xf32, #tpu.memory_space<hbm>> -> memref<8000xf32, #tpu.memory_space<hbm>>
        %dma_wait3A_149 = arith.constant 8000 : i32
        %dma_wait3A_150 = tpu.memref_slice %arg8[%dma_wait3A_149] : memref<32000xf32, #tpu.memory_space<vmem>> -> memref<8000xf32, #tpu.memory_space<vmem>>
        %dma_wait3A_151 = tpu.memref_slice %arg2[%mul3A_140] : memref<1000000xf32, #tpu.memory_space<hbm>> -> memref<8000xf32, #tpu.memory_space<hbm>>
        tpu.wait_dma2 semaphore(%run_scoped3A : memref<!tpu.dma_semaphore, #tpu.memory_space<semaphore_mem>>) src(%dma_wait3A_151 : memref<8000xf32, #tpu.memory_space<hbm>>) dst(%dma_wait3A_150 : memref<8000xf32, #tpu.memory_space<vmem>>)
        tpu.yield
      }) : () -> ()
    } else {
    }
    %add3A_12 = arith.constant 64 : i32
    %add3A_13 = arith.addi %add3A, %add3A_12 : i32
    %lt3A_14 = arith.constant 125 : i32
    %lt3A_15 = arith.cmpi slt, %add3A_13, %lt3A_14 : i32
    %convert_element_type3A_16 = arith.extui %lt3A_15 : i1 to i32
    %cond3A_17 = arith.constant 0 : i32
    %cond3A_18 = arith.cmpi ne, %convert_element_type3A_16, %cond3A_17 : i32
    scf.if %cond3A_18 {
      %mul3A_137 = arith.constant 8 : i32
      %mul3A_138 = arith.muli %add3A_13, %mul3A_137 : i32
      %mul3A_139 = arith.constant 1000 : i32
      %mul3A_140 = arith.muli %mul3A_138, %mul3A_139 : i32
      "tpu.region"() ({
        %run_scoped3A = tpu.sem_alloc : memref<!tpu.dma_semaphore, #tpu.memory_space<semaphore_mem>>
        %dma_start3A_141 = arith.constant 16000 : i32
        %dma_start3A_142 = tpu.memref_slice %arg8[%dma_start3A_141] : memref<32000xf32, #tpu.memory_space<vmem>> -> memref<8000xf32, #tpu.memory_space<vmem>>
        %dma_start3A_143 = tpu.memref_slice %arg2[%mul3A_140] : memref<1000000xf32, #tpu.memory_space<hbm>> -> memref<8000xf32, #tpu.memory_space<hbm>>
        %dma_start3A_144 = arith.constant 16000 : i32
        %dma_start3A_145 = tpu.memref_slice %arg8[%dma_start3A_144] : memref<32000xf32, #tpu.memory_space<vmem>> -> memref<8000xf32, #tpu.memory_space<vmem>>
        %dma_start3A_146 = tpu.memref_slice %arg2[%mul3A_140] : memref<1000000xf32, #tpu.memory_space<hbm>> -> memref<8000xf32, #tpu.memory_space<hbm>>
        tpu.enqueue_dma source(%dma_start3A_146 : memref<8000xf32, #tpu.memory_space<hbm>>) target(%dma_start3A_145 : memref<8000xf32, #tpu.memory_space<vmem>>) target_semaphore(%run_scoped3A : memref<!tpu.dma_semaphore, #tpu.memory_space<semaphore_mem>>)
        %dma_wait3A = arith.constant 16000 : i32
        %dma_wait3A_147 = tpu.memref_slice %arg8[%dma_wait3A] : memref<32000xf32, #tpu.memory_space<vmem>> -> memref<8000xf32, #tpu.memory_space<vmem>>
        %dma_wait3A_148 = tpu.memref_slice %arg2[%mul3A_140] : memref<1000000xf32, #tpu.memory_space<hbm>> -> memref<8000xf32, #tpu.memory_space<hbm>>
        %dma_wait3A_149 = arith.constant 16000 : i32
        %dma_wait3A_150 = tpu.memref_slice %arg8[%dma_wait3A_149] : memref<32000xf32, #tpu.memory_space<vmem>> -> memref<8000xf32, #tpu.memory_space<vmem>>
        %dma_wait3A_151 = tpu.memref_slice %arg2[%mul3A_140] : memref<1000000xf32, #tpu.memory_space<hbm>> -> memref<8000xf32, #tpu.memory_space<hbm>>
        tpu.wait_dma2 semaphore(%run_scoped3A : memref<!tpu.dma_semaphore, #tpu.memory_space<semaphore_mem>>) src(%dma_wait3A_151 : memref<8000xf32, #tpu.memory_space<hbm>>) dst(%dma_wait3A_150 : memref<8000xf32, #tpu.memory_space<vmem>>)
        tpu.yield
      }) : () -> ()
    } else {
    }
    %add3A_19 = arith.constant 96 : i32
    %add3A_20 = arith.addi %add3A, %add3A_19 : i32
    %lt3A_21 = arith.constant 125 : i32
    %lt3A_22 = arith.cmpi slt, %add3A_20, %lt3A_21 : i32
    %convert_element_type3A_23 = arith.extui %lt3A_22 : i1 to i32
    %cond3A_24 = arith.constant 0 : i32
    %cond3A_25 = arith.cmpi ne, %convert_element_type3A_23, %cond3A_24 : i32
    scf.if %cond3A_25 {
      %mul3A_137 = arith.constant 8 : i32
      %mul3A_138 = arith.muli %add3A_20, %mul3A_137 : i32
      %mul3A_139 = arith.constant 1000 : i32
      %mul3A_140 = arith.muli %mul3A_138, %mul3A_139 : i32
      "tpu.region"() ({
        %run_scoped3A = tpu.sem_alloc : memref<!tpu.dma_semaphore, #tpu.memory_space<semaphore_mem>>
        %dma_start3A_141 = arith.constant 24000 : i32
        %dma_start3A_142 = tpu.memref_slice %arg8[%dma_start3A_141] : memref<32000xf32, #tpu.memory_space<vmem>> -> memref<8000xf32, #tpu.memory_space<vmem>>
        %dma_start3A_143 = tpu.memref_slice %arg2[%mul3A_140] : memref<1000000xf32, #tpu.memory_space<hbm>> -> memref<8000xf32, #tpu.memory_space<hbm>>
        %dma_start3A_144 = arith.constant 24000 : i32
        %dma_start3A_145 = tpu.memref_slice %arg8[%dma_start3A_144] : memref<32000xf32, #tpu.memory_space<vmem>> -> memref<8000xf32, #tpu.memory_space<vmem>>
        %dma_start3A_146 = tpu.memref_slice %arg2[%mul3A_140] : memref<1000000xf32, #tpu.memory_space<hbm>> -> memref<8000xf32, #tpu.memory_space<hbm>>
        tpu.enqueue_dma source(%dma_start3A_146 : memref<8000xf32, #tpu.memory_space<hbm>>) target(%dma_start3A_145 : memref<8000xf32, #tpu.memory_space<vmem>>) target_semaphore(%run_scoped3A : memref<!tpu.dma_semaphore, #tpu.memory_space<semaphore_mem>>)
        %dma_wait3A = arith.constant 24000 : i32
        %dma_wait3A_147 = tpu.memref_slice %arg8[%dma_wait3A] : memref<32000xf32, #tpu.memory_space<vmem>> -> memref<8000xf32, #tpu.memory_space<vmem>>
        %dma_wait3A_148 = tpu.memref_slice %arg2[%mul3A_140] : memref<1000000xf32, #tpu.memory_space<hbm>> -> memref<8000xf32, #tpu.memory_space<hbm>>
        %dma_wait3A_149 = arith.constant 24000 : i32
        %dma_wait3A_150 = tpu.memref_slice %arg8[%dma_wait3A_149] : memref<32000xf32, #tpu.memory_space<vmem>> -> memref<8000xf32, #tpu.memory_space<vmem>>
        %dma_wait3A_151 = tpu.memref_slice %arg2[%mul3A_140] : memref<1000000xf32, #tpu.memory_space<hbm>> -> memref<8000xf32, #tpu.memory_space<hbm>>
        tpu.wait_dma2 semaphore(%run_scoped3A : memref<!tpu.dma_semaphore, #tpu.memory_space<semaphore_mem>>) src(%dma_wait3A_151 : memref<8000xf32, #tpu.memory_space<hbm>>) dst(%dma_wait3A_150 : memref<8000xf32, #tpu.memory_space<vmem>>)
        tpu.yield
      }) : () -> ()
    } else {
    }
    "tpu.region"() ({
      %run_scoped3A = tpu.sem_alloc : memref<!tpu.dma_semaphore, #tpu.memory_space<semaphore_mem>>
      tpu.enqueue_dma source(%arg5 : memref<1000xf32, #tpu.memory_space<hbm>>) target(%arg11 : memref<1000xf32, #tpu.memory_space<vmem>>) target_semaphore(%run_scoped3A : memref<!tpu.dma_semaphore, #tpu.memory_space<semaphore_mem>>)
      tpu.wait_dma2 semaphore(%run_scoped3A : memref<!tpu.dma_semaphore, #tpu.memory_space<semaphore_mem>>) src(%arg5 : memref<1000xf32, #tpu.memory_space<hbm>>) dst(%arg11 : memref<1000xf32, #tpu.memory_space<vmem>>)
      tpu.yield
    }) : () -> ()
    %mul3A_26 = arith.constant 1600 : i32
    %mul3A_27 = arith.muli %add3A, %mul3A_26 : i32
    "tpu.region"() ({
      %run_scoped3A = tpu.sem_alloc : memref<!tpu.dma_semaphore, #tpu.memory_space<semaphore_mem>>
      %dma_start3A_137 = tpu.memref_slice %arg3[%mul3A_27] : memref<51200xi32, #tpu.memory_space<hbm>> -> memref<1600xi32, #tpu.memory_space<hbm>>
      %dma_start3A_138 = tpu.memref_slice %arg3[%mul3A_27] : memref<51200xi32, #tpu.memory_space<hbm>> -> memref<1600xi32, #tpu.memory_space<hbm>>
      tpu.enqueue_dma source(%dma_start3A_138 : memref<1600xi32, #tpu.memory_space<hbm>>) target(%arg12 : memref<1600xi32, #tpu.memory_space<vmem>>) target_semaphore(%run_scoped3A : memref<!tpu.dma_semaphore, #tpu.memory_space<semaphore_mem>>)
      %dma_wait3A = tpu.memref_slice %arg3[%mul3A_27] : memref<51200xi32, #tpu.memory_space<hbm>> -> memref<1600xi32, #tpu.memory_space<hbm>>
      %dma_wait3A_139 = tpu.memref_slice %arg3[%mul3A_27] : memref<51200xi32, #tpu.memory_space<hbm>> -> memref<1600xi32, #tpu.memory_space<hbm>>
      tpu.wait_dma2 semaphore(%run_scoped3A : memref<!tpu.dma_semaphore, #tpu.memory_space<semaphore_mem>>) src(%dma_wait3A_139 : memref<1600xi32, #tpu.memory_space<hbm>>) dst(%arg12 : memref<1600xi32, #tpu.memory_space<vmem>>)
      tpu.yield
    }) : () -> ()
    %broadcast_in_dim3A = arith.constant 0.000000e+00 : f32
    %broadcast_in_dim3A_28 = vector.broadcast %broadcast_in_dim3A : f32 to vector<16xf32>
    %parallel_loop3A = arith.constant 0 : i32
    %parallel_loop3A_29 = arith.constant 100 : i32
    %parallel_loop3A_30 = arith.constant 1 : i32
    %parallel_loop3A_31 = scf.for %parallel_loop3A_137 = %parallel_loop3A to %parallel_loop3A_29 step %parallel_loop3A_30 iter_args(%parallel_loop3A_138 = %broadcast_in_dim3A_28) -> (vector<16xf32>)  : i32 {
      %parallel_loop3A_139 = arith.constant 16 : i32
      %parallel_loop3A_140 = arith.muli %parallel_loop3A_137, %parallel_loop3A_139 : i32
      %parallel_loop3A_141 = arith.index_cast %parallel_loop3A_140 : i32 to index
      %parallel_loop3A_142 = tpu.vector_load %arg12[%parallel_loop3A_141] {strides = array<i32>} : memref<1600xi32, #tpu.memory_space<vmem>>, vector<16xi32>,
      %parallel_loop3A_143 = tpu.vector_load_idx %arg11[%parallel_loop3A_142] : memref<1000xf32, #tpu.memory_space<vmem>>[vector<16xi32>], vector<16xf32>,
      %parallel_loop3A_144 = arith.addf %parallel_loop3A_138, %parallel_loop3A_143 : vector<16xf32>
      scf.yield %parallel_loop3A_144 : vector<16xf32>
    } {sc.loop_unroll_factor = 8 : i64, sc.parallel_access}
    %dma_start3A = arith.constant 0 : i32
    %dma_start3A_32 = arith.constant 0 : i32
    %dma_start3A_33 = tpu.memref_slice %arg9[%dma_start3A, %dma_start3A_32] : memref<2x1280xi32, #tpu.memory_space<vmem>> -> memref<1x1280xi32, #tpu.memory_space<vmem>>
    %dma_start3A_34 = tpu.memref_squeeze %dma_start3A_33 : memref<1x1280xi32, #tpu.memory_space<vmem>> -> memref<1280xi32, #tpu.memory_space<vmem>>
    %dma_start3A_35 = arith.constant 0 : i32
    %dma_start3A_36 = tpu.memref_slice %arg3[%dma_start3A_35] : memref<51200xi32, #tpu.memory_space<hbm>> -> memref<1280xi32, #tpu.memory_space<hbm>>
    %dma_start3A_37 = arith.constant 0 : i32
    %dma_start3A_38 = tpu.memref_slice %arg9[%dma_start3A, %dma_start3A_37] : memref<2x1280xi32, #tpu.memory_space<vmem>> -> memref<1x1280xi32, #tpu.memory_space<vmem>>
    %dma_start3A_39 = tpu.memref_squeeze %dma_start3A_38 : memref<1x1280xi32, #tpu.memory_space<vmem>> -> memref<1280xi32, #tpu.memory_space<vmem>>
    %dma_start3A_40 = arith.constant 0 : i32
    %dma_start3A_41 = tpu.memref_slice %arg3[%dma_start3A_40] : memref<51200xi32, #tpu.memory_space<hbm>> -> memref<1280xi32, #tpu.memory_space<hbm>>
    tpu.enqueue_dma source(%dma_start3A_41 : memref<1280xi32, #tpu.memory_space<hbm>>) target(%dma_start3A_39 : memref<1280xi32, #tpu.memory_space<vmem>>) target_semaphore(%arg15 : memref<!tpu.dma_semaphore, #tpu.memory_space<semaphore_mem>>)
    %dma_start3A_42 = arith.constant 0 : i32
    %dma_start3A_43 = arith.constant 0 : i32
    %dma_start3A_44 = tpu.memref_slice %arg10[%dma_start3A_42, %dma_start3A_43] : memref<2x1280xi32, #tpu.memory_space<vmem>> -> memref<1x1280xi32, #tpu.memory_space<vmem>>
    %dma_start3A_45 = tpu.memref_squeeze %dma_start3A_44 : memref<1x1280xi32, #tpu.memory_space<vmem>> -> memref<1280xi32, #tpu.memory_space<vmem>>
    %dma_start3A_46 = arith.constant 0 : i32
    %dma_start3A_47 = tpu.memref_slice %arg4[%dma_start3A_46] : memref<51200xi32, #tpu.memory_space<hbm>> -> memref<1280xi32, #tpu.memory_space<hbm>>
    %dma_start3A_48 = arith.constant 0 : i32
    %dma_start3A_49 = tpu.memref_slice %arg10[%dma_start3A_42, %dma_start3A_48] : memref<2x1280xi32, #tpu.memory_space<vmem>> -> memref<1x1280xi32, #tpu.memory_space<vmem>>
    %dma_start3A_50 = tpu.memref_squeeze %dma_start3A_49 : memref<1x1280xi32, #tpu.memory_space<vmem>> -> memref<1280xi32, #tpu.memory_space<vmem>>
    %dma_start3A_51 = arith.constant 0 : i32
    %dma_start3A_52 = tpu.memref_slice %arg4[%dma_start3A_51] : memref<51200xi32, #tpu.memory_space<hbm>> -> memref<1280xi32, #tpu.memory_space<hbm>>
    tpu.enqueue_dma source(%dma_start3A_52 : memref<1280xi32, #tpu.memory_space<hbm>>) target(%dma_start3A_50 : memref<1280xi32, #tpu.memory_space<vmem>>) target_semaphore(%arg15 : memref<!tpu.dma_semaphore, #tpu.memory_space<semaphore_mem>>)
    %dma_start3A_53 = arith.constant 1 : i32
    %dma_start3A_54 = arith.constant 0 : i32
    %dma_start3A_55 = tpu.memref_slice %arg9[%dma_start3A_53, %dma_start3A_54] : memref<2x1280xi32, #tpu.memory_space<vmem>> -> memref<1x1280xi32, #tpu.memory_space<vmem>>
    %dma_start3A_56 = tpu.memref_squeeze %dma_start3A_55 : memref<1x1280xi32, #tpu.memory_space<vmem>> -> memref<1280xi32, #tpu.memory_space<vmem>>
    %dma_start3A_57 = arith.constant 1280 : i32
    %dma_start3A_58 = tpu.memref_slice %arg3[%dma_start3A_57] : memref<51200xi32, #tpu.memory_space<hbm>> -> memref<1280xi32, #tpu.memory_space<hbm>>
    %dma_start3A_59 = arith.constant 0 : i32
    %dma_start3A_60 = tpu.memref_slice %arg9[%dma_start3A_53, %dma_start3A_59] : memref<2x1280xi32, #tpu.memory_space<vmem>> -> memref<1x1280xi32, #tpu.memory_space<vmem>>
    %dma_start3A_61 = tpu.memref_squeeze %dma_start3A_60 : memref<1x1280xi32, #tpu.memory_space<vmem>> -> memref<1280xi32, #tpu.memory_space<vmem>>
    %dma_start3A_62 = arith.constant 1280 : i32
    %dma_start3A_63 = tpu.memref_slice %arg3[%dma_start3A_62] : memref<51200xi32, #tpu.memory_space<hbm>> -> memref<1280xi32, #tpu.memory_space<hbm>>
    tpu.enqueue_dma source(%dma_start3A_63 : memref<1280xi32, #tpu.memory_space<hbm>>) target(%dma_start3A_61 : memref<1280xi32, #tpu.memory_space<vmem>>) target_semaphore(%arg16 : memref<!tpu.dma_semaphore, #tpu.memory_space<semaphore_mem>>)
    %dma_start3A_64 = arith.constant 1 : i32
    %dma_start3A_65 = arith.constant 0 : i32
    %dma_start3A_66 = tpu.memref_slice %arg10[%dma_start3A_64, %dma_start3A_65] : memref<2x1280xi32, #tpu.memory_space<vmem>> -> memref<1x1280xi32, #tpu.memory_space<vmem>>
    %dma_start3A_67 = tpu.memref_squeeze %dma_start3A_66 : memref<1x1280xi32, #tpu.memory_space<vmem>> -> memref<1280xi32, #tpu.memory_space<vmem>>
    %dma_start3A_68 = arith.constant 1280 : i32
    %dma_start3A_69 = tpu.memref_slice %arg4[%dma_start3A_68] : memref<51200xi32, #tpu.memory_space<hbm>> -> memref<1280xi32, #tpu.memory_space<hbm>>
    %dma_start3A_70 = arith.constant 0 : i32
    %dma_start3A_71 = tpu.memref_slice %arg10[%dma_start3A_64, %dma_start3A_70] : memref<2x1280xi32, #tpu.memory_space<vmem>> -> memref<1x1280xi32, #tpu.memory_space<vmem>>
    %dma_start3A_72 = tpu.memref_squeeze %dma_start3A_71 : memref<1x1280xi32, #tpu.memory_space<vmem>> -> memref<1280xi32, #tpu.memory_space<vmem>>
    %dma_start3A_73 = arith.constant 1280 : i32
    %dma_start3A_74 = tpu.memref_slice %arg4[%dma_start3A_73] : memref<51200xi32, #tpu.memory_space<hbm>> -> memref<1280xi32, #tpu.memory_space<hbm>>
    tpu.enqueue_dma source(%dma_start3A_74 : memref<1280xi32, #tpu.memory_space<hbm>>) target(%dma_start3A_72 : memref<1280xi32, #tpu.memory_space<vmem>>) target_semaphore(%arg16 : memref<!tpu.dma_semaphore, #tpu.memory_space<semaphore_mem>>)
    %scan3A = arith.constant 0 : i32
    %scan3A_75 = arith.constant 40 : i32
    %scan3A_76 = arith.addi %scan3A, %scan3A_75 : i32
    %scan3A_77 = arith.constant 1 : i32
    %scan3A_78 = scf.for %scan3A_137 = %scan3A to %scan3A_76 step %scan3A_77 iter_args(%scan3A_138 = %parallel_loop3A_31) -> (vector<16xf32>)  : i32 {
      %rem3A = arith.constant 2 : i32
      %rem3A_139 = arith.remsi %scan3A_137, %rem3A : i32
      %eq3A = arith.constant 0 : i32
      %eq3A_140 = arith.cmpi eq, %rem3A_139, %eq3A : i32
      %convert_element_type3A_141 = arith.extui %eq3A_140 : i1 to i32
      %cond3A_142 = arith.constant 0 : i32
      %cond3A_143 = arith.cmpi ne, %convert_element_type3A_141, %cond3A_142 : i32
      scf.if %cond3A_143 {
        %dma_wait3A = arith.constant 0 : i32
        %dma_wait3A_177 = arith.constant 0 : i32
        %dma_wait3A_178 = tpu.memref_slice %arg9[%dma_wait3A, %dma_wait3A_177] : memref<2x1280xi32, #tpu.memory_space<vmem>> -> memref<1x1280xi32, #tpu.memory_space<vmem>>
        %dma_wait3A_179 = tpu.memref_squeeze %dma_wait3A_178 : memref<1x1280xi32, #tpu.memory_space<vmem>> -> memref<1280xi32, #tpu.memory_space<vmem>>
        %dma_wait3A_180 = arith.constant 0 : i32
        %dma_wait3A_181 = tpu.memref_slice %arg3[%dma_wait3A_180] : memref<51200xi32, #tpu.memory_space<hbm>> -> memref<1280xi32, #tpu.memory_space<hbm>>
        %dma_wait3A_182 = arith.constant 0 : i32
        %dma_wait3A_183 = tpu.memref_slice %arg9[%dma_wait3A, %dma_wait3A_182] : memref<2x1280xi32, #tpu.memory_space<vmem>> -> memref<1x1280xi32, #tpu.memory_space<vmem>>
        %dma_wait3A_184 = tpu.memref_squeeze %dma_wait3A_183 : memref<1x1280xi32, #tpu.memory_space<vmem>> -> memref<1280xi32, #tpu.memory_space<vmem>>
        %dma_wait3A_185 = arith.constant 0 : i32
        %dma_wait3A_186 = tpu.memref_slice %arg3[%dma_wait3A_185] : memref<51200xi32, #tpu.memory_space<hbm>> -> memref<1280xi32, #tpu.memory_space<hbm>>
        tpu.wait_dma2 semaphore(%arg15 : memref<!tpu.dma_semaphore, #tpu.memory_space<semaphore_mem>>) src(%dma_wait3A_186 : memref<1280xi32, #tpu.memory_space<hbm>>) dst(%dma_wait3A_184 : memref<1280xi32, #tpu.memory_space<vmem>>)
        %dma_wait3A_187 = arith.constant 0 : i32
        %dma_wait3A_188 = arith.constant 0 : i32
        %dma_wait3A_189 = tpu.memref_slice %arg10[%dma_wait3A_187, %dma_wait3A_188] : memref<2x1280xi32, #tpu.memory_space<vmem>> -> memref<1x1280xi32, #tpu.memory_space<vmem>>
        %dma_wait3A_190 = tpu.memref_squeeze %dma_wait3A_189 : memref<1x1280xi32, #tpu.memory_space<vmem>> -> memref<1280xi32, #tpu.memory_space<vmem>>
        %dma_wait3A_191 = arith.constant 0 : i32
        %dma_wait3A_192 = tpu.memref_slice %arg4[%dma_wait3A_191] : memref<51200xi32, #tpu.memory_space<hbm>> -> memref<1280xi32, #tpu.memory_space<hbm>>
        %dma_wait3A_193 = arith.constant 0 : i32
        %dma_wait3A_194 = tpu.memref_slice %arg10[%dma_wait3A_187, %dma_wait3A_193] : memref<2x1280xi32, #tpu.memory_space<vmem>> -> memref<1x1280xi32, #tpu.memory_space<vmem>>
        %dma_wait3A_195 = tpu.memref_squeeze %dma_wait3A_194 : memref<1x1280xi32, #tpu.memory_space<vmem>> -> memref<1280xi32, #tpu.memory_space<vmem>>
        %dma_wait3A_196 = arith.constant 0 : i32
        %dma_wait3A_197 = tpu.memref_slice %arg4[%dma_wait3A_196] : memref<51200xi32, #tpu.memory_space<hbm>> -> memref<1280xi32, #tpu.memory_space<hbm>>
        tpu.wait_dma2 semaphore(%arg15 : memref<!tpu.dma_semaphore, #tpu.memory_space<semaphore_mem>>) src(%dma_wait3A_197 : memref<1280xi32, #tpu.memory_space<hbm>>) dst(%dma_wait3A_195 : memref<1280xi32, #tpu.memory_space<vmem>>)
      } else {
      }
      %eq3A_144 = arith.constant 1 : i32
      %eq3A_145 = arith.cmpi eq, %rem3A_139, %eq3A_144 : i32
      %convert_element_type3A_146 = arith.extui %eq3A_145 : i1 to i32
      %cond3A_147 = arith.constant 0 : i32
      %cond3A_148 = arith.cmpi ne, %convert_element_type3A_146, %cond3A_147 : i32
      scf.if %cond3A_148 {
        %dma_wait3A = arith.constant 1 : i32
        %dma_wait3A_177 = arith.constant 0 : i32
        %dma_wait3A_178 = tpu.memref_slice %arg9[%dma_wait3A, %dma_wait3A_177] : memref<2x1280xi32, #tpu.memory_space<vmem>> -> memref<1x1280xi32, #tpu.memory_space<vmem>>
        %dma_wait3A_179 = tpu.memref_squeeze %dma_wait3A_178 : memref<1x1280xi32, #tpu.memory_space<vmem>> -> memref<1280xi32, #tpu.memory_space<vmem>>
        %dma_wait3A_180 = arith.constant 0 : i32
        %dma_wait3A_181 = tpu.memref_slice %arg3[%dma_wait3A_180] : memref<51200xi32, #tpu.memory_space<hbm>> -> memref<1280xi32, #tpu.memory_space<hbm>>
        %dma_wait3A_182 = arith.constant 0 : i32
        %dma_wait3A_183 = tpu.memref_slice %arg9[%dma_wait3A, %dma_wait3A_182] : memref<2x1280xi32, #tpu.memory_space<vmem>> -> memref<1x1280xi32, #tpu.memory_space<vmem>>
        %dma_wait3A_184 = tpu.memref_squeeze %dma_wait3A_183 : memref<1x1280xi32, #tpu.memory_space<vmem>> -> memref<1280xi32, #tpu.memory_space<vmem>>
        %dma_wait3A_185 = arith.constant 0 : i32
        %dma_wait3A_186 = tpu.memref_slice %arg3[%dma_wait3A_185] : memref<51200xi32, #tpu.memory_space<hbm>> -> memref<1280xi32, #tpu.memory_space<hbm>>
        tpu.wait_dma2 semaphore(%arg16 : memref<!tpu.dma_semaphore, #tpu.memory_space<semaphore_mem>>) src(%dma_wait3A_186 : memref<1280xi32, #tpu.memory_space<hbm>>) dst(%dma_wait3A_184 : memref<1280xi32, #tpu.memory_space<vmem>>)
        %dma_wait3A_187 = arith.constant 1 : i32
        %dma_wait3A_188 = arith.constant 0 : i32
        %dma_wait3A_189 = tpu.memref_slice %arg10[%dma_wait3A_187, %dma_wait3A_188] : memref<2x1280xi32, #tpu.memory_space<vmem>> -> memref<1x1280xi32, #tpu.memory_space<vmem>>
        %dma_wait3A_190 = tpu.memref_squeeze %dma_wait3A_189 : memref<1x1280xi32, #tpu.memory_space<vmem>> -> memref<1280xi32, #tpu.memory_space<vmem>>
        %dma_wait3A_191 = arith.constant 0 : i32
        %dma_wait3A_192 = tpu.memref_slice %arg4[%dma_wait3A_191] : memref<51200xi32, #tpu.memory_space<hbm>> -> memref<1280xi32, #tpu.memory_space<hbm>>
        %dma_wait3A_193 = arith.constant 0 : i32
        %dma_wait3A_194 = tpu.memref_slice %arg10[%dma_wait3A_187, %dma_wait3A_193] : memref<2x1280xi32, #tpu.memory_space<vmem>> -> memref<1x1280xi32, #tpu.memory_space<vmem>>
        %dma_wait3A_195 = tpu.memref_squeeze %dma_wait3A_194 : memref<1x1280xi32, #tpu.memory_space<vmem>> -> memref<1280xi32, #tpu.memory_space<vmem>>
        %dma_wait3A_196 = arith.constant 0 : i32
        %dma_wait3A_197 = tpu.memref_slice %arg4[%dma_wait3A_196] : memref<51200xi32, #tpu.memory_space<hbm>> -> memref<1280xi32, #tpu.memory_space<hbm>>
        tpu.wait_dma2 semaphore(%arg16 : memref<!tpu.dma_semaphore, #tpu.memory_space<semaphore_mem>>) src(%dma_wait3A_197 : memref<1280xi32, #tpu.memory_space<hbm>>) dst(%dma_wait3A_195 : memref<1280xi32, #tpu.memory_space<vmem>>)
      } else {
      }
      %eq3A_149 = arith.constant 0 : i32
      %eq3A_150 = arith.cmpi eq, %rem3A_139, %eq3A_149 : i32
      %ge3A = arith.constant 2 : i32
      %ge3A_151 = arith.cmpi sge, %scan3A_137, %ge3A : i32
      %and3A = arith.andi %eq3A_150, %ge3A_151 : i1
      %convert_element_type3A_152 = arith.extui %and3A : i1 to i32
      %cond3A_153 = arith.constant 0 : i32
      %cond3A_154 = arith.cmpi ne, %convert_element_type3A_152, %cond3A_153 : i32
      scf.if %cond3A_154 {
        %add3A_177 = arith.constant 0 : i32
        %add3A_178 = arith.addi %add3A, %add3A_177 : i32
        %lt3A_179 = arith.constant 125 : i32
        %lt3A_180 = arith.cmpi slt, %add3A_178, %lt3A_179 : i32
        %convert_element_type3A_181 = arith.extui %lt3A_180 : i1 to i32
        %cond3A_182 = arith.constant 0 : i32
        %cond3A_183 = arith.cmpi ne, %convert_element_type3A_181, %cond3A_182 : i32
        scf.if %cond3A_183 {
          %dma_wait3A = arith.constant 0 : i32
          %dma_wait3A_205 = arith.constant 0 : i32
          %dma_wait3A_206 = arith.constant 0 : i32
          %dma_wait3A_207 = tpu.memref_slice %arg13[%dma_wait3A, %dma_wait3A_205, %dma_wait3A_206] : memref<2x32x1280xf32, #tpu.memory_space<vmem>> -> memref<1x8x1280xf32, #tpu.memory_space<vmem>>
          %dma_wait3A_208 = tpu.memref_squeeze %dma_wait3A_207 : memref<1x8x1280xf32, #tpu.memory_space<vmem>> -> memref<8x1280xf32, #tpu.memory_space<vmem>>
          %dma_wait3A_209 = arith.constant 0 : i32
          %dma_wait3A_210 = arith.constant 0 : i32
          %dma_wait3A_211 = tpu.memref_slice %arg6[%add3A_178, %dma_wait3A_209, %dma_wait3A_210] : memref<125x8x51200xf32, #tpu.memory_space<hbm>> -> memref<1x8x1280xf32, #tpu.memory_space<hbm>>
          %dma_wait3A_212 = tpu.memref_squeeze %dma_wait3A_211 : memref<1x8x1280xf32, #tpu.memory_space<hbm>> -> memref<8x1280xf32, #tpu.memory_space<hbm>>
          %dma_wait3A_213 = arith.constant 0 : i32
          %dma_wait3A_214 = arith.constant 0 : i32
          %dma_wait3A_215 = tpu.memref_slice %arg6[%add3A_178, %dma_wait3A_213, %dma_wait3A_214] : memref<125x8x51200xf32, #tpu.memory_space<hbm>> -> memref<1x8x1280xf32, #tpu.memory_space<hbm>>
          %dma_wait3A_216 = tpu.memref_squeeze %dma_wait3A_215 : memref<1x8x1280xf32, #tpu.memory_space<hbm>> -> memref<8x1280xf32, #tpu.memory_space<hbm>>
          %dma_wait3A_217 = arith.constant 0 : i32
          %dma_wait3A_218 = arith.constant 0 : i32
          %dma_wait3A_219 = tpu.memref_slice %arg13[%dma_wait3A, %dma_wait3A_217, %dma_wait3A_218] : memref<2x32x1280xf32, #tpu.memory_space<vmem>> -> memref<1x8x1280xf32, #tpu.memory_space<vmem>>
          %dma_wait3A_220 = tpu.memref_squeeze %dma_wait3A_219 : memref<1x8x1280xf32, #tpu.memory_space<vmem>> -> memref<8x1280xf32, #tpu.memory_space<vmem>>
          tpu.wait_dma2 semaphore(%arg17 : memref<!tpu.dma_semaphore, #tpu.memory_space<semaphore_mem>>) src(%dma_wait3A_220 : memref<8x1280xf32, #tpu.memory_space<vmem>>) dst(%dma_wait3A_216 : memref<8x1280xf32, #tpu.memory_space<hbm>>)
        } else {
        }
        %add3A_184 = arith.constant 32 : i32
        %add3A_185 = arith.addi %add3A, %add3A_184 : i32
        %lt3A_186 = arith.constant 125 : i32
        %lt3A_187 = arith.cmpi slt, %add3A_185, %lt3A_186 : i32
        %convert_element_type3A_188 = arith.extui %lt3A_187 : i1 to i32
        %cond3A_189 = arith.constant 0 : i32
        %cond3A_190 = arith.cmpi ne, %convert_element_type3A_188, %cond3A_189 : i32
        scf.if %cond3A_190 {
          %dma_wait3A = arith.constant 0 : i32
          %dma_wait3A_205 = arith.constant 8 : i32
          %dma_wait3A_206 = arith.constant 0 : i32
          %dma_wait3A_207 = tpu.memref_slice %arg13[%dma_wait3A, %dma_wait3A_205, %dma_wait3A_206] : memref<2x32x1280xf32, #tpu.memory_space<vmem>> -> memref<1x8x1280xf32, #tpu.memory_space<vmem>>
          %dma_wait3A_208 = tpu.memref_squeeze %dma_wait3A_207 : memref<1x8x1280xf32, #tpu.memory_space<vmem>> -> memref<8x1280xf32, #tpu.memory_space<vmem>>
          %dma_wait3A_209 = arith.constant 0 : i32
          %dma_wait3A_210 = arith.constant 0 : i32
          %dma_wait3A_211 = tpu.memref_slice %arg6[%add3A_185, %dma_wait3A_209, %dma_wait3A_210] : memref<125x8x51200xf32, #tpu.memory_space<hbm>> -> memref<1x8x1280xf32, #tpu.memory_space<hbm>>
          %dma_wait3A_212 = tpu.memref_squeeze %dma_wait3A_211 : memref<1x8x1280xf32, #tpu.memory_space<hbm>> -> memref<8x1280xf32, #tpu.memory_space<hbm>>
          %dma_wait3A_213 = arith.constant 0 : i32
          %dma_wait3A_214 = arith.constant 0 : i32
          %dma_wait3A_215 = tpu.memref_slice %arg6[%add3A_185, %dma_wait3A_213, %dma_wait3A_214] : memref<125x8x51200xf32, #tpu.memory_space<hbm>> -> memref<1x8x1280xf32, #tpu.memory_space<hbm>>
          %dma_wait3A_216 = tpu.memref_squeeze %dma_wait3A_215 : memref<1x8x1280xf32, #tpu.memory_space<hbm>> -> memref<8x1280xf32, #tpu.memory_space<hbm>>
          %dma_wait3A_217 = arith.constant 8 : i32
          %dma_wait3A_218 = arith.constant 0 : i32
          %dma_wait3A_219 = tpu.memref_slice %arg13[%dma_wait3A, %dma_wait3A_217, %dma_wait3A_218] : memref<2x32x1280xf32, #tpu.memory_space<vmem>> -> memref<1x8x1280xf32, #tpu.memory_space<vmem>>
          %dma_wait3A_220 = tpu.memref_squeeze %dma_wait3A_219 : memref<1x8x1280xf32, #tpu.memory_space<vmem>> -> memref<8x1280xf32, #tpu.memory_space<vmem>>
          tpu.wait_dma2 semaphore(%arg17 : memref<!tpu.dma_semaphore, #tpu.memory_space<semaphore_mem>>) src(%dma_wait3A_220 : memref<8x1280xf32, #tpu.memory_space<vmem>>) dst(%dma_wait3A_216 : memref<8x1280xf32, #tpu.memory_space<hbm>>)
        } else {
        }
        %add3A_191 = arith.constant 64 : i32
        %add3A_192 = arith.addi %add3A, %add3A_191 : i32
        %lt3A_193 = arith.constant 125 : i32
        %lt3A_194 = arith.cmpi slt, %add3A_192, %lt3A_193 : i32
        %convert_element_type3A_195 = arith.extui %lt3A_194 : i1 to i32
        %cond3A_196 = arith.constant 0 : i32
        %cond3A_197 = arith.cmpi ne, %convert_element_type3A_195, %cond3A_196 : i32
        scf.if %cond3A_197 {
          %dma_wait3A = arith.constant 0 : i32
          %dma_wait3A_205 = arith.constant 16 : i32
          %dma_wait3A_206 = arith.constant 0 : i32
          %dma_wait3A_207 = tpu.memref_slice %arg13[%dma_wait3A, %dma_wait3A_205, %dma_wait3A_206] : memref<2x32x1280xf32, #tpu.memory_space<vmem>> -> memref<1x8x1280xf32, #tpu.memory_space<vmem>>
          %dma_wait3A_208 = tpu.memref_squeeze %dma_wait3A_207 : memref<1x8x1280xf32, #tpu.memory_space<vmem>> -> memref<8x1280xf32, #tpu.memory_space<vmem>>
          %dma_wait3A_209 = arith.constant 0 : i32
          %dma_wait3A_210 = arith.constant 0 : i32
          %dma_wait3A_211 = tpu.memref_slice %arg6[%add3A_192, %dma_wait3A_209, %dma_wait3A_210] : memref<125x8x51200xf32, #tpu.memory_space<hbm>> -> memref<1x8x1280xf32, #tpu.memory_space<hbm>>
          %dma_wait3A_212 = tpu.memref_squeeze %dma_wait3A_211 : memref<1x8x1280xf32, #tpu.memory_space<hbm>> -> memref<8x1280xf32, #tpu.memory_space<hbm>>
          %dma_wait3A_213 = arith.constant 0 : i32
          %dma_wait3A_214 = arith.constant 0 : i32
          %dma_wait3A_215 = tpu.memref_slice %arg6[%add3A_192, %dma_wait3A_213, %dma_wait3A_214] : memref<125x8x51200xf32, #tpu.memory_space<hbm>> -> memref<1x8x1280xf32, #tpu.memory_space<hbm>>
          %dma_wait3A_216 = tpu.memref_squeeze %dma_wait3A_215 : memref<1x8x1280xf32, #tpu.memory_space<hbm>> -> memref<8x1280xf32, #tpu.memory_space<hbm>>
          %dma_wait3A_217 = arith.constant 16 : i32
          %dma_wait3A_218 = arith.constant 0 : i32
          %dma_wait3A_219 = tpu.memref_slice %arg13[%dma_wait3A, %dma_wait3A_217, %dma_wait3A_218] : memref<2x32x1280xf32, #tpu.memory_space<vmem>> -> memref<1x8x1280xf32, #tpu.memory_space<vmem>>
          %dma_wait3A_220 = tpu.memref_squeeze %dma_wait3A_219 : memref<1x8x1280xf32, #tpu.memory_space<vmem>> -> memref<8x1280xf32, #tpu.memory_space<vmem>>
          tpu.wait_dma2 semaphore(%arg17 : memref<!tpu.dma_semaphore, #tpu.memory_space<semaphore_mem>>) src(%dma_wait3A_220 : memref<8x1280xf32, #tpu.memory_space<vmem>>) dst(%dma_wait3A_216 : memref<8x1280xf32, #tpu.memory_space<hbm>>)
        } else {
        }
        %add3A_198 = arith.constant 96 : i32
        %add3A_199 = arith.addi %add3A, %add3A_198 : i32
        %lt3A_200 = arith.constant 125 : i32
        %lt3A_201 = arith.cmpi slt, %add3A_199, %lt3A_200 : i32
        %convert_element_type3A_202 = arith.extui %lt3A_201 : i1 to i32
        %cond3A_203 = arith.constant 0 : i32
        %cond3A_204 = arith.cmpi ne, %convert_element_type3A_202, %cond3A_203 : i32
        scf.if %cond3A_204 {
          %dma_wait3A = arith.constant 0 : i32
          %dma_wait3A_205 = arith.constant 24 : i32
          %dma_wait3A_206 = arith.constant 0 : i32
          %dma_wait3A_207 = tpu.memref_slice %arg13[%dma_wait3A, %dma_wait3A_205, %dma_wait3A_206] : memref<2x32x1280xf32, #tpu.memory_space<vmem>> -> memref<1x8x1280xf32, #tpu.memory_space<vmem>>
          %dma_wait3A_208 = tpu.memref_squeeze %dma_wait3A_207 : memref<1x8x1280xf32, #tpu.memory_space<vmem>> -> memref<8x1280xf32, #tpu.memory_space<vmem>>
          %dma_wait3A_209 = arith.constant 0 : i32
          %dma_wait3A_210 = arith.constant 0 : i32
          %dma_wait3A_211 = tpu.memref_slice %arg6[%add3A_199, %dma_wait3A_209, %dma_wait3A_210] : memref<125x8x51200xf32, #tpu.memory_space<hbm>> -> memref<1x8x1280xf32, #tpu.memory_space<hbm>>
          %dma_wait3A_212 = tpu.memref_squeeze %dma_wait3A_211 : memref<1x8x1280xf32, #tpu.memory_space<hbm>> -> memref<8x1280xf32, #tpu.memory_space<hbm>>
          %dma_wait3A_213 = arith.constant 0 : i32
          %dma_wait3A_214 = arith.constant 0 : i32
          %dma_wait3A_215 = tpu.memref_slice %arg6[%add3A_199, %dma_wait3A_213, %dma_wait3A_214] : memref<125x8x51200xf32, #tpu.memory_space<hbm>> -> memref<1x8x1280xf32, #tpu.memory_space<hbm>>
          %dma_wait3A_216 = tpu.memref_squeeze %dma_wait3A_215 : memref<1x8x1280xf32, #tpu.memory_space<hbm>> -> memref<8x1280xf32, #tpu.memory_space<hbm>>
          %dma_wait3A_217 = arith.constant 24 : i32
          %dma_wait3A_218 = arith.constant 0 : i32
          %dma_wait3A_219 = tpu.memref_slice %arg13[%dma_wait3A, %dma_wait3A_217, %dma_wait3A_218] : memref<2x32x1280xf32, #tpu.memory_space<vmem>> -> memref<1x8x1280xf32, #tpu.memory_space<vmem>>
          %dma_wait3A_220 = tpu.memref_squeeze %dma_wait3A_219 : memref<1x8x1280xf32, #tpu.memory_space<vmem>> -> memref<8x1280xf32, #tpu.memory_space<vmem>>
          tpu.wait_dma2 semaphore(%arg17 : memref<!tpu.dma_semaphore, #tpu.memory_space<semaphore_mem>>) src(%dma_wait3A_220 : memref<8x1280xf32, #tpu.memory_space<vmem>>) dst(%dma_wait3A_216 : memref<8x1280xf32, #tpu.memory_space<hbm>>)
        } else {
        }
      } else {
      }
      %eq3A_155 = arith.constant 1 : i32
      %eq3A_156 = arith.cmpi eq, %rem3A_139, %eq3A_155 : i32
      %ge3A_157 = arith.constant 2 : i32
      %ge3A_158 = arith.cmpi sge, %scan3A_137, %ge3A_157 : i32
      %and3A_159 = arith.andi %eq3A_156, %ge3A_158 : i1
      %convert_element_type3A_160 = arith.extui %and3A_159 : i1 to i32
      %cond3A_161 = arith.constant 0 : i32
      %cond3A_162 = arith.cmpi ne, %convert_element_type3A_160, %cond3A_161 : i32
      scf.if %cond3A_162 {
        %add3A_177 = arith.constant 0 : i32
        %add3A_178 = arith.addi %add3A, %add3A_177 : i32
        %lt3A_179 = arith.constant 125 : i32
        %lt3A_180 = arith.cmpi slt, %add3A_178, %lt3A_179 : i32
        %convert_element_type3A_181 = arith.extui %lt3A_180 : i1 to i32
        %cond3A_182 = arith.constant 0 : i32
        %cond3A_183 = arith.cmpi ne, %convert_element_type3A_181, %cond3A_182 : i32
        scf.if %cond3A_183 {
          %dma_wait3A = arith.constant 1 : i32
          %dma_wait3A_205 = arith.constant 0 : i32
          %dma_wait3A_206 = arith.constant 0 : i32
          %dma_wait3A_207 = tpu.memref_slice %arg13[%dma_wait3A, %dma_wait3A_205, %dma_wait3A_206] : memref<2x32x1280xf32, #tpu.memory_space<vmem>> -> memref<1x8x1280xf32, #tpu.memory_space<vmem>>
          %dma_wait3A_208 = tpu.memref_squeeze %dma_wait3A_207 : memref<1x8x1280xf32, #tpu.memory_space<vmem>> -> memref<8x1280xf32, #tpu.memory_space<vmem>>
          %dma_wait3A_209 = arith.constant 0 : i32
          %dma_wait3A_210 = arith.constant 0 : i32
          %dma_wait3A_211 = tpu.memref_slice %arg6[%add3A_178, %dma_wait3A_209, %dma_wait3A_210] : memref<125x8x51200xf32, #tpu.memory_space<hbm>> -> memref<1x8x1280xf32, #tpu.memory_space<hbm>>
          %dma_wait3A_212 = tpu.memref_squeeze %dma_wait3A_211 : memref<1x8x1280xf32, #tpu.memory_space<hbm>> -> memref<8x1280xf32, #tpu.memory_space<hbm>>
          %dma_wait3A_213 = arith.constant 0 : i32
          %dma_wait3A_214 = arith.constant 0 : i32
          %dma_wait3A_215 = tpu.memref_slice %arg6[%add3A_178, %dma_wait3A_213, %dma_wait3A_214] : memref<125x8x51200xf32, #tpu.memory_space<hbm>> -> memref<1x8x1280xf32, #tpu.memory_space<hbm>>
          %dma_wait3A_216 = tpu.memref_squeeze %dma_wait3A_215 : memref<1x8x1280xf32, #tpu.memory_space<hbm>> -> memref<8x1280xf32, #tpu.memory_space<hbm>>
          %dma_wait3A_217 = arith.constant 0 : i32
          %dma_wait3A_218 = arith.constant 0 : i32
          %dma_wait3A_219 = tpu.memref_slice %arg13[%dma_wait3A, %dma_wait3A_217, %dma_wait3A_218] : memref<2x32x1280xf32, #tpu.memory_space<vmem>> -> memref<1x8x1280xf32, #tpu.memory_space<vmem>>
          %dma_wait3A_220 = tpu.memref_squeeze %dma_wait3A_219 : memref<1x8x1280xf32, #tpu.memory_space<vmem>> -> memref<8x1280xf32, #tpu.memory_space<vmem>>
          tpu.wait_dma2 semaphore(%arg18 : memref<!tpu.dma_semaphore, #tpu.memory_space<semaphore_mem>>) src(%dma_wait3A_220 : memref<8x1280xf32, #tpu.memory_space<vmem>>) dst(%dma_wait3A_216 : memref<8x1280xf32, #tpu.memory_space<hbm>>)
        } else {
        }
        %add3A_184 = arith.constant 32 : i32
        %add3A_185 = arith.addi %add3A, %add3A_184 : i32
        %lt3A_186 = arith.constant 125 : i32
        %lt3A_187 = arith.cmpi slt, %add3A_185, %lt3A_186 : i32
        %convert_element_type3A_188 = arith.extui %lt3A_187 : i1 to i32
        %cond3A_189 = arith.constant 0 : i32
        %cond3A_190 = arith.cmpi ne, %convert_element_type3A_188, %cond3A_189 : i32
        scf.if %cond3A_190 {
          %dma_wait3A = arith.constant 1 : i32
          %dma_wait3A_205 = arith.constant 8 : i32
          %dma_wait3A_206 = arith.constant 0 : i32
          %dma_wait3A_207 = tpu.memref_slice %arg13[%dma_wait3A, %dma_wait3A_205, %dma_wait3A_206] : memref<2x32x1280xf32, #tpu.memory_space<vmem>> -> memref<1x8x1280xf32, #tpu.memory_space<vmem>>
          %dma_wait3A_208 = tpu.memref_squeeze %dma_wait3A_207 : memref<1x8x1280xf32, #tpu.memory_space<vmem>> -> memref<8x1280xf32, #tpu.memory_space<vmem>>
          %dma_wait3A_209 = arith.constant 0 : i32
          %dma_wait3A_210 = arith.constant 0 : i32
          %dma_wait3A_211 = tpu.memref_slice %arg6[%add3A_185, %dma_wait3A_209, %dma_wait3A_210] : memref<125x8x51200xf32, #tpu.memory_space<hbm>> -> memref<1x8x1280xf32, #tpu.memory_space<hbm>>
          %dma_wait3A_212 = tpu.memref_squeeze %dma_wait3A_211 : memref<1x8x1280xf32, #tpu.memory_space<hbm>> -> memref<8x1280xf32, #tpu.memory_space<hbm>>
          %dma_wait3A_213 = arith.constant 0 : i32
          %dma_wait3A_214 = arith.constant 0 : i32
          %dma_wait3A_215 = tpu.memref_slice %arg6[%add3A_185, %dma_wait3A_213, %dma_wait3A_214] : memref<125x8x51200xf32, #tpu.memory_space<hbm>> -> memref<1x8x1280xf32, #tpu.memory_space<hbm>>
          %dma_wait3A_216 = tpu.memref_squeeze %dma_wait3A_215 : memref<1x8x1280xf32, #tpu.memory_space<hbm>> -> memref<8x1280xf32, #tpu.memory_space<hbm>>
          %dma_wait3A_217 = arith.constant 8 : i32
          %dma_wait3A_218 = arith.constant 0 : i32
          %dma_wait3A_219 = tpu.memref_slice %arg13[%dma_wait3A, %dma_wait3A_217, %dma_wait3A_218] : memref<2x32x1280xf32, #tpu.memory_space<vmem>> -> memref<1x8x1280xf32, #tpu.memory_space<vmem>>
          %dma_wait3A_220 = tpu.memref_squeeze %dma_wait3A_219 : memref<1x8x1280xf32, #tpu.memory_space<vmem>> -> memref<8x1280xf32, #tpu.memory_space<vmem>>
          tpu.wait_dma2 semaphore(%arg18 : memref<!tpu.dma_semaphore, #tpu.memory_space<semaphore_mem>>) src(%dma_wait3A_220 : memref<8x1280xf32, #tpu.memory_space<vmem>>) dst(%dma_wait3A_216 : memref<8x1280xf32, #tpu.memory_space<hbm>>)
        } else {
        }
        %add3A_191 = arith.constant 64 : i32
        %add3A_192 = arith.addi %add3A, %add3A_191 : i32
        %lt3A_193 = arith.constant 125 : i32
        %lt3A_194 = arith.cmpi slt, %add3A_192, %lt3A_193 : i32
        %convert_element_type3A_195 = arith.extui %lt3A_194 : i1 to i32
        %cond3A_196 = arith.constant 0 : i32
        %cond3A_197 = arith.cmpi ne, %convert_element_type3A_195, %cond3A_196 : i32
        scf.if %cond3A_197 {
          %dma_wait3A = arith.constant 1 : i32
          %dma_wait3A_205 = arith.constant 16 : i32
          %dma_wait3A_206 = arith.constant 0 : i32
          %dma_wait3A_207 = tpu.memref_slice %arg13[%dma_wait3A, %dma_wait3A_205, %dma_wait3A_206] : memref<2x32x1280xf32, #tpu.memory_space<vmem>> -> memref<1x8x1280xf32, #tpu.memory_space<vmem>>
          %dma_wait3A_208 = tpu.memref_squeeze %dma_wait3A_207 : memref<1x8x1280xf32, #tpu.memory_space<vmem>> -> memref<8x1280xf32, #tpu.memory_space<vmem>>
          %dma_wait3A_209 = arith.constant 0 : i32
          %dma_wait3A_210 = arith.constant 0 : i32
          %dma_wait3A_211 = tpu.memref_slice %arg6[%add3A_192, %dma_wait3A_209, %dma_wait3A_210] : memref<125x8x51200xf32, #tpu.memory_space<hbm>> -> memref<1x8x1280xf32, #tpu.memory_space<hbm>>
          %dma_wait3A_212 = tpu.memref_squeeze %dma_wait3A_211 : memref<1x8x1280xf32, #tpu.memory_space<hbm>> -> memref<8x1280xf32, #tpu.memory_space<hbm>>
          %dma_wait3A_213 = arith.constant 0 : i32
          %dma_wait3A_214 = arith.constant 0 : i32
          %dma_wait3A_215 = tpu.memref_slice %arg6[%add3A_192, %dma_wait3A_213, %dma_wait3A_214] : memref<125x8x51200xf32, #tpu.memory_space<hbm>> -> memref<1x8x1280xf32, #tpu.memory_space<hbm>>
          %dma_wait3A_216 = tpu.memref_squeeze %dma_wait3A_215 : memref<1x8x1280xf32, #tpu.memory_space<hbm>> -> memref<8x1280xf32, #tpu.memory_space<hbm>>
          %dma_wait3A_217 = arith.constant 16 : i32
          %dma_wait3A_218 = arith.constant 0 : i32
          %dma_wait3A_219 = tpu.memref_slice %arg13[%dma_wait3A, %dma_wait3A_217, %dma_wait3A_218] : memref<2x32x1280xf32, #tpu.memory_space<vmem>> -> memref<1x8x1280xf32, #tpu.memory_space<vmem>>
          %dma_wait3A_220 = tpu.memref_squeeze %dma_wait3A_219 : memref<1x8x1280xf32, #tpu.memory_space<vmem>> -> memref<8x1280xf32, #tpu.memory_space<vmem>>
          tpu.wait_dma2 semaphore(%arg18 : memref<!tpu.dma_semaphore, #tpu.memory_space<semaphore_mem>>) src(%dma_wait3A_220 : memref<8x1280xf32, #tpu.memory_space<vmem>>) dst(%dma_wait3A_216 : memref<8x1280xf32, #tpu.memory_space<hbm>>)
        } else {
        }
        %add3A_198 = arith.constant 96 : i32
        %add3A_199 = arith.addi %add3A, %add3A_198 : i32
        %lt3A_200 = arith.constant 125 : i32
        %lt3A_201 = arith.cmpi slt, %add3A_199, %lt3A_200 : i32
        %convert_element_type3A_202 = arith.extui %lt3A_201 : i1 to i32
        %cond3A_203 = arith.constant 0 : i32
        %cond3A_204 = arith.cmpi ne, %convert_element_type3A_202, %cond3A_203 : i32
        scf.if %cond3A_204 {
          %dma_wait3A = arith.constant 1 : i32
          %dma_wait3A_205 = arith.constant 24 : i32
          %dma_wait3A_206 = arith.constant 0 : i32
          %dma_wait3A_207 = tpu.memref_slice %arg13[%dma_wait3A, %dma_wait3A_205, %dma_wait3A_206] : memref<2x32x1280xf32, #tpu.memory_space<vmem>> -> memref<1x8x1280xf32, #tpu.memory_space<vmem>>
          %dma_wait3A_208 = tpu.memref_squeeze %dma_wait3A_207 : memref<1x8x1280xf32, #tpu.memory_space<vmem>> -> memref<8x1280xf32, #tpu.memory_space<vmem>>
          %dma_wait3A_209 = arith.constant 0 : i32
          %dma_wait3A_210 = arith.constant 0 : i32
          %dma_wait3A_211 = tpu.memref_slice %arg6[%add3A_199, %dma_wait3A_209, %dma_wait3A_210] : memref<125x8x51200xf32, #tpu.memory_space<hbm>> -> memref<1x8x1280xf32, #tpu.memory_space<hbm>>
          %dma_wait3A_212 = tpu.memref_squeeze %dma_wait3A_211 : memref<1x8x1280xf32, #tpu.memory_space<hbm>> -> memref<8x1280xf32, #tpu.memory_space<hbm>>
          %dma_wait3A_213 = arith.constant 0 : i32
          %dma_wait3A_214 = arith.constant 0 : i32
          %dma_wait3A_215 = tpu.memref_slice %arg6[%add3A_199, %dma_wait3A_213, %dma_wait3A_214] : memref<125x8x51200xf32, #tpu.memory_space<hbm>> -> memref<1x8x1280xf32, #tpu.memory_space<hbm>>
          %dma_wait3A_216 = tpu.memref_squeeze %dma_wait3A_215 : memref<1x8x1280xf32, #tpu.memory_space<hbm>> -> memref<8x1280xf32, #tpu.memory_space<hbm>>
          %dma_wait3A_217 = arith.constant 24 : i32
          %dma_wait3A_218 = arith.constant 0 : i32
          %dma_wait3A_219 = tpu.memref_slice %arg13[%dma_wait3A, %dma_wait3A_217, %dma_wait3A_218] : memref<2x32x1280xf32, #tpu.memory_space<vmem>> -> memref<1x8x1280xf32, #tpu.memory_space<vmem>>
          %dma_wait3A_220 = tpu.memref_squeeze %dma_wait3A_219 : memref<1x8x1280xf32, #tpu.memory_space<vmem>> -> memref<8x1280xf32, #tpu.memory_space<vmem>>
          tpu.wait_dma2 semaphore(%arg18 : memref<!tpu.dma_semaphore, #tpu.memory_space<semaphore_mem>>) src(%dma_wait3A_220 : memref<8x1280xf32, #tpu.memory_space<vmem>>) dst(%dma_wait3A_216 : memref<8x1280xf32, #tpu.memory_space<hbm>>)
        } else {
        }
      } else {
      }
      %parallel_loop3A_163 = arith.constant 0 : i32
      %parallel_loop3A_164 = arith.constant 1280 : i32
      %parallel_loop3A_165 = arith.constant 16 : i32
      %parallel_loop3A_166 = scf.for %parallel_loop3A_177 = %parallel_loop3A_163 to %parallel_loop3A_164 step %parallel_loop3A_165 iter_args(%parallel_loop3A_178 = %scan3A_138) -> (vector<16xf32>)  : i32 {
        %parallel_loop3A_179 = arith.index_cast %rem3A_139 : i32 to index
        %parallel_loop3A_180 = arith.index_cast %parallel_loop3A_177 : i32 to index
        %parallel_loop3A_181 = tpu.vector_load %arg9[%parallel_loop3A_179, %parallel_loop3A_180] {strides = array<i32>} : memref<2x1280xi32, #tpu.memory_space<vmem>>, vector<16xi32>,
        %parallel_loop3A_182 = arith.index_cast %rem3A_139 : i32 to index
        %parallel_loop3A_183 = arith.index_cast %parallel_loop3A_177 : i32 to index
        %parallel_loop3A_184 = tpu.vector_load %arg10[%parallel_loop3A_182, %parallel_loop3A_183] {strides = array<i32>} : memref<2x1280xi32, #tpu.memory_space<vmem>>, vector<16xi32>,
        %parallel_loop3A_185 = arith.constant 0 : i32
        %parallel_loop3A_186 = arith.constant 32 : i32
        %parallel_loop3A_187 = arith.constant 4 : i32
        scf.for %parallel_loop3A_288 = %parallel_loop3A_185 to %parallel_loop3A_186 step %parallel_loop3A_187  : i32 {
          %parallel_loop3A_289 = arith.constant 0 : i32
          %parallel_loop3A_290 = arith.addi %parallel_loop3A_288, %parallel_loop3A_289 : i32
          %parallel_loop3A_291 = arith.constant 1000 : i32
          %parallel_loop3A_292 = arith.muli %parallel_loop3A_290, %parallel_loop3A_291 : i32
          %parallel_loop3A_293 = vector.broadcast %parallel_loop3A_292 : i32 to vector<16xi32>
          %parallel_loop3A_294 = arith.addi %parallel_loop3A_181, %parallel_loop3A_293 : vector<16xi32>
          %parallel_loop3A_295 = tpu.vector_load_idx %arg8[%parallel_loop3A_294] : memref<32000xf32, #tpu.memory_space<vmem>>[vector<16xi32>], vector<16xf32>,
          %parallel_loop3A_296 = arith.index_cast %rem3A_139 : i32 to index
          %parallel_loop3A_297 = arith.index_cast %parallel_loop3A_290 : i32 to index
          %parallel_loop3A_298 = arith.index_cast %parallel_loop3A_177 : i32 to index
          %parallel_loop3A_299 = tpu.vector_load %arg13[%parallel_loop3A_296, %parallel_loop3A_297, %parallel_loop3A_298] {strides = array<i32>} : memref<2x32x1280xf32, #tpu.memory_space<vmem>>, vector<16xf32>,
          tpu.vector_store %arg13[%parallel_loop3A_296, %parallel_loop3A_297, %parallel_loop3A_298], %parallel_loop3A_295 {strides = array<i32>} : memref<2x32x1280xf32, #tpu.memory_space<vmem>>, vector<16xf32>,
          %parallel_loop3A_300 = arith.constant 1 : i32
          %parallel_loop3A_301 = arith.addi %parallel_loop3A_288, %parallel_loop3A_300 : i32
          %parallel_loop3A_302 = arith.constant 1000 : i32
          %parallel_loop3A_303 = arith.muli %parallel_loop3A_301, %parallel_loop3A_302 : i32
          %parallel_loop3A_304 = vector.broadcast %parallel_loop3A_303 : i32 to vector<16xi32>
          %parallel_loop3A_305 = arith.addi %parallel_loop3A_181, %parallel_loop3A_304 : vector<16xi32>
          %parallel_loop3A_306 = tpu.vector_load_idx %arg8[%parallel_loop3A_305] : memref<32000xf32, #tpu.memory_space<vmem>>[vector<16xi32>], vector<16xf32>,
          %parallel_loop3A_307 = arith.index_cast %rem3A_139 : i32 to index
          %parallel_loop3A_308 = arith.index_cast %parallel_loop3A_301 : i32 to index
          %parallel_loop3A_309 = arith.index_cast %parallel_loop3A_177 : i32 to index
          %parallel_loop3A_310 = tpu.vector_load %arg13[%parallel_loop3A_307, %parallel_loop3A_308, %parallel_loop3A_309] {strides = array<i32>} : memref<2x32x1280xf32, #tpu.memory_space<vmem>>, vector<16xf32>,
          tpu.vector_store %arg13[%parallel_loop3A_307, %parallel_loop3A_308, %parallel_loop3A_309], %parallel_loop3A_306 {strides = array<i32>} : memref<2x32x1280xf32, #tpu.memory_space<vmem>>, vector<16xf32>,
          %parallel_loop3A_311 = arith.constant 2 : i32
          %parallel_loop3A_312 = arith.addi %parallel_loop3A_288, %parallel_loop3A_311 : i32
          %parallel_loop3A_313 = arith.constant 1000 : i32
          %parallel_loop3A_314 = arith.muli %parallel_loop3A_312, %parallel_loop3A_313 : i32
          %parallel_loop3A_315 = vector.broadcast %parallel_loop3A_314 : i32 to vector<16xi32>
          %parallel_loop3A_316 = arith.addi %parallel_loop3A_181, %parallel_loop3A_315 : vector<16xi32>
          %parallel_loop3A_317 = tpu.vector_load_idx %arg8[%parallel_loop3A_316] : memref<32000xf32, #tpu.memory_space<vmem>>[vector<16xi32>], vector<16xf32>,
          %parallel_loop3A_318 = arith.index_cast %rem3A_139 : i32 to index
          %parallel_loop3A_319 = arith.index_cast %parallel_loop3A_312 : i32 to index
          %parallel_loop3A_320 = arith.index_cast %parallel_loop3A_177 : i32 to index
          %parallel_loop3A_321 = tpu.vector_load %arg13[%parallel_loop3A_318, %parallel_loop3A_319, %parallel_loop3A_320] {strides = array<i32>} : memref<2x32x1280xf32, #tpu.memory_space<vmem>>, vector<16xf32>,
          tpu.vector_store %arg13[%parallel_loop3A_318, %parallel_loop3A_319, %parallel_loop3A_320], %parallel_loop3A_317 {strides = array<i32>} : memref<2x32x1280xf32, #tpu.memory_space<vmem>>, vector<16xf32>,
          %parallel_loop3A_322 = arith.constant 3 : i32
          %parallel_loop3A_323 = arith.addi %parallel_loop3A_288, %parallel_loop3A_322 : i32
          %parallel_loop3A_324 = arith.constant 1000 : i32
          %parallel_loop3A_325 = arith.muli %parallel_loop3A_323, %parallel_loop3A_324 : i32
          %parallel_loop3A_326 = vector.broadcast %parallel_loop3A_325 : i32 to vector<16xi32>
          %parallel_loop3A_327 = arith.addi %parallel_loop3A_181, %parallel_loop3A_326 : vector<16xi32>
          %parallel_loop3A_328 = tpu.vector_load_idx %arg8[%parallel_loop3A_327] : memref<32000xf32, #tpu.memory_space<vmem>>[vector<16xi32>], vector<16xf32>,
          %parallel_loop3A_329 = arith.index_cast %rem3A_139 : i32 to index
          %parallel_loop3A_330 = arith.index_cast %parallel_loop3A_323 : i32 to index
          %parallel_loop3A_331 = arith.index_cast %parallel_loop3A_177 : i32 to index
          %parallel_loop3A_332 = tpu.vector_load %arg13[%parallel_loop3A_329, %parallel_loop3A_330, %parallel_loop3A_331] {strides = array<i32>} : memref<2x32x1280xf32, #tpu.memory_space<vmem>>, vector<16xf32>,
          tpu.vector_store %arg13[%parallel_loop3A_329, %parallel_loop3A_330, %parallel_loop3A_331], %parallel_loop3A_328 {strides = array<i32>} : memref<2x32x1280xf32, #tpu.memory_space<vmem>>, vector<16xf32>,
        } {sc.loop_unroll_factor = 8 : i64, sc.parallel_access}
        %parallel_loop3A_188 = arith.constant 0 : i32
        %parallel_loop3A_189 = arith.addi %add3A, %parallel_loop3A_188 : i32
        %parallel_loop3A_190 = arith.constant 8 : i32
        %parallel_loop3A_191 = arith.muli %parallel_loop3A_190, %parallel_loop3A_189 : i32
        %parallel_loop3A_192 = vector.broadcast %parallel_loop3A_191 : i32 to vector<16xi32>
        %parallel_loop3A_193 = arith.cmpi sge, %parallel_loop3A_184, %parallel_loop3A_192 : vector<16xi32>
        %parallel_loop3A_194 = arith.constant 8 : i32
        %parallel_loop3A_195 = arith.addi %parallel_loop3A_191, %parallel_loop3A_194 : i32
        %parallel_loop3A_196 = vector.broadcast %parallel_loop3A_195 : i32 to vector<16xi32>
        %parallel_loop3A_197 = arith.cmpi slt, %parallel_loop3A_184, %parallel_loop3A_196 : vector<16xi32>
        %parallel_loop3A_198 = arith.andi %parallel_loop3A_193, %parallel_loop3A_197 : vector<16xi1>
        %parallel_loop3A_199 = vector.broadcast %parallel_loop3A_191 : i32 to vector<16xi32>
        %parallel_loop3A_200 = arith.subi %parallel_loop3A_184, %parallel_loop3A_199 : vector<16xi32>
        %parallel_loop3A_201 = arith.constant 0 : i32
        %parallel_loop3A_202 = vector.broadcast %parallel_loop3A_201 : i32 to vector<16xi32>
        %parallel_loop3A_203 = arith.addi %parallel_loop3A_200, %parallel_loop3A_202 : vector<16xi32>
        %parallel_loop3A_204 = arith.constant 1000 : i32
        %parallel_loop3A_205 = vector.broadcast %parallel_loop3A_204 : i32 to vector<16xi32>
        %parallel_loop3A_206 = arith.muli %parallel_loop3A_203, %parallel_loop3A_205 : vector<16xi32>
        %parallel_loop3A_207 = arith.addi %parallel_loop3A_206, %parallel_loop3A_181 : vector<16xi32>
        %parallel_loop3A_208 = tpu.vector_load_idx %arg8[%parallel_loop3A_207] masked %parallel_loop3A_198 : memref<32000xf32, #tpu.memory_space<vmem>>[vector<16xi32>], vector<16xf32>, vector<16xi1>
        %parallel_loop3A_209 = arith.constant 0.000000e+00 : f32
        %parallel_loop3A_210 = vector.broadcast %parallel_loop3A_209 : f32 to vector<16xf32>
        %parallel_loop3A_211 = arith.select %parallel_loop3A_198, %parallel_loop3A_208, %parallel_loop3A_210 : vector<16xi1>, vector<16xf32>
        %parallel_loop3A_212 = arith.subf %parallel_loop3A_178, %parallel_loop3A_211 : vector<16xf32>
        %parallel_loop3A_213 = arith.constant 32 : i32
        %parallel_loop3A_214 = arith.addi %add3A, %parallel_loop3A_213 : i32
        %parallel_loop3A_215 = arith.constant 8 : i32
        %parallel_loop3A_216 = arith.muli %parallel_loop3A_215, %parallel_loop3A_214 : i32
        %parallel_loop3A_217 = vector.broadcast %parallel_loop3A_216 : i32 to vector<16xi32>
        %parallel_loop3A_218 = arith.cmpi sge, %parallel_loop3A_184, %parallel_loop3A_217 : vector<16xi32>
        %parallel_loop3A_219 = arith.constant 8 : i32
        %parallel_loop3A_220 = arith.addi %parallel_loop3A_216, %parallel_loop3A_219 : i32
        %parallel_loop3A_221 = vector.broadcast %parallel_loop3A_220 : i32 to vector<16xi32>
        %parallel_loop3A_222 = arith.cmpi slt, %parallel_loop3A_184, %parallel_loop3A_221 : vector<16xi32>
        %parallel_loop3A_223 = arith.andi %parallel_loop3A_218, %parallel_loop3A_222 : vector<16xi1>
        %parallel_loop3A_224 = vector.broadcast %parallel_loop3A_216 : i32 to vector<16xi32>
        %parallel_loop3A_225 = arith.subi %parallel_loop3A_184, %parallel_loop3A_224 : vector<16xi32>
        %parallel_loop3A_226 = arith.constant 8 : i32
        %parallel_loop3A_227 = vector.broadcast %parallel_loop3A_226 : i32 to vector<16xi32>
        %parallel_loop3A_228 = arith.addi %parallel_loop3A_225, %parallel_loop3A_227 : vector<16xi32>
        %parallel_loop3A_229 = arith.constant 1000 : i32
        %parallel_loop3A_230 = vector.broadcast %parallel_loop3A_229 : i32 to vector<16xi32>
        %parallel_loop3A_231 = arith.muli %parallel_loop3A_228, %parallel_loop3A_230 : vector<16xi32>
        %parallel_loop3A_232 = arith.addi %parallel_loop3A_231, %parallel_loop3A_181 : vector<16xi32>
        %parallel_loop3A_233 = tpu.vector_load_idx %arg8[%parallel_loop3A_232] masked %parallel_loop3A_223 : memref<32000xf32, #tpu.memory_space<vmem>>[vector<16xi32>], vector<16xf32>, vector<16xi1>
        %parallel_loop3A_234 = arith.constant 0.000000e+00 : f32
        %parallel_loop3A_235 = vector.broadcast %parallel_loop3A_234 : f32 to vector<16xf32>
        %parallel_loop3A_236 = arith.select %parallel_loop3A_223, %parallel_loop3A_233, %parallel_loop3A_235 : vector<16xi1>, vector<16xf32>
        %parallel_loop3A_237 = arith.subf %parallel_loop3A_212, %parallel_loop3A_236 : vector<16xf32>
        %parallel_loop3A_238 = arith.constant 64 : i32
        %parallel_loop3A_239 = arith.addi %add3A, %parallel_loop3A_238 : i32
        %parallel_loop3A_240 = arith.constant 8 : i32
        %parallel_loop3A_241 = arith.muli %parallel_loop3A_240, %parallel_loop3A_239 : i32
        %parallel_loop3A_242 = vector.broadcast %parallel_loop3A_241 : i32 to vector<16xi32>
        %parallel_loop3A_243 = arith.cmpi sge, %parallel_loop3A_184, %parallel_loop3A_242 : vector<16xi32>
        %parallel_loop3A_244 = arith.constant 8 : i32
        %parallel_loop3A_245 = arith.addi %parallel_loop3A_241, %parallel_loop3A_244 : i32
        %parallel_loop3A_246 = vector.broadcast %parallel_loop3A_245 : i32 to vector<16xi32>
        %parallel_loop3A_247 = arith.cmpi slt, %parallel_loop3A_184, %parallel_loop3A_246 : vector<16xi32>
        %parallel_loop3A_248 = arith.andi %parallel_loop3A_243, %parallel_loop3A_247 : vector<16xi1>
        %parallel_loop3A_249 = vector.broadcast %parallel_loop3A_241 : i32 to vector<16xi32>
        %parallel_loop3A_250 = arith.subi %parallel_loop3A_184, %parallel_loop3A_249 : vector<16xi32>
        %parallel_loop3A_251 = arith.constant 16 : i32
        %parallel_loop3A_252 = vector.broadcast %parallel_loop3A_251 : i32 to vector<16xi32>
        %parallel_loop3A_253 = arith.addi %parallel_loop3A_250, %parallel_loop3A_252 : vector<16xi32>
        %parallel_loop3A_254 = arith.constant 1000 : i32
        %parallel_loop3A_255 = vector.broadcast %parallel_loop3A_254 : i32 to vector<16xi32>
        %parallel_loop3A_256 = arith.muli %parallel_loop3A_253, %parallel_loop3A_255 : vector<16xi32>
        %parallel_loop3A_257 = arith.addi %parallel_loop3A_256, %parallel_loop3A_181 : vector<16xi32>
        %parallel_loop3A_258 = tpu.vector_load_idx %arg8[%parallel_loop3A_257] masked %parallel_loop3A_248 : memref<32000xf32, #tpu.memory_space<vmem>>[vector<16xi32>], vector<16xf32>, vector<16xi1>
        %parallel_loop3A_259 = arith.constant 0.000000e+00 : f32
        %parallel_loop3A_260 = vector.broadcast %parallel_loop3A_259 : f32 to vector<16xf32>
        %parallel_loop3A_261 = arith.select %parallel_loop3A_248, %parallel_loop3A_258, %parallel_loop3A_260 : vector<16xi1>, vector<16xf32>
        %parallel_loop3A_262 = arith.subf %parallel_loop3A_237, %parallel_loop3A_261 : vector<16xf32>
        %parallel_loop3A_263 = arith.constant 96 : i32
        %parallel_loop3A_264 = arith.addi %add3A, %parallel_loop3A_263 : i32
        %parallel_loop3A_265 = arith.constant 8 : i32
        %parallel_loop3A_266 = arith.muli %parallel_loop3A_265, %parallel_loop3A_264 : i32
        %parallel_loop3A_267 = vector.broadcast %parallel_loop3A_266 : i32 to vector<16xi32>
        %parallel_loop3A_268 = arith.cmpi sge, %parallel_loop3A_184, %parallel_loop3A_267 : vector<16xi32>
        %parallel_loop3A_269 = arith.constant 8 : i32
        %parallel_loop3A_270 = arith.addi %parallel_loop3A_266, %parallel_loop3A_269 : i32
        %parallel_loop3A_271 = vector.broadcast %parallel_loop3A_270 : i32 to vector<16xi32>
        %parallel_loop3A_272 = arith.cmpi slt, %parallel_loop3A_184, %parallel_loop3A_271 : vector<16xi32>
        %parallel_loop3A_273 = arith.andi %parallel_loop3A_268, %parallel_loop3A_272 : vector<16xi1>
        %parallel_loop3A_274 = vector.broadcast %parallel_loop3A_266 : i32 to vector<16xi32>
        %parallel_loop3A_275 = arith.subi %parallel_loop3A_184, %parallel_loop3A_274 : vector<16xi32>
        %parallel_loop3A_276 = arith.constant 24 : i32
        %parallel_loop3A_277 = vector.broadcast %parallel_loop3A_276 : i32 to vector<16xi32>
        %parallel_loop3A_278 = arith.addi %parallel_loop3A_275, %parallel_loop3A_277 : vector<16xi32>
        %parallel_loop3A_279 = arith.constant 1000 : i32
        %parallel_loop3A_280 = vector.broadcast %parallel_loop3A_279 : i32 to vector<16xi32>
        %parallel_loop3A_281 = arith.muli %parallel_loop3A_278, %parallel_loop3A_280 : vector<16xi32>
        %parallel_loop3A_282 = arith.addi %parallel_loop3A_281, %parallel_loop3A_181 : vector<16xi32>
        %parallel_loop3A_283 = tpu.vector_load_idx %arg8[%parallel_loop3A_282] masked %parallel_loop3A_273 : memref<32000xf32, #tpu.memory_space<vmem>>[vector<16xi32>], vector<16xf32>, vector<16xi1>
        %parallel_loop3A_284 = arith.constant 0.000000e+00 : f32
        %parallel_loop3A_285 = vector.broadcast %parallel_loop3A_284 : f32 to vector<16xf32>
        %parallel_loop3A_286 = arith.select %parallel_loop3A_273, %parallel_loop3A_283, %parallel_loop3A_285 : vector<16xi1>, vector<16xf32>
        %parallel_loop3A_287 = arith.subf %parallel_loop3A_262, %parallel_loop3A_286 : vector<16xf32>
        scf.yield %parallel_loop3A_287 : vector<16xf32>
      } {sc.loop_unroll_factor = 8 : i64, sc.parallel_access}
      %eq3A_167 = arith.constant 0 : i32
      %eq3A_168 = arith.cmpi eq, %rem3A_139, %eq3A_167 : i32
      %convert_element_type3A_169 = arith.extui %eq3A_168 : i1 to i32
      %cond3A_170 = arith.constant 0 : i32
      %cond3A_171 = arith.cmpi ne, %convert_element_type3A_169, %cond3A_170 : i32
      scf.if %cond3A_171 {
        %mul3A_177 = arith.constant 1280 : i32
        %mul3A_178 = arith.muli %scan3A_137, %mul3A_177 : i32
        %add3A_179 = arith.constant 0 : i32
        %add3A_180 = arith.addi %add3A, %add3A_179 : i32
        %lt3A_181 = arith.constant 125 : i32
        %lt3A_182 = arith.cmpi slt, %add3A_180, %lt3A_181 : i32
        %convert_element_type3A_183 = arith.extui %lt3A_182 : i1 to i32
        %cond3A_184 = arith.constant 0 : i32
        %cond3A_185 = arith.cmpi ne, %convert_element_type3A_183, %cond3A_184 : i32
        scf.if %cond3A_185 {
          %dma_start3A_214 = arith.constant 0 : i32
          %dma_start3A_215 = arith.constant 0 : i32
          %dma_start3A_216 = arith.constant 0 : i32
          %dma_start3A_217 = tpu.memref_slice %arg13[%dma_start3A_214, %dma_start3A_215, %dma_start3A_216] : memref<2x32x1280xf32, #tpu.memory_space<vmem>> -> memref<1x8x1280xf32, #tpu.memory_space<vmem>>
          %dma_start3A_218 = tpu.memref_squeeze %dma_start3A_217 : memref<1x8x1280xf32, #tpu.memory_space<vmem>> -> memref<8x1280xf32, #tpu.memory_space<vmem>>
          %dma_start3A_219 = arith.constant 0 : i32
          %dma_start3A_220 = tpu.memref_slice %arg6[%add3A_180, %dma_start3A_219, %mul3A_178] : memref<125x8x51200xf32, #tpu.memory_space<hbm>> -> memref<1x8x1280xf32, #tpu.memory_space<hbm>>
          %dma_start3A_221 = tpu.memref_squeeze %dma_start3A_220 : memref<1x8x1280xf32, #tpu.memory_space<hbm>> -> memref<8x1280xf32, #tpu.memory_space<hbm>>
          %dma_start3A_222 = arith.constant 0 : i32
          %dma_start3A_223 = tpu.memref_slice %arg6[%add3A_180, %dma_start3A_222, %mul3A_178] : memref<125x8x51200xf32, #tpu.memory_space<hbm>> -> memref<1x8x1280xf32, #tpu.memory_space<hbm>>
          %dma_start3A_224 = tpu.memref_squeeze %dma_start3A_223 : memref<1x8x1280xf32, #tpu.memory_space<hbm>> -> memref<8x1280xf32, #tpu.memory_space<hbm>>
          %dma_start3A_225 = arith.constant 0 : i32
          %dma_start3A_226 = arith.constant 0 : i32
          %dma_start3A_227 = tpu.memref_slice %arg13[%dma_start3A_214, %dma_start3A_225, %dma_start3A_226] : memref<2x32x1280xf32, #tpu.memory_space<vmem>> -> memref<1x8x1280xf32, #tpu.memory_space<vmem>>
          %dma_start3A_228 = tpu.memref_squeeze %dma_start3A_227 : memref<1x8x1280xf32, #tpu.memory_space<vmem>> -> memref<8x1280xf32, #tpu.memory_space<vmem>>
          tpu.enqueue_dma source(%dma_start3A_228 : memref<8x1280xf32, #tpu.memory_space<vmem>>) target(%dma_start3A_224 : memref<8x1280xf32, #tpu.memory_space<hbm>>) target_semaphore(%arg17 : memref<!tpu.dma_semaphore, #tpu.memory_space<semaphore_mem>>)
        } else {
        }
        %add3A_186 = arith.constant 32 : i32
        %add3A_187 = arith.addi %add3A, %add3A_186 : i32
        %lt3A_188 = arith.constant 125 : i32
        %lt3A_189 = arith.cmpi slt, %add3A_187, %lt3A_188 : i32
        %convert_element_type3A_190 = arith.extui %lt3A_189 : i1 to i32
        %cond3A_191 = arith.constant 0 : i32
        %cond3A_192 = arith.cmpi ne, %convert_element_type3A_190, %cond3A_191 : i32
        scf.if %cond3A_192 {
          %dma_start3A_214 = arith.constant 0 : i32
          %dma_start3A_215 = arith.constant 8 : i32
          %dma_start3A_216 = arith.constant 0 : i32
          %dma_start3A_217 = tpu.memref_slice %arg13[%dma_start3A_214, %dma_start3A_215, %dma_start3A_216] : memref<2x32x1280xf32, #tpu.memory_space<vmem>> -> memref<1x8x1280xf32, #tpu.memory_space<vmem>>
          %dma_start3A_218 = tpu.memref_squeeze %dma_start3A_217 : memref<1x8x1280xf32, #tpu.memory_space<vmem>> -> memref<8x1280xf32, #tpu.memory_space<vmem>>
          %dma_start3A_219 = arith.constant 0 : i32
          %dma_start3A_220 = tpu.memref_slice %arg6[%add3A_187, %dma_start3A_219, %mul3A_178] : memref<125x8x51200xf32, #tpu.memory_space<hbm>> -> memref<1x8x1280xf32, #tpu.memory_space<hbm>>
          %dma_start3A_221 = tpu.memref_squeeze %dma_start3A_220 : memref<1x8x1280xf32, #tpu.memory_space<hbm>> -> memref<8x1280xf32, #tpu.memory_space<hbm>>
          %dma_start3A_222 = arith.constant 0 : i32
          %dma_start3A_223 = tpu.memref_slice %arg6[%add3A_187, %dma_start3A_222, %mul3A_178] : memref<125x8x51200xf32, #tpu.memory_space<hbm>> -> memref<1x8x1280xf32, #tpu.memory_space<hbm>>
          %dma_start3A_224 = tpu.memref_squeeze %dma_start3A_223 : memref<1x8x1280xf32, #tpu.memory_space<hbm>> -> memref<8x1280xf32, #tpu.memory_space<hbm>>
          %dma_start3A_225 = arith.constant 8 : i32
          %dma_start3A_226 = arith.constant 0 : i32
          %dma_start3A_227 = tpu.memref_slice %arg13[%dma_start3A_214, %dma_start3A_225, %dma_start3A_226] : memref<2x32x1280xf32, #tpu.memory_space<vmem>> -> memref<1x8x1280xf32, #tpu.memory_space<vmem>>
          %dma_start3A_228 = tpu.memref_squeeze %dma_start3A_227 : memref<1x8x1280xf32, #tpu.memory_space<vmem>> -> memref<8x1280xf32, #tpu.memory_space<vmem>>
          tpu.enqueue_dma source(%dma_start3A_228 : memref<8x1280xf32, #tpu.memory_space<vmem>>) target(%dma_start3A_224 : memref<8x1280xf32, #tpu.memory_space<hbm>>) target_semaphore(%arg17 : memref<!tpu.dma_semaphore, #tpu.memory_space<semaphore_mem>>)
        } else {
        }
        %add3A_193 = arith.constant 64 : i32
        %add3A_194 = arith.addi %add3A, %add3A_193 : i32
        %lt3A_195 = arith.constant 125 : i32
        %lt3A_196 = arith.cmpi slt, %add3A_194, %lt3A_195 : i32
        %convert_element_type3A_197 = arith.extui %lt3A_196 : i1 to i32
        %cond3A_198 = arith.constant 0 : i32
        %cond3A_199 = arith.cmpi ne, %convert_element_type3A_197, %cond3A_198 : i32
        scf.if %cond3A_199 {
          %dma_start3A_214 = arith.constant 0 : i32
          %dma_start3A_215 = arith.constant 16 : i32
          %dma_start3A_216 = arith.constant 0 : i32
          %dma_start3A_217 = tpu.memref_slice %arg13[%dma_start3A_214, %dma_start3A_215, %dma_start3A_216] : memref<2x32x1280xf32, #tpu.memory_space<vmem>> -> memref<1x8x1280xf32, #tpu.memory_space<vmem>>
          %dma_start3A_218 = tpu.memref_squeeze %dma_start3A_217 : memref<1x8x1280xf32, #tpu.memory_space<vmem>> -> memref<8x1280xf32, #tpu.memory_space<vmem>>
          %dma_start3A_219 = arith.constant 0 : i32
          %dma_start3A_220 = tpu.memref_slice %arg6[%add3A_194, %dma_start3A_219, %mul3A_178] : memref<125x8x51200xf32, #tpu.memory_space<hbm>> -> memref<1x8x1280xf32, #tpu.memory_space<hbm>>
          %dma_start3A_221 = tpu.memref_squeeze %dma_start3A_220 : memref<1x8x1280xf32, #tpu.memory_space<hbm>> -> memref<8x1280xf32, #tpu.memory_space<hbm>>
          %dma_start3A_222 = arith.constant 0 : i32
          %dma_start3A_223 = tpu.memref_slice %arg6[%add3A_194, %dma_start3A_222, %mul3A_178] : memref<125x8x51200xf32, #tpu.memory_space<hbm>> -> memref<1x8x1280xf32, #tpu.memory_space<hbm>>
          %dma_start3A_224 = tpu.memref_squeeze %dma_start3A_223 : memref<1x8x1280xf32, #tpu.memory_space<hbm>> -> memref<8x1280xf32, #tpu.memory_space<hbm>>
          %dma_start3A_225 = arith.constant 16 : i32
          %dma_start3A_226 = arith.constant 0 : i32
          %dma_start3A_227 = tpu.memref_slice %arg13[%dma_start3A_214, %dma_start3A_225, %dma_start3A_226] : memref<2x32x1280xf32, #tpu.memory_space<vmem>> -> memref<1x8x1280xf32, #tpu.memory_space<vmem>>
          %dma_start3A_228 = tpu.memref_squeeze %dma_start3A_227 : memref<1x8x1280xf32, #tpu.memory_space<vmem>> -> memref<8x1280xf32, #tpu.memory_space<vmem>>
          tpu.enqueue_dma source(%dma_start3A_228 : memref<8x1280xf32, #tpu.memory_space<vmem>>) target(%dma_start3A_224 : memref<8x1280xf32, #tpu.memory_space<hbm>>) target_semaphore(%arg17 : memref<!tpu.dma_semaphore, #tpu.memory_space<semaphore_mem>>)
        } else {
        }
        %add3A_200 = arith.constant 96 : i32
        %add3A_201 = arith.addi %add3A, %add3A_200 : i32
        %lt3A_202 = arith.constant 125 : i32
        %lt3A_203 = arith.cmpi slt, %add3A_201, %lt3A_202 : i32
        %convert_element_type3A_204 = arith.extui %lt3A_203 : i1 to i32
        %cond3A_205 = arith.constant 0 : i32
        %cond3A_206 = arith.cmpi ne, %convert_element_type3A_204, %cond3A_205 : i32
        scf.if %cond3A_206 {
          %dma_start3A_214 = arith.constant 0 : i32
          %dma_start3A_215 = arith.constant 24 : i32
          %dma_start3A_216 = arith.constant 0 : i32
          %dma_start3A_217 = tpu.memref_slice %arg13[%dma_start3A_214, %dma_start3A_215, %dma_start3A_216] : memref<2x32x1280xf32, #tpu.memory_space<vmem>> -> memref<1x8x1280xf32, #tpu.memory_space<vmem>>
          %dma_start3A_218 = tpu.memref_squeeze %dma_start3A_217 : memref<1x8x1280xf32, #tpu.memory_space<vmem>> -> memref<8x1280xf32, #tpu.memory_space<vmem>>
          %dma_start3A_219 = arith.constant 0 : i32
          %dma_start3A_220 = tpu.memref_slice %arg6[%add3A_201, %dma_start3A_219, %mul3A_178] : memref<125x8x51200xf32, #tpu.memory_space<hbm>> -> memref<1x8x1280xf32, #tpu.memory_space<hbm>>
          %dma_start3A_221 = tpu.memref_squeeze %dma_start3A_220 : memref<1x8x1280xf32, #tpu.memory_space<hbm>> -> memref<8x1280xf32, #tpu.memory_space<hbm>>
          %dma_start3A_222 = arith.constant 0 : i32
          %dma_start3A_223 = tpu.memref_slice %arg6[%add3A_201, %dma_start3A_222, %mul3A_178] : memref<125x8x51200xf32, #tpu.memory_space<hbm>> -> memref<1x8x1280xf32, #tpu.memory_space<hbm>>
          %dma_start3A_224 = tpu.memref_squeeze %dma_start3A_223 : memref<1x8x1280xf32, #tpu.memory_space<hbm>> -> memref<8x1280xf32, #tpu.memory_space<hbm>>
          %dma_start3A_225 = arith.constant 24 : i32
          %dma_start3A_226 = arith.constant 0 : i32
          %dma_start3A_227 = tpu.memref_slice %arg13[%dma_start3A_214, %dma_start3A_225, %dma_start3A_226] : memref<2x32x1280xf32, #tpu.memory_space<vmem>> -> memref<1x8x1280xf32, #tpu.memory_space<vmem>>
          %dma_start3A_228 = tpu.memref_squeeze %dma_start3A_227 : memref<1x8x1280xf32, #tpu.memory_space<vmem>> -> memref<8x1280xf32, #tpu.memory_space<vmem>>
          tpu.enqueue_dma source(%dma_start3A_228 : memref<8x1280xf32, #tpu.memory_space<vmem>>) target(%dma_start3A_224 : memref<8x1280xf32, #tpu.memory_space<hbm>>) target_semaphore(%arg17 : memref<!tpu.dma_semaphore, #tpu.memory_space<semaphore_mem>>)
        } else {
        }
        %add3A_207 = arith.constant 2 : i32
        %add3A_208 = arith.addi %scan3A_137, %add3A_207 : i32
        %lt3A_209 = arith.constant 40 : i32
        %lt3A_210 = arith.cmpi slt, %add3A_208, %lt3A_209 : i32
        %convert_element_type3A_211 = arith.extui %lt3A_210 : i1 to i32
        %cond3A_212 = arith.constant 0 : i32
        %cond3A_213 = arith.cmpi ne, %convert_element_type3A_211, %cond3A_212 : i32
        scf.if %cond3A_213 {
          %add3A_214 = arith.constant 2 : i32
          %add3A_215 = arith.addi %scan3A_137, %add3A_214 : i32
          %mul3A_216 = arith.constant 1280 : i32
          %mul3A_217 = arith.muli %add3A_215, %mul3A_216 : i32
          %dma_start3A_218 = arith.constant 0 : i32
          %dma_start3A_219 = arith.constant 0 : i32
          %dma_start3A_220 = tpu.memref_slice %arg9[%dma_start3A_218, %dma_start3A_219] : memref<2x1280xi32, #tpu.memory_space<vmem>> -> memref<1x1280xi32, #tpu.memory_space<vmem>>
          %dma_start3A_221 = tpu.memref_squeeze %dma_start3A_220 : memref<1x1280xi32, #tpu.memory_space<vmem>> -> memref<1280xi32, #tpu.memory_space<vmem>>
          %dma_start3A_222 = tpu.memref_slice %arg3[%mul3A_217] : memref<51200xi32, #tpu.memory_space<hbm>> -> memref<1280xi32, #tpu.memory_space<hbm>>
          %dma_start3A_223 = arith.constant 0 : i32
          %dma_start3A_224 = tpu.memref_slice %arg9[%dma_start3A_218, %dma_start3A_223] : memref<2x1280xi32, #tpu.memory_space<vmem>> -> memref<1x1280xi32, #tpu.memory_space<vmem>>
          %dma_start3A_225 = tpu.memref_squeeze %dma_start3A_224 : memref<1x1280xi32, #tpu.memory_space<vmem>> -> memref<1280xi32, #tpu.memory_space<vmem>>
          %dma_start3A_226 = tpu.memref_slice %arg3[%mul3A_217] : memref<51200xi32, #tpu.memory_space<hbm>> -> memref<1280xi32, #tpu.memory_space<hbm>>
          tpu.enqueue_dma source(%dma_start3A_226 : memref<1280xi32, #tpu.memory_space<hbm>>) target(%dma_start3A_225 : memref<1280xi32, #tpu.memory_space<vmem>>) target_semaphore(%arg15 : memref<!tpu.dma_semaphore, #tpu.memory_space<semaphore_mem>>)
          %mul3A_227 = arith.constant 1280 : i32
          %mul3A_228 = arith.muli %add3A_215, %mul3A_227 : i32
          %dma_start3A_229 = arith.constant 0 : i32
          %dma_start3A_230 = arith.constant 0 : i32
          %dma_start3A_231 = tpu.memref_slice %arg10[%dma_start3A_229, %dma_start3A_230] : memref<2x1280xi32, #tpu.memory_space<vmem>> -> memref<1x1280xi32, #tpu.memory_space<vmem>>
          %dma_start3A_232 = tpu.memref_squeeze %dma_start3A_231 : memref<1x1280xi32, #tpu.memory_space<vmem>> -> memref<1280xi32, #tpu.memory_space<vmem>>
          %dma_start3A_233 = tpu.memref_slice %arg4[%mul3A_228] : memref<51200xi32, #tpu.memory_space<hbm>> -> memref<1280xi32, #tpu.memory_space<hbm>>
          %dma_start3A_234 = arith.constant 0 : i32
          %dma_start3A_235 = tpu.memref_slice %arg10[%dma_start3A_229, %dma_start3A_234] : memref<2x1280xi32, #tpu.memory_space<vmem>> -> memref<1x1280xi32, #tpu.memory_space<vmem>>
          %dma_start3A_236 = tpu.memref_squeeze %dma_start3A_235 : memref<1x1280xi32, #tpu.memory_space<vmem>> -> memref<1280xi32, #tpu.memory_space<vmem>>
          %dma_start3A_237 = tpu.memref_slice %arg4[%mul3A_228] : memref<51200xi32, #tpu.memory_space<hbm>> -> memref<1280xi32, #tpu.memory_space<hbm>>
          tpu.enqueue_dma source(%dma_start3A_237 : memref<1280xi32, #tpu.memory_space<hbm>>) target(%dma_start3A_236 : memref<1280xi32, #tpu.memory_space<vmem>>) target_semaphore(%arg15 : memref<!tpu.dma_semaphore, #tpu.memory_space<semaphore_mem>>)
        } else {
        }
      } else {
      }
      %eq3A_172 = arith.constant 1 : i32
      %eq3A_173 = arith.cmpi eq, %rem3A_139, %eq3A_172 : i32
      %convert_element_type3A_174 = arith.extui %eq3A_173 : i1 to i32
      %cond3A_175 = arith.constant 0 : i32
      %cond3A_176 = arith.cmpi ne, %convert_element_type3A_174, %cond3A_175 : i32
      scf.if %cond3A_176 {
        %mul3A_177 = arith.constant 1280 : i32
        %mul3A_178 = arith.muli %scan3A_137, %mul3A_177 : i32
        %add3A_179 = arith.constant 0 : i32
        %add3A_180 = arith.addi %add3A, %add3A_179 : i32
        %lt3A_181 = arith.constant 125 : i32
        %lt3A_182 = arith.cmpi slt, %add3A_180, %lt3A_181 : i32
        %convert_element_type3A_183 = arith.extui %lt3A_182 : i1 to i32
        %cond3A_184 = arith.constant 0 : i32
        %cond3A_185 = arith.cmpi ne, %convert_element_type3A_183, %cond3A_184 : i32
        scf.if %cond3A_185 {
          %dma_start3A_214 = arith.constant 1 : i32
          %dma_start3A_215 = arith.constant 0 : i32
          %dma_start3A_216 = arith.constant 0 : i32
          %dma_start3A_217 = tpu.memref_slice %arg13[%dma_start3A_214, %dma_start3A_215, %dma_start3A_216] : memref<2x32x1280xf32, #tpu.memory_space<vmem>> -> memref<1x8x1280xf32, #tpu.memory_space<vmem>>
          %dma_start3A_218 = tpu.memref_squeeze %dma_start3A_217 : memref<1x8x1280xf32, #tpu.memory_space<vmem>> -> memref<8x1280xf32, #tpu.memory_space<vmem>>
          %dma_start3A_219 = arith.constant 0 : i32
          %dma_start3A_220 = tpu.memref_slice %arg6[%add3A_180, %dma_start3A_219, %mul3A_178] : memref<125x8x51200xf32, #tpu.memory_space<hbm>> -> memref<1x8x1280xf32, #tpu.memory_space<hbm>>
          %dma_start3A_221 = tpu.memref_squeeze %dma_start3A_220 : memref<1x8x1280xf32, #tpu.memory_space<hbm>> -> memref<8x1280xf32, #tpu.memory_space<hbm>>
          %dma_start3A_222 = arith.constant 0 : i32
          %dma_start3A_223 = tpu.memref_slice %arg6[%add3A_180, %dma_start3A_222, %mul3A_178] : memref<125x8x51200xf32, #tpu.memory_space<hbm>> -> memref<1x8x1280xf32, #tpu.memory_space<hbm>>
          %dma_start3A_224 = tpu.memref_squeeze %dma_start3A_223 : memref<1x8x1280xf32, #tpu.memory_space<hbm>> -> memref<8x1280xf32, #tpu.memory_space<hbm>>
          %dma_start3A_225 = arith.constant 0 : i32
          %dma_start3A_226 = arith.constant 0 : i32
          %dma_start3A_227 = tpu.memref_slice %arg13[%dma_start3A_214, %dma_start3A_225, %dma_start3A_226] : memref<2x32x1280xf32, #tpu.memory_space<vmem>> -> memref<1x8x1280xf32, #tpu.memory_space<vmem>>
          %dma_start3A_228 = tpu.memref_squeeze %dma_start3A_227 : memref<1x8x1280xf32, #tpu.memory_space<vmem>> -> memref<8x1280xf32, #tpu.memory_space<vmem>>
          tpu.enqueue_dma source(%dma_start3A_228 : memref<8x1280xf32, #tpu.memory_space<vmem>>) target(%dma_start3A_224 : memref<8x1280xf32, #tpu.memory_space<hbm>>) target_semaphore(%arg18 : memref<!tpu.dma_semaphore, #tpu.memory_space<semaphore_mem>>)
        } else {
        }
        %add3A_186 = arith.constant 32 : i32
        %add3A_187 = arith.addi %add3A, %add3A_186 : i32
        %lt3A_188 = arith.constant 125 : i32
        %lt3A_189 = arith.cmpi slt, %add3A_187, %lt3A_188 : i32
        %convert_element_type3A_190 = arith.extui %lt3A_189 : i1 to i32
        %cond3A_191 = arith.constant 0 : i32
        %cond3A_192 = arith.cmpi ne, %convert_element_type3A_190, %cond3A_191 : i32
        scf.if %cond3A_192 {
          %dma_start3A_214 = arith.constant 1 : i32
          %dma_start3A_215 = arith.constant 8 : i32
          %dma_start3A_216 = arith.constant 0 : i32
          %dma_start3A_217 = tpu.memref_slice %arg13[%dma_start3A_214, %dma_start3A_215, %dma_start3A_216] : memref<2x32x1280xf32, #tpu.memory_space<vmem>> -> memref<1x8x1280xf32, #tpu.memory_space<vmem>>
          %dma_start3A_218 = tpu.memref_squeeze %dma_start3A_217 : memref<1x8x1280xf32, #tpu.memory_space<vmem>> -> memref<8x1280xf32, #tpu.memory_space<vmem>>
          %dma_start3A_219 = arith.constant 0 : i32
          %dma_start3A_220 = tpu.memref_slice %arg6[%add3A_187, %dma_start3A_219, %mul3A_178] : memref<125x8x51200xf32, #tpu.memory_space<hbm>> -> memref<1x8x1280xf32, #tpu.memory_space<hbm>>
          %dma_start3A_221 = tpu.memref_squeeze %dma_start3A_220 : memref<1x8x1280xf32, #tpu.memory_space<hbm>> -> memref<8x1280xf32, #tpu.memory_space<hbm>>
          %dma_start3A_222 = arith.constant 0 : i32
          %dma_start3A_223 = tpu.memref_slice %arg6[%add3A_187, %dma_start3A_222, %mul3A_178] : memref<125x8x51200xf32, #tpu.memory_space<hbm>> -> memref<1x8x1280xf32, #tpu.memory_space<hbm>>
          %dma_start3A_224 = tpu.memref_squeeze %dma_start3A_223 : memref<1x8x1280xf32, #tpu.memory_space<hbm>> -> memref<8x1280xf32, #tpu.memory_space<hbm>>
          %dma_start3A_225 = arith.constant 8 : i32
          %dma_start3A_226 = arith.constant 0 : i32
          %dma_start3A_227 = tpu.memref_slice %arg13[%dma_start3A_214, %dma_start3A_225, %dma_start3A_226] : memref<2x32x1280xf32, #tpu.memory_space<vmem>> -> memref<1x8x1280xf32, #tpu.memory_space<vmem>>
          %dma_start3A_228 = tpu.memref_squeeze %dma_start3A_227 : memref<1x8x1280xf32, #tpu.memory_space<vmem>> -> memref<8x1280xf32, #tpu.memory_space<vmem>>
          tpu.enqueue_dma source(%dma_start3A_228 : memref<8x1280xf32, #tpu.memory_space<vmem>>) target(%dma_start3A_224 : memref<8x1280xf32, #tpu.memory_space<hbm>>) target_semaphore(%arg18 : memref<!tpu.dma_semaphore, #tpu.memory_space<semaphore_mem>>)
        } else {
        }
        %add3A_193 = arith.constant 64 : i32
        %add3A_194 = arith.addi %add3A, %add3A_193 : i32
        %lt3A_195 = arith.constant 125 : i32
        %lt3A_196 = arith.cmpi slt, %add3A_194, %lt3A_195 : i32
        %convert_element_type3A_197 = arith.extui %lt3A_196 : i1 to i32
        %cond3A_198 = arith.constant 0 : i32
        %cond3A_199 = arith.cmpi ne, %convert_element_type3A_197, %cond3A_198 : i32
        scf.if %cond3A_199 {
          %dma_start3A_214 = arith.constant 1 : i32
          %dma_start3A_215 = arith.constant 16 : i32
          %dma_start3A_216 = arith.constant 0 : i32
          %dma_start3A_217 = tpu.memref_slice %arg13[%dma_start3A_214, %dma_start3A_215, %dma_start3A_216] : memref<2x32x1280xf32, #tpu.memory_space<vmem>> -> memref<1x8x1280xf32, #tpu.memory_space<vmem>>
          %dma_start3A_218 = tpu.memref_squeeze %dma_start3A_217 : memref<1x8x1280xf32, #tpu.memory_space<vmem>> -> memref<8x1280xf32, #tpu.memory_space<vmem>>
          %dma_start3A_219 = arith.constant 0 : i32
          %dma_start3A_220 = tpu.memref_slice %arg6[%add3A_194, %dma_start3A_219, %mul3A_178] : memref<125x8x51200xf32, #tpu.memory_space<hbm>> -> memref<1x8x1280xf32, #tpu.memory_space<hbm>>
          %dma_start3A_221 = tpu.memref_squeeze %dma_start3A_220 : memref<1x8x1280xf32, #tpu.memory_space<hbm>> -> memref<8x1280xf32, #tpu.memory_space<hbm>>
          %dma_start3A_222 = arith.constant 0 : i32
          %dma_start3A_223 = tpu.memref_slice %arg6[%add3A_194, %dma_start3A_222, %mul3A_178] : memref<125x8x51200xf32, #tpu.memory_space<hbm>> -> memref<1x8x1280xf32, #tpu.memory_space<hbm>>
          %dma_start3A_224 = tpu.memref_squeeze %dma_start3A_223 : memref<1x8x1280xf32, #tpu.memory_space<hbm>> -> memref<8x1280xf32, #tpu.memory_space<hbm>>
          %dma_start3A_225 = arith.constant 16 : i32
          %dma_start3A_226 = arith.constant 0 : i32
          %dma_start3A_227 = tpu.memref_slice %arg13[%dma_start3A_214, %dma_start3A_225, %dma_start3A_226] : memref<2x32x1280xf32, #tpu.memory_space<vmem>> -> memref<1x8x1280xf32, #tpu.memory_space<vmem>>
          %dma_start3A_228 = tpu.memref_squeeze %dma_start3A_227 : memref<1x8x1280xf32, #tpu.memory_space<vmem>> -> memref<8x1280xf32, #tpu.memory_space<vmem>>
          tpu.enqueue_dma source(%dma_start3A_228 : memref<8x1280xf32, #tpu.memory_space<vmem>>) target(%dma_start3A_224 : memref<8x1280xf32, #tpu.memory_space<hbm>>) target_semaphore(%arg18 : memref<!tpu.dma_semaphore, #tpu.memory_space<semaphore_mem>>)
        } else {
        }
        %add3A_200 = arith.constant 96 : i32
        %add3A_201 = arith.addi %add3A, %add3A_200 : i32
        %lt3A_202 = arith.constant 125 : i32
        %lt3A_203 = arith.cmpi slt, %add3A_201, %lt3A_202 : i32
        %convert_element_type3A_204 = arith.extui %lt3A_203 : i1 to i32
        %cond3A_205 = arith.constant 0 : i32
        %cond3A_206 = arith.cmpi ne, %convert_element_type3A_204, %cond3A_205 : i32
        scf.if %cond3A_206 {
          %dma_start3A_214 = arith.constant 1 : i32
          %dma_start3A_215 = arith.constant 24 : i32
          %dma_start3A_216 = arith.constant 0 : i32
          %dma_start3A_217 = tpu.memref_slice %arg13[%dma_start3A_214, %dma_start3A_215, %dma_start3A_216] : memref<2x32x1280xf32, #tpu.memory_space<vmem>> -> memref<1x8x1280xf32, #tpu.memory_space<vmem>>
          %dma_start3A_218 = tpu.memref_squeeze %dma_start3A_217 : memref<1x8x1280xf32, #tpu.memory_space<vmem>> -> memref<8x1280xf32, #tpu.memory_space<vmem>>
          %dma_start3A_219 = arith.constant 0 : i32
          %dma_start3A_220 = tpu.memref_slice %arg6[%add3A_201, %dma_start3A_219, %mul3A_178] : memref<125x8x51200xf32, #tpu.memory_space<hbm>> -> memref<1x8x1280xf32, #tpu.memory_space<hbm>>
          %dma_start3A_221 = tpu.memref_squeeze %dma_start3A_220 : memref<1x8x1280xf32, #tpu.memory_space<hbm>> -> memref<8x1280xf32, #tpu.memory_space<hbm>>
          %dma_start3A_222 = arith.constant 0 : i32
          %dma_start3A_223 = tpu.memref_slice %arg6[%add3A_201, %dma_start3A_222, %mul3A_178] : memref<125x8x51200xf32, #tpu.memory_space<hbm>> -> memref<1x8x1280xf32, #tpu.memory_space<hbm>>
          %dma_start3A_224 = tpu.memref_squeeze %dma_start3A_223 : memref<1x8x1280xf32, #tpu.memory_space<hbm>> -> memref<8x1280xf32, #tpu.memory_space<hbm>>
          %dma_start3A_225 = arith.constant 24 : i32
          %dma_start3A_226 = arith.constant 0 : i32
          %dma_start3A_227 = tpu.memref_slice %arg13[%dma_start3A_214, %dma_start3A_225, %dma_start3A_226] : memref<2x32x1280xf32, #tpu.memory_space<vmem>> -> memref<1x8x1280xf32, #tpu.memory_space<vmem>>
          %dma_start3A_228 = tpu.memref_squeeze %dma_start3A_227 : memref<1x8x1280xf32, #tpu.memory_space<vmem>> -> memref<8x1280xf32, #tpu.memory_space<vmem>>
          tpu.enqueue_dma source(%dma_start3A_228 : memref<8x1280xf32, #tpu.memory_space<vmem>>) target(%dma_start3A_224 : memref<8x1280xf32, #tpu.memory_space<hbm>>) target_semaphore(%arg18 : memref<!tpu.dma_semaphore, #tpu.memory_space<semaphore_mem>>)
        } else {
        }
        %add3A_207 = arith.constant 2 : i32
        %add3A_208 = arith.addi %scan3A_137, %add3A_207 : i32
        %lt3A_209 = arith.constant 40 : i32
        %lt3A_210 = arith.cmpi slt, %add3A_208, %lt3A_209 : i32
        %convert_element_type3A_211 = arith.extui %lt3A_210 : i1 to i32
        %cond3A_212 = arith.constant 0 : i32
        %cond3A_213 = arith.cmpi ne, %convert_element_type3A_211, %cond3A_212 : i32
        scf.if %cond3A_213 {
          %add3A_214 = arith.constant 2 : i32
          %add3A_215 = arith.addi %scan3A_137, %add3A_214 : i32
          %mul3A_216 = arith.constant 1280 : i32
          %mul3A_217 = arith.muli %add3A_215, %mul3A_216 : i32
          %dma_start3A_218 = arith.constant 1 : i32
          %dma_start3A_219 = arith.constant 0 : i32
          %dma_start3A_220 = tpu.memref_slice %arg9[%dma_start3A_218, %dma_start3A_219] : memref<2x1280xi32, #tpu.memory_space<vmem>> -> memref<1x1280xi32, #tpu.memory_space<vmem>>
          %dma_start3A_221 = tpu.memref_squeeze %dma_start3A_220 : memref<1x1280xi32, #tpu.memory_space<vmem>> -> memref<1280xi32, #tpu.memory_space<vmem>>
          %dma_start3A_222 = tpu.memref_slice %arg3[%mul3A_217] : memref<51200xi32, #tpu.memory_space<hbm>> -> memref<1280xi32, #tpu.memory_space<hbm>>
          %dma_start3A_223 = arith.constant 0 : i32
          %dma_start3A_224 = tpu.memref_slice %arg9[%dma_start3A_218, %dma_start3A_223] : memref<2x1280xi32, #tpu.memory_space<vmem>> -> memref<1x1280xi32, #tpu.memory_space<vmem>>
          %dma_start3A_225 = tpu.memref_squeeze %dma_start3A_224 : memref<1x1280xi32, #tpu.memory_space<vmem>> -> memref<1280xi32, #tpu.memory_space<vmem>>
          %dma_start3A_226 = tpu.memref_slice %arg3[%mul3A_217] : memref<51200xi32, #tpu.memory_space<hbm>> -> memref<1280xi32, #tpu.memory_space<hbm>>
          tpu.enqueue_dma source(%dma_start3A_226 : memref<1280xi32, #tpu.memory_space<hbm>>) target(%dma_start3A_225 : memref<1280xi32, #tpu.memory_space<vmem>>) target_semaphore(%arg16 : memref<!tpu.dma_semaphore, #tpu.memory_space<semaphore_mem>>)
          %mul3A_227 = arith.constant 1280 : i32
          %mul3A_228 = arith.muli %add3A_215, %mul3A_227 : i32
          %dma_start3A_229 = arith.constant 1 : i32
          %dma_start3A_230 = arith.constant 0 : i32
          %dma_start3A_231 = tpu.memref_slice %arg10[%dma_start3A_229, %dma_start3A_230] : memref<2x1280xi32, #tpu.memory_space<vmem>> -> memref<1x1280xi32, #tpu.memory_space<vmem>>
          %dma_start3A_232 = tpu.memref_squeeze %dma_start3A_231 : memref<1x1280xi32, #tpu.memory_space<vmem>> -> memref<1280xi32, #tpu.memory_space<vmem>>
          %dma_start3A_233 = tpu.memref_slice %arg4[%mul3A_228] : memref<51200xi32, #tpu.memory_space<hbm>> -> memref<1280xi32, #tpu.memory_space<hbm>>
          %dma_start3A_234 = arith.constant 0 : i32
          %dma_start3A_235 = tpu.memref_slice %arg10[%dma_start3A_229, %dma_start3A_234] : memref<2x1280xi32, #tpu.memory_space<vmem>> -> memref<1x1280xi32, #tpu.memory_space<vmem>>
          %dma_start3A_236 = tpu.memref_squeeze %dma_start3A_235 : memref<1x1280xi32, #tpu.memory_space<vmem>> -> memref<1280xi32, #tpu.memory_space<vmem>>
          %dma_start3A_237 = tpu.memref_slice %arg4[%mul3A_228] : memref<51200xi32, #tpu.memory_space<hbm>> -> memref<1280xi32, #tpu.memory_space<hbm>>
          tpu.enqueue_dma source(%dma_start3A_237 : memref<1280xi32, #tpu.memory_space<hbm>>) target(%dma_start3A_236 : memref<1280xi32, #tpu.memory_space<vmem>>) target_semaphore(%arg16 : memref<!tpu.dma_semaphore, #tpu.memory_space<semaphore_mem>>)
        } else {
        }
      } else {
      }
      scf.yield %parallel_loop3A_166 : vector<16xf32>
    }
    %scan3A_79 = arith.constant 40 : i32
    %add3A_80 = arith.constant 0 : i32
    %add3A_81 = arith.addi %add3A, %add3A_80 : i32
    %lt3A_82 = arith.constant 125 : i32
    %lt3A_83 = arith.cmpi slt, %add3A_81, %lt3A_82 : i32
    %convert_element_type3A_84 = arith.extui %lt3A_83 : i1 to i32
    %cond3A_85 = arith.constant 0 : i32
    %cond3A_86 = arith.cmpi ne, %convert_element_type3A_84, %cond3A_85 : i32
    scf.if %cond3A_86 {
      %dma_wait3A = arith.constant 0 : i32
      %dma_wait3A_137 = arith.constant 0 : i32
      %dma_wait3A_138 = arith.constant 0 : i32
      %dma_wait3A_139 = tpu.memref_slice %arg13[%dma_wait3A, %dma_wait3A_137, %dma_wait3A_138] : memref<2x32x1280xf32, #tpu.memory_space<vmem>> -> memref<1x8x1280xf32, #tpu.memory_space<vmem>>
      %dma_wait3A_140 = tpu.memref_squeeze %dma_wait3A_139 : memref<1x8x1280xf32, #tpu.memory_space<vmem>> -> memref<8x1280xf32, #tpu.memory_space<vmem>>
      %dma_wait3A_141 = arith.constant 0 : i32
      %dma_wait3A_142 = arith.constant 0 : i32
      %dma_wait3A_143 = tpu.memref_slice %arg6[%add3A_81, %dma_wait3A_141, %dma_wait3A_142] : memref<125x8x51200xf32, #tpu.memory_space<hbm>> -> memref<1x8x1280xf32, #tpu.memory_space<hbm>>
      %dma_wait3A_144 = tpu.memref_squeeze %dma_wait3A_143 : memref<1x8x1280xf32, #tpu.memory_space<hbm>> -> memref<8x1280xf32, #tpu.memory_space<hbm>>
      %dma_wait3A_145 = arith.constant 0 : i32
      %dma_wait3A_146 = arith.constant 0 : i32
      %dma_wait3A_147 = tpu.memref_slice %arg6[%add3A_81, %dma_wait3A_145, %dma_wait3A_146] : memref<125x8x51200xf32, #tpu.memory_space<hbm>> -> memref<1x8x1280xf32, #tpu.memory_space<hbm>>
      %dma_wait3A_148 = tpu.memref_squeeze %dma_wait3A_147 : memref<1x8x1280xf32, #tpu.memory_space<hbm>> -> memref<8x1280xf32, #tpu.memory_space<hbm>>
      %dma_wait3A_149 = arith.constant 0 : i32
      %dma_wait3A_150 = arith.constant 0 : i32
      %dma_wait3A_151 = tpu.memref_slice %arg13[%dma_wait3A, %dma_wait3A_149, %dma_wait3A_150] : memref<2x32x1280xf32, #tpu.memory_space<vmem>> -> memref<1x8x1280xf32, #tpu.memory_space<vmem>>
      %dma_wait3A_152 = tpu.memref_squeeze %dma_wait3A_151 : memref<1x8x1280xf32, #tpu.memory_space<vmem>> -> memref<8x1280xf32, #tpu.memory_space<vmem>>
      tpu.wait_dma2 semaphore(%arg17 : memref<!tpu.dma_semaphore, #tpu.memory_space<semaphore_mem>>) src(%dma_wait3A_152 : memref<8x1280xf32, #tpu.memory_space<vmem>>) dst(%dma_wait3A_148 : memref<8x1280xf32, #tpu.memory_space<hbm>>)
    } else {
    }
    %add3A_87 = arith.constant 32 : i32
    %add3A_88 = arith.addi %add3A, %add3A_87 : i32
    %lt3A_89 = arith.constant 125 : i32
    %lt3A_90 = arith.cmpi slt, %add3A_88, %lt3A_89 : i32
    %convert_element_type3A_91 = arith.extui %lt3A_90 : i1 to i32
    %cond3A_92 = arith.constant 0 : i32
    %cond3A_93 = arith.cmpi ne, %convert_element_type3A_91, %cond3A_92 : i32
    scf.if %cond3A_93 {
      %dma_wait3A = arith.constant 0 : i32
      %dma_wait3A_137 = arith.constant 8 : i32
      %dma_wait3A_138 = arith.constant 0 : i32
      %dma_wait3A_139 = tpu.memref_slice %arg13[%dma_wait3A, %dma_wait3A_137, %dma_wait3A_138] : memref<2x32x1280xf32, #tpu.memory_space<vmem>> -> memref<1x8x1280xf32, #tpu.memory_space<vmem>>
      %dma_wait3A_140 = tpu.memref_squeeze %dma_wait3A_139 : memref<1x8x1280xf32, #tpu.memory_space<vmem>> -> memref<8x1280xf32, #tpu.memory_space<vmem>>
      %dma_wait3A_141 = arith.constant 0 : i32
      %dma_wait3A_142 = arith.constant 0 : i32
      %dma_wait3A_143 = tpu.memref_slice %arg6[%add3A_88, %dma_wait3A_141, %dma_wait3A_142] : memref<125x8x51200xf32, #tpu.memory_space<hbm>> -> memref<1x8x1280xf32, #tpu.memory_space<hbm>>
      %dma_wait3A_144 = tpu.memref_squeeze %dma_wait3A_143 : memref<1x8x1280xf32, #tpu.memory_space<hbm>> -> memref<8x1280xf32, #tpu.memory_space<hbm>>
      %dma_wait3A_145 = arith.constant 0 : i32
      %dma_wait3A_146 = arith.constant 0 : i32
      %dma_wait3A_147 = tpu.memref_slice %arg6[%add3A_88, %dma_wait3A_145, %dma_wait3A_146] : memref<125x8x51200xf32, #tpu.memory_space<hbm>> -> memref<1x8x1280xf32, #tpu.memory_space<hbm>>
      %dma_wait3A_148 = tpu.memref_squeeze %dma_wait3A_147 : memref<1x8x1280xf32, #tpu.memory_space<hbm>> -> memref<8x1280xf32, #tpu.memory_space<hbm>>
      %dma_wait3A_149 = arith.constant 8 : i32
      %dma_wait3A_150 = arith.constant 0 : i32
      %dma_wait3A_151 = tpu.memref_slice %arg13[%dma_wait3A, %dma_wait3A_149, %dma_wait3A_150] : memref<2x32x1280xf32, #tpu.memory_space<vmem>> -> memref<1x8x1280xf32, #tpu.memory_space<vmem>>
      %dma_wait3A_152 = tpu.memref_squeeze %dma_wait3A_151 : memref<1x8x1280xf32, #tpu.memory_space<vmem>> -> memref<8x1280xf32, #tpu.memory_space<vmem>>
      tpu.wait_dma2 semaphore(%arg17 : memref<!tpu.dma_semaphore, #tpu.memory_space<semaphore_mem>>) src(%dma_wait3A_152 : memref<8x1280xf32, #tpu.memory_space<vmem>>) dst(%dma_wait3A_148 : memref<8x1280xf32, #tpu.memory_space<hbm>>)
    } else {
    }
    %add3A_94 = arith.constant 64 : i32
    %add3A_95 = arith.addi %add3A, %add3A_94 : i32
    %lt3A_96 = arith.constant 125 : i32
    %lt3A_97 = arith.cmpi slt, %add3A_95, %lt3A_96 : i32
    %convert_element_type3A_98 = arith.extui %lt3A_97 : i1 to i32
    %cond3A_99 = arith.constant 0 : i32
    %cond3A_100 = arith.cmpi ne, %convert_element_type3A_98, %cond3A_99 : i32
    scf.if %cond3A_100 {
      %dma_wait3A = arith.constant 0 : i32
      %dma_wait3A_137 = arith.constant 16 : i32
      %dma_wait3A_138 = arith.constant 0 : i32
      %dma_wait3A_139 = tpu.memref_slice %arg13[%dma_wait3A, %dma_wait3A_137, %dma_wait3A_138] : memref<2x32x1280xf32, #tpu.memory_space<vmem>> -> memref<1x8x1280xf32, #tpu.memory_space<vmem>>
      %dma_wait3A_140 = tpu.memref_squeeze %dma_wait3A_139 : memref<1x8x1280xf32, #tpu.memory_space<vmem>> -> memref<8x1280xf32, #tpu.memory_space<vmem>>
      %dma_wait3A_141 = arith.constant 0 : i32
      %dma_wait3A_142 = arith.constant 0 : i32
      %dma_wait3A_143 = tpu.memref_slice %arg6[%add3A_95, %dma_wait3A_141, %dma_wait3A_142] : memref<125x8x51200xf32, #tpu.memory_space<hbm>> -> memref<1x8x1280xf32, #tpu.memory_space<hbm>>
      %dma_wait3A_144 = tpu.memref_squeeze %dma_wait3A_143 : memref<1x8x1280xf32, #tpu.memory_space<hbm>> -> memref<8x1280xf32, #tpu.memory_space<hbm>>
      %dma_wait3A_145 = arith.constant 0 : i32
      %dma_wait3A_146 = arith.constant 0 : i32
      %dma_wait3A_147 = tpu.memref_slice %arg6[%add3A_95, %dma_wait3A_145, %dma_wait3A_146] : memref<125x8x51200xf32, #tpu.memory_space<hbm>> -> memref<1x8x1280xf32, #tpu.memory_space<hbm>>
      %dma_wait3A_148 = tpu.memref_squeeze %dma_wait3A_147 : memref<1x8x1280xf32, #tpu.memory_space<hbm>> -> memref<8x1280xf32, #tpu.memory_space<hbm>>
      %dma_wait3A_149 = arith.constant 16 : i32
      %dma_wait3A_150 = arith.constant 0 : i32
      %dma_wait3A_151 = tpu.memref_slice %arg13[%dma_wait3A, %dma_wait3A_149, %dma_wait3A_150] : memref<2x32x1280xf32, #tpu.memory_space<vmem>> -> memref<1x8x1280xf32, #tpu.memory_space<vmem>>
      %dma_wait3A_152 = tpu.memref_squeeze %dma_wait3A_151 : memref<1x8x1280xf32, #tpu.memory_space<vmem>> -> memref<8x1280xf32, #tpu.memory_space<vmem>>
      tpu.wait_dma2 semaphore(%arg17 : memref<!tpu.dma_semaphore, #tpu.memory_space<semaphore_mem>>) src(%dma_wait3A_152 : memref<8x1280xf32, #tpu.memory_space<vmem>>) dst(%dma_wait3A_148 : memref<8x1280xf32, #tpu.memory_space<hbm>>)
    } else {
    }
    %add3A_101 = arith.constant 96 : i32
    %add3A_102 = arith.addi %add3A, %add3A_101 : i32
    %lt3A_103 = arith.constant 125 : i32
    %lt3A_104 = arith.cmpi slt, %add3A_102, %lt3A_103 : i32
    %convert_element_type3A_105 = arith.extui %lt3A_104 : i1 to i32
    %cond3A_106 = arith.constant 0 : i32
    %cond3A_107 = arith.cmpi ne, %convert_element_type3A_105, %cond3A_106 : i32
    scf.if %cond3A_107 {
      %dma_wait3A = arith.constant 0 : i32
      %dma_wait3A_137 = arith.constant 24 : i32
      %dma_wait3A_138 = arith.constant 0 : i32
      %dma_wait3A_139 = tpu.memref_slice %arg13[%dma_wait3A, %dma_wait3A_137, %dma_wait3A_138] : memref<2x32x1280xf32, #tpu.memory_space<vmem>> -> memref<1x8x1280xf32, #tpu.memory_space<vmem>>
      %dma_wait3A_140 = tpu.memref_squeeze %dma_wait3A_139 : memref<1x8x1280xf32, #tpu.memory_space<vmem>> -> memref<8x1280xf32, #tpu.memory_space<vmem>>
      %dma_wait3A_141 = arith.constant 0 : i32
      %dma_wait3A_142 = arith.constant 0 : i32
      %dma_wait3A_143 = tpu.memref_slice %arg6[%add3A_102, %dma_wait3A_141, %dma_wait3A_142] : memref<125x8x51200xf32, #tpu.memory_space<hbm>> -> memref<1x8x1280xf32, #tpu.memory_space<hbm>>
      %dma_wait3A_144 = tpu.memref_squeeze %dma_wait3A_143 : memref<1x8x1280xf32, #tpu.memory_space<hbm>> -> memref<8x1280xf32, #tpu.memory_space<hbm>>
      %dma_wait3A_145 = arith.constant 0 : i32
      %dma_wait3A_146 = arith.constant 0 : i32
      %dma_wait3A_147 = tpu.memref_slice %arg6[%add3A_102, %dma_wait3A_145, %dma_wait3A_146] : memref<125x8x51200xf32, #tpu.memory_space<hbm>> -> memref<1x8x1280xf32, #tpu.memory_space<hbm>>
      %dma_wait3A_148 = tpu.memref_squeeze %dma_wait3A_147 : memref<1x8x1280xf32, #tpu.memory_space<hbm>> -> memref<8x1280xf32, #tpu.memory_space<hbm>>
      %dma_wait3A_149 = arith.constant 24 : i32
      %dma_wait3A_150 = arith.constant 0 : i32
      %dma_wait3A_151 = tpu.memref_slice %arg13[%dma_wait3A, %dma_wait3A_149, %dma_wait3A_150] : memref<2x32x1280xf32, #tpu.memory_space<vmem>> -> memref<1x8x1280xf32, #tpu.memory_space<vmem>>
      %dma_wait3A_152 = tpu.memref_squeeze %dma_wait3A_151 : memref<1x8x1280xf32, #tpu.memory_space<vmem>> -> memref<8x1280xf32, #tpu.memory_space<vmem>>
      tpu.wait_dma2 semaphore(%arg17 : memref<!tpu.dma_semaphore, #tpu.memory_space<semaphore_mem>>) src(%dma_wait3A_152 : memref<8x1280xf32, #tpu.memory_space<vmem>>) dst(%dma_wait3A_148 : memref<8x1280xf32, #tpu.memory_space<hbm>>)
    } else {
    }
    %add3A_108 = arith.constant 0 : i32
    %add3A_109 = arith.addi %add3A, %add3A_108 : i32
    %lt3A_110 = arith.constant 125 : i32
    %lt3A_111 = arith.cmpi slt, %add3A_109, %lt3A_110 : i32
    %convert_element_type3A_112 = arith.extui %lt3A_111 : i1 to i32
    %cond3A_113 = arith.constant 0 : i32
    %cond3A_114 = arith.cmpi ne, %convert_element_type3A_112, %cond3A_113 : i32
    scf.if %cond3A_114 {
      %dma_wait3A = arith.constant 1 : i32
      %dma_wait3A_137 = arith.constant 0 : i32
      %dma_wait3A_138 = arith.constant 0 : i32
      %dma_wait3A_139 = tpu.memref_slice %arg13[%dma_wait3A, %dma_wait3A_137, %dma_wait3A_138] : memref<2x32x1280xf32, #tpu.memory_space<vmem>> -> memref<1x8x1280xf32, #tpu.memory_space<vmem>>
      %dma_wait3A_140 = tpu.memref_squeeze %dma_wait3A_139 : memref<1x8x1280xf32, #tpu.memory_space<vmem>> -> memref<8x1280xf32, #tpu.memory_space<vmem>>
      %dma_wait3A_141 = arith.constant 0 : i32
      %dma_wait3A_142 = arith.constant 0 : i32
      %dma_wait3A_143 = tpu.memref_slice %arg6[%add3A_109, %dma_wait3A_141, %dma_wait3A_142] : memref<125x8x51200xf32, #tpu.memory_space<hbm>> -> memref<1x8x1280xf32, #tpu.memory_space<hbm>>
      %dma_wait3A_144 = tpu.memref_squeeze %dma_wait3A_143 : memref<1x8x1280xf32, #tpu.memory_space<hbm>> -> memref<8x1280xf32, #tpu.memory_space<hbm>>
      %dma_wait3A_145 = arith.constant 0 : i32
      %dma_wait3A_146 = arith.constant 0 : i32
      %dma_wait3A_147 = tpu.memref_slice %arg6[%add3A_109, %dma_wait3A_145, %dma_wait3A_146] : memref<125x8x51200xf32, #tpu.memory_space<hbm>> -> memref<1x8x1280xf32, #tpu.memory_space<hbm>>
      %dma_wait3A_148 = tpu.memref_squeeze %dma_wait3A_147 : memref<1x8x1280xf32, #tpu.memory_space<hbm>> -> memref<8x1280xf32, #tpu.memory_space<hbm>>
      %dma_wait3A_149 = arith.constant 0 : i32
      %dma_wait3A_150 = arith.constant 0 : i32
      %dma_wait3A_151 = tpu.memref_slice %arg13[%dma_wait3A, %dma_wait3A_149, %dma_wait3A_150] : memref<2x32x1280xf32, #tpu.memory_space<vmem>> -> memref<1x8x1280xf32, #tpu.memory_space<vmem>>
      %dma_wait3A_152 = tpu.memref_squeeze %dma_wait3A_151 : memref<1x8x1280xf32, #tpu.memory_space<vmem>> -> memref<8x1280xf32, #tpu.memory_space<vmem>>
      tpu.wait_dma2 semaphore(%arg18 : memref<!tpu.dma_semaphore, #tpu.memory_space<semaphore_mem>>) src(%dma_wait3A_152 : memref<8x1280xf32, #tpu.memory_space<vmem>>) dst(%dma_wait3A_148 : memref<8x1280xf32, #tpu.memory_space<hbm>>)
    } else {
    }
    %add3A_115 = arith.constant 32 : i32
    %add3A_116 = arith.addi %add3A, %add3A_115 : i32
    %lt3A_117 = arith.constant 125 : i32
    %lt3A_118 = arith.cmpi slt, %add3A_116, %lt3A_117 : i32
    %convert_element_type3A_119 = arith.extui %lt3A_118 : i1 to i32
    %cond3A_120 = arith.constant 0 : i32
    %cond3A_121 = arith.cmpi ne, %convert_element_type3A_119, %cond3A_120 : i32
    scf.if %cond3A_121 {
      %dma_wait3A = arith.constant 1 : i32
      %dma_wait3A_137 = arith.constant 8 : i32
      %dma_wait3A_138 = arith.constant 0 : i32
      %dma_wait3A_139 = tpu.memref_slice %arg13[%dma_wait3A, %dma_wait3A_137, %dma_wait3A_138] : memref<2x32x1280xf32, #tpu.memory_space<vmem>> -> memref<1x8x1280xf32, #tpu.memory_space<vmem>>
      %dma_wait3A_140 = tpu.memref_squeeze %dma_wait3A_139 : memref<1x8x1280xf32, #tpu.memory_space<vmem>> -> memref<8x1280xf32, #tpu.memory_space<vmem>>
      %dma_wait3A_141 = arith.constant 0 : i32
      %dma_wait3A_142 = arith.constant 0 : i32
      %dma_wait3A_143 = tpu.memref_slice %arg6[%add3A_116, %dma_wait3A_141, %dma_wait3A_142] : memref<125x8x51200xf32, #tpu.memory_space<hbm>> -> memref<1x8x1280xf32, #tpu.memory_space<hbm>>
      %dma_wait3A_144 = tpu.memref_squeeze %dma_wait3A_143 : memref<1x8x1280xf32, #tpu.memory_space<hbm>> -> memref<8x1280xf32, #tpu.memory_space<hbm>>
      %dma_wait3A_145 = arith.constant 0 : i32
      %dma_wait3A_146 = arith.constant 0 : i32
      %dma_wait3A_147 = tpu.memref_slice %arg6[%add3A_116, %dma_wait3A_145, %dma_wait3A_146] : memref<125x8x51200xf32, #tpu.memory_space<hbm>> -> memref<1x8x1280xf32, #tpu.memory_space<hbm>>
      %dma_wait3A_148 = tpu.memref_squeeze %dma_wait3A_147 : memref<1x8x1280xf32, #tpu.memory_space<hbm>> -> memref<8x1280xf32, #tpu.memory_space<hbm>>
      %dma_wait3A_149 = arith.constant 8 : i32
      %dma_wait3A_150 = arith.constant 0 : i32
      %dma_wait3A_151 = tpu.memref_slice %arg13[%dma_wait3A, %dma_wait3A_149, %dma_wait3A_150] : memref<2x32x1280xf32, #tpu.memory_space<vmem>> -> memref<1x8x1280xf32, #tpu.memory_space<vmem>>
      %dma_wait3A_152 = tpu.memref_squeeze %dma_wait3A_151 : memref<1x8x1280xf32, #tpu.memory_space<vmem>> -> memref<8x1280xf32, #tpu.memory_space<vmem>>
      tpu.wait_dma2 semaphore(%arg18 : memref<!tpu.dma_semaphore, #tpu.memory_space<semaphore_mem>>) src(%dma_wait3A_152 : memref<8x1280xf32, #tpu.memory_space<vmem>>) dst(%dma_wait3A_148 : memref<8x1280xf32, #tpu.memory_space<hbm>>)
    } else {
    }
    %add3A_122 = arith.constant 64 : i32
    %add3A_123 = arith.addi %add3A, %add3A_122 : i32
    %lt3A_124 = arith.constant 125 : i32
    %lt3A_125 = arith.cmpi slt, %add3A_123, %lt3A_124 : i32
    %convert_element_type3A_126 = arith.extui %lt3A_125 : i1 to i32
    %cond3A_127 = arith.constant 0 : i32
    %cond3A_128 = arith.cmpi ne, %convert_element_type3A_126, %cond3A_127 : i32
    scf.if %cond3A_128 {
      %dma_wait3A = arith.constant 1 : i32
      %dma_wait3A_137 = arith.constant 16 : i32
      %dma_wait3A_138 = arith.constant 0 : i32
      %dma_wait3A_139 = tpu.memref_slice %arg13[%dma_wait3A, %dma_wait3A_137, %dma_wait3A_138] : memref<2x32x1280xf32, #tpu.memory_space<vmem>> -> memref<1x8x1280xf32, #tpu.memory_space<vmem>>
      %dma_wait3A_140 = tpu.memref_squeeze %dma_wait3A_139 : memref<1x8x1280xf32, #tpu.memory_space<vmem>> -> memref<8x1280xf32, #tpu.memory_space<vmem>>
      %dma_wait3A_141 = arith.constant 0 : i32
      %dma_wait3A_142 = arith.constant 0 : i32
      %dma_wait3A_143 = tpu.memref_slice %arg6[%add3A_123, %dma_wait3A_141, %dma_wait3A_142] : memref<125x8x51200xf32, #tpu.memory_space<hbm>> -> memref<1x8x1280xf32, #tpu.memory_space<hbm>>
      %dma_wait3A_144 = tpu.memref_squeeze %dma_wait3A_143 : memref<1x8x1280xf32, #tpu.memory_space<hbm>> -> memref<8x1280xf32, #tpu.memory_space<hbm>>
      %dma_wait3A_145 = arith.constant 0 : i32
      %dma_wait3A_146 = arith.constant 0 : i32
      %dma_wait3A_147 = tpu.memref_slice %arg6[%add3A_123, %dma_wait3A_145, %dma_wait3A_146] : memref<125x8x51200xf32, #tpu.memory_space<hbm>> -> memref<1x8x1280xf32, #tpu.memory_space<hbm>>
      %dma_wait3A_148 = tpu.memref_squeeze %dma_wait3A_147 : memref<1x8x1280xf32, #tpu.memory_space<hbm>> -> memref<8x1280xf32, #tpu.memory_space<hbm>>
      %dma_wait3A_149 = arith.constant 16 : i32
      %dma_wait3A_150 = arith.constant 0 : i32
      %dma_wait3A_151 = tpu.memref_slice %arg13[%dma_wait3A, %dma_wait3A_149, %dma_wait3A_150] : memref<2x32x1280xf32, #tpu.memory_space<vmem>> -> memref<1x8x1280xf32, #tpu.memory_space<vmem>>
      %dma_wait3A_152 = tpu.memref_squeeze %dma_wait3A_151 : memref<1x8x1280xf32, #tpu.memory_space<vmem>> -> memref<8x1280xf32, #tpu.memory_space<vmem>>
      tpu.wait_dma2 semaphore(%arg18 : memref<!tpu.dma_semaphore, #tpu.memory_space<semaphore_mem>>) src(%dma_wait3A_152 : memref<8x1280xf32, #tpu.memory_space<vmem>>) dst(%dma_wait3A_148 : memref<8x1280xf32, #tpu.memory_space<hbm>>)
    } else {
    }
    %add3A_129 = arith.constant 96 : i32
    %add3A_130 = arith.addi %add3A, %add3A_129 : i32
    %lt3A_131 = arith.constant 125 : i32
    %lt3A_132 = arith.cmpi slt, %add3A_130, %lt3A_131 : i32
    %convert_element_type3A_133 = arith.extui %lt3A_132 : i1 to i32
    %cond3A_134 = arith.constant 0 : i32
    %cond3A_135 = arith.cmpi ne, %convert_element_type3A_133, %cond3A_134 : i32
    scf.if %cond3A_135 {
      %dma_wait3A = arith.constant 1 : i32
      %dma_wait3A_137 = arith.constant 24 : i32
      %dma_wait3A_138 = arith.constant 0 : i32
      %dma_wait3A_139 = tpu.memref_slice %arg13[%dma_wait3A, %dma_wait3A_137, %dma_wait3A_138] : memref<2x32x1280xf32, #tpu.memory_space<vmem>> -> memref<1x8x1280xf32, #tpu.memory_space<vmem>>
      %dma_wait3A_140 = tpu.memref_squeeze %dma_wait3A_139 : memref<1x8x1280xf32, #tpu.memory_space<vmem>> -> memref<8x1280xf32, #tpu.memory_space<vmem>>
      %dma_wait3A_141 = arith.constant 0 : i32
      %dma_wait3A_142 = arith.constant 0 : i32
      %dma_wait3A_143 = tpu.memref_slice %arg6[%add3A_130, %dma_wait3A_141, %dma_wait3A_142] : memref<125x8x51200xf32, #tpu.memory_space<hbm>> -> memref<1x8x1280xf32, #tpu.memory_space<hbm>>
      %dma_wait3A_144 = tpu.memref_squeeze %dma_wait3A_143 : memref<1x8x1280xf32, #tpu.memory_space<hbm>> -> memref<8x1280xf32, #tpu.memory_space<hbm>>
      %dma_wait3A_145 = arith.constant 0 : i32
      %dma_wait3A_146 = arith.constant 0 : i32
      %dma_wait3A_147 = tpu.memref_slice %arg6[%add3A_130, %dma_wait3A_145, %dma_wait3A_146] : memref<125x8x51200xf32, #tpu.memory_space<hbm>> -> memref<1x8x1280xf32, #tpu.memory_space<hbm>>
      %dma_wait3A_148 = tpu.memref_squeeze %dma_wait3A_147 : memref<1x8x1280xf32, #tpu.memory_space<hbm>> -> memref<8x1280xf32, #tpu.memory_space<hbm>>
      %dma_wait3A_149 = arith.constant 24 : i32
      %dma_wait3A_150 = arith.constant 0 : i32
      %dma_wait3A_151 = tpu.memref_slice %arg13[%dma_wait3A, %dma_wait3A_149, %dma_wait3A_150] : memref<2x32x1280xf32, #tpu.memory_space<vmem>> -> memref<1x8x1280xf32, #tpu.memory_space<vmem>>
      %dma_wait3A_152 = tpu.memref_squeeze %dma_wait3A_151 : memref<1x8x1280xf32, #tpu.memory_space<vmem>> -> memref<8x1280xf32, #tpu.memory_space<vmem>>
      tpu.wait_dma2 semaphore(%arg18 : memref<!tpu.dma_semaphore, #tpu.memory_space<semaphore_mem>>) src(%dma_wait3A_152 : memref<8x1280xf32, #tpu.memory_space<vmem>>) dst(%dma_wait3A_148 : memref<8x1280xf32, #tpu.memory_space<hbm>>)
    } else {
    }
    %swap3A = arith.constant 0 : index
    %swap3A_136 = tpu.vector_load %arg14[%swap3A] {strides = array<i32>} : memref<16xf32, #tpu.memory_space<vmem>>, vector<16xf32>,
    tpu.vector_store %arg14[%swap3A], %scan3A_78 {strides = array<i32>} : memref<16xf32, #tpu.memory_space<vmem>>, vector<16xf32>,
    "tpu.region"() ({
      %run_scoped3A = tpu.sem_alloc : memref<!tpu.dma_semaphore, #tpu.memory_space<semaphore_mem>>
      %dma_start3A_137 = arith.constant 0 : i32
      %dma_start3A_138 = tpu.memref_slice %arg7[%add3A, %dma_start3A_137] : memref<32x16xf32, #tpu.memory_space<hbm>> -> memref<1x16xf32, #tpu.memory_space<hbm>>
      %dma_start3A_139 = tpu.memref_squeeze %dma_start3A_138 : memref<1x16xf32, #tpu.memory_space<hbm>> -> memref<16xf32, #tpu.memory_space<hbm>>
      %dma_start3A_140 = arith.constant 0 : i32
      %dma_start3A_141 = tpu.memref_slice %arg7[%add3A, %dma_start3A_140] : memref<32x16xf32, #tpu.memory_space<hbm>> -> memref<1x16xf32, #tpu.memory_space<hbm>>
      %dma_start3A_142 = tpu.memref_squeeze %dma_start3A_141 : memref<1x16xf32, #tpu.memory_space<hbm>> -> memref<16xf32, #tpu.memory_space<hbm>>
      tpu.enqueue_dma source(%arg14 : memref<16xf32, #tpu.memory_space<vmem>>) target(%dma_start3A_142 : memref<16xf32, #tpu.memory_space<hbm>>) target_semaphore(%run_scoped3A : memref<!tpu.dma_semaphore, #tpu.memory_space<semaphore_mem>>)
      %dma_wait3A = arith.constant 0 : i32
      %dma_wait3A_143 = tpu.memref_slice %arg7[%add3A, %dma_wait3A] : memref<32x16xf32, #tpu.memory_space<hbm>> -> memref<1x16xf32, #tpu.memory_space<hbm>>
      %dma_wait3A_144 = tpu.memref_squeeze %dma_wait3A_143 : memref<1x16xf32, #tpu.memory_space<hbm>> -> memref<16xf32, #tpu.memory_space<hbm>>
      %dma_wait3A_145 = arith.constant 0 : i32
      %dma_wait3A_146 = tpu.memref_slice %arg7[%add3A, %dma_wait3A_145] : memref<32x16xf32, #tpu.memory_space<hbm>> -> memref<1x16xf32, #tpu.memory_space<hbm>>
      %dma_wait3A_147 = tpu.memref_squeeze %dma_wait3A_146 : memref<1x16xf32, #tpu.memory_space<hbm>> -> memref<16xf32, #tpu.memory_space<hbm>>
      tpu.wait_dma2 semaphore(%run_scoped3A : memref<!tpu.dma_semaphore, #tpu.memory_space<semaphore_mem>>) src(%arg14 : memref<16xf32, #tpu.memory_space<vmem>>) dst(%dma_wait3A_147 : memref<16xf32, #tpu.memory_space<hbm>>)
      tpu.yield
    }) : () -> ()
    return
  }
}

module attributes {stable_mosaic.version = 14 : i64} {
  func.func @_lse_body(%arg0: memref<1000x1000xf32, #tpu.memory_space<vmem>>, %arg1: memref<1000xf32, #tpu.memory_space<vmem>>) attributes {dimension_semantics = [], scalar_prefetch = 0 : i64, scratch_operands = 0 : i64, tpu.core_type = #tpu.core_type<tc>} {
    %get3A = arith.constant 0 : index
    %get3A_0 = arith.constant 0 : index
    %get3A_1 = vector.load %arg0[%get3A, %get3A_0] : memref<1000x1000xf32, #tpu.memory_space<vmem>>, vector<1000x1000xf32>
    %reduce_max3A = arith.constant dense<0xFF800000> : vector<1000xf32>
    %reduce_max3A_2 = vector.multi_reduction <maximumf>, %get3A_1, %reduce_max3A [1] : vector<1000x1000xf32> to vector<1000xf32>
    %broadcast_in_dim3A = vector.shape_cast %reduce_max3A_2 : vector<1000xf32> to vector<1000x1xf32>
    %sub3A = vector.broadcast %broadcast_in_dim3A : vector<1000x1xf32> to vector<1000x1000xf32>
    %sub3A_3 = arith.subf %get3A_1, %sub3A : vector<1000x1000xf32>
    %exp3A = math.exp %sub3A_3 : vector<1000x1000xf32>
    %reduce_sum3A = arith.constant dense<0.000000e+00> : vector<1000xf32>
    %reduce_sum3A_4 = vector.multi_reduction <add>, %exp3A, %reduce_sum3A [1] : vector<1000x1000xf32> to vector<1000xf32>
    %log3A = math.log %reduce_sum3A_4 : vector<1000xf32>
    %add3A = arith.addf %reduce_max3A_2, %log3A : vector<1000xf32>
    %swap3A = arith.constant 0 : index
    %swap3A_5 = vector.load %arg1[%swap3A] : memref<1000xf32, #tpu.memory_space<vmem>>, vector<1000xf32>
    tpu.vector_store %arg1[%swap3A], %add3A {strides = array<i32>} : memref<1000xf32, #tpu.memory_space<vmem>>, vector<1000xf32>,
    return
  }
}

module attributes {stable_mosaic.version = 14 : i64} {
  func.func @_loss_body(%arg0: memref<32x16xf32, #tpu.memory_space<vmem>>, %arg1: memref<1x1xf32, #tpu.memory_space<smem>>) attributes {dimension_semantics = [], scalar_prefetch = 0 : i64, scratch_operands = 0 : i64, tpu.core_type = #tpu.core_type<tc>} {
    %get3A = arith.constant 0 : index
    %get3A_0 = arith.constant 0 : index
    %get3A_1 = vector.load %arg0[%get3A, %get3A_0] : memref<32x16xf32, #tpu.memory_space<vmem>>, vector<32x16xf32>
    %reduce_sum3A = vector.shape_cast %get3A_1 : vector<32x16xf32> to vector<1x32x16xf32>
    %reduce_sum3A_2 = arith.constant dense<0.000000e+00> : vector<1xf32>
    %reduce_sum3A_3 = vector.multi_reduction <add>, %reduce_sum3A, %reduce_sum3A_2 [1, 2] : vector<1x32x16xf32> to vector<1xf32>
    %reduce_sum3A_4 = vector.shape_cast %reduce_sum3A_3 : vector<1xf32> to vector<1x1x1xf32>
    %reduce_sum3A_5 = vector.extract %reduce_sum3A_4[0, 0, 0] : f32 from vector<1x1x1xf32>
    %mul3A = arith.constant 1.95312496E-5 : f32
    %mul3A_6 = arith.mulf %reduce_sum3A_5, %mul3A : f32
    %swap3A = arith.constant 0 : index
    %swap3A_7 = arith.constant 0 : index
    %swap3A_8 = memref.load %arg1[%swap3A, %swap3A_7] : memref<1x1xf32, #tpu.memory_space<smem>>
    memref.store %mul3A_6, %arg1[%swap3A, %swap3A_7] : memref<1x1xf32, #tpu.memory_space<smem>>
    return
  }
}

</mosaic_0001>

<sc_bundles>
// kernel: kernel.5.cloned.1.call-start
scs
__scs_entry_jumppad:
0x0: {  	(pc) =	sbr.rel $0x88, $3  }
0x1: {  	(tag) =	ssettag $0x0;
	lr =	simm.s32 $0x1  }
0x2: {  	[smem:$0x3F9E] =	sst lr;
	_ =	strace $0xD0000000  }
0x3: {  	_ = 	snop  }
0x4: {  	_ = 	snop  }
0x5: {  	_ = 	snop  }
0x6: {  	_ = 	snop  }
0x7: {  	_ = 	snop  }
__scs_overlays_trampoline_lowered:
0x8: {  	[smem:$0x3FAD] =	sst s0  }
0x9: {  	[smem:$0x3FAE] =	sst s1  }
0xa: {  	[smem:$0x3FAF] =	sst s2  }
0xb: {  	[smem:$0x3FB0] =	sst s3  }
0xc: {  	[smem:$0x3FB1] =	sst s4  }
0xd: {  	[smem:$0x3FB2] =	sst s5  }
0xe: {  	[smem:$0x3FB3] =	sst s6  }
0xf: {  	[smem:$0x3FB4] =	sst s7  }
0x10: {  	[smem:$0x3FB5] =	sst s8  }
0x11: {  	[smem:$0x3FB6] =	sst s9;
	s0 =	simm.s32 @!p0 $0x0  }
0x12: {  	s1 =	sld [smem:$0x3F9C];
	s0 =	simm.s32 @p0 $0x1  }
0x13: {  	[smem:$0x3FB7] =	sst s0;
	s0 =	simm.s32 @!p1 $0x0  }
0x14: {  	s2 =	sld [smem:$0x3F9B];
	s0 =	simm.s32 @p1 $0x1  }
0x15: {  	[smem:$0x3FB8] =	sst s0;
	s0 =	simm.s32 @!p2 $0x0  }
0x16: {  	s3 =	sld [smem:$0x3FDB];
	s0 =	simm.s32 @p2 $0x1  }
0x17: {  	s4 =	simm.s32 $0x1BF5;
	[smem:$0x3FBA] =	sst s0  }
0x18: {  	s0 =	sld [smem:$0x3F9D];
	_ =	swait.ge [sflag:s4], $0x0  }
0x19: {  	s7 =	sld [smem:$0x3F9E]  }
0x1a: {  	s8 =	sadd.s32 $0xFFFFE003, lr  }
0x1b: {  	s9 =	sadd.s32 $0xFFFFFEF7, lr;
	s5 =	simm.s32 $0xFFFFFFFF;
	p2 =	slt.u32 s8, $0xFFFFF086  }
0x1c: {  	p1 =	slt.u32 s9, $0xF7A;
	s5 =	simm.s32 @!p2 $0x0  }
0x1d: {  	s5 =	simm.s32 @p1 $0x1;
	p0 =	seq.s32 s7, s2  }
0x1e: {  	s7 =	smul.u32 @!p0 $0xF7A, s2;
	p2 =	seq.s32 @!p0 s5, $0x0  }
0x1f: {  	s9 =	smul.u32 $0xF7A, s1;
	s8 =	simm.s32 @!p0 $0x1BF5;
	p2 =	por !p2, p0  }
0x20: {  	[sflag:s8] =	ssyncset.s32 @!p0 $0xFFFFF086;
	s6 =	sadd.s32 @!p0 s3, s7;
	s7 =	simm.s32 @!p0 $0x108  }
0x21: {  	s3 =	sadd.s32 s3, s9;
	s6 =	sadd.s32 @!p0 $0x88, s6;
	s7 =	simm.s32 @p2 $0x1082  }
0x22: {  	[simem:s7], [sflag:s8] =	dma.local @!p0 [hbm:s6], $0xF7A  }
0x23: {  	s9 =	sor.u32 $0xD0000000, s2;
	s6 =	simm.s32 $0x108;
	_ =	swait.ge @!p0 [sflag:s8], $0x0  }
0x24: {  	s3 =	sadd.s32 $0x88, s3;
	s6 =	simm.s32 @!p1 $0x1082;
	[sflag:s4] =	ssyncset.s32 $0xFFFFF086  }
0x25: {  	[simem:s6], [sflag:s4] =	dma.local [hbm:s3], $0xF7A  }
0x26: {  	[smem:$0x3F9E] =	sst s1;
	(tag) =	ssettag s2;
	_ =	strace s9  }
0x27: {  	s1 =	sld [smem:$0x3FAE]  }
0x28: {  	s2 =	sld [smem:$0x3FAF]  }
0x29: {  	s4 =	sld [smem:$0x3FB1]  }
0x2a: {  	p0 =	seq.s32 s5, $0x0;
	s5 =	sld [smem:$0x3FB2]  }
0x2b: {  	s6 =	sld [smem:$0x3FB3]  }
0x2c: {  	s7 =	sld [smem:$0x3FB4]  }
0x2d: {  	s3 =	simm.s32 $0x108;
	s8 =	sld [smem:$0x3FB5]  }
0x2e: {  	s3 =	simm.s32 @!p0 $0x1082;
	s9 =	sld [smem:$0x3FB6]  }
0x2f: {  	lr =	sadd.s32 s0, s3;
	s0 =	sld [smem:$0x3FAD]  }
0x30: {  	s3 =	sld [smem:$0x3FB0]  }
0x31: {  	[smem:$0x3FB9] =	sst s10  }
0x32: {  	s10 =	sld [smem:$0x3FB7];
	_ =	sdelay $0x3  }
0x33: {  	p0 =	seq.s32 s10, $0x1;
	s10 =	sld [smem:$0x3FB9];
	_ =	sdelay $0x3  }
0x34: {  	[smem:$0x3FB9] =	sst s10  }
0x35: {  	s10 =	sld [smem:$0x3FB8];
	_ =	sdelay $0x3  }
0x36: {  	p1 =	seq.s32 s10, $0x1;
	s10 =	sld [smem:$0x3FB9];
	_ =	sdelay $0x3  }
0x37: {  	[smem:$0x3FB9] =	sst s10  }
0x38: {  	s10 =	sld [smem:$0x3FBA]  }
0x39: {  	_ = 	snop;
	(pc) =	sbr.ind lr, $3  }
0x3a: {  	_ = 	snop  }
0x3b: {  	_ = 	snop  }
0x3c: {  	p2 =	seq.s32 s10, $0x1;
	s10 =	sld [smem:$0x3FB9]  }
0x3d: {  	_ =	shalt  }
0x3e: {  	_ =	shalt  }
0x3f: {  	_ =	shalt  }
0x40: {  	_ =	shalt  }
0x41: {  	_ =	shalt  }
0x42: {  	_ =	shalt  }
0x43: {  	_ =	shalt  }
0x44: {  	_ =	shalt  }
0x45: {  	_ =	shalt  }
0x46: {  	_ =	shalt  }
0x47: {  	_ =	shalt  }
0x48: {  	_ =	shalt  }
0x49: {  	_ =	shalt  }
0x4a: {  	_ =	shalt  }
0x4b: {  	_ =	shalt  }
0x4c: {  	_ =	shalt  }
0x4d: {  	_ =	shalt  }
0x4e: {  	_ =	shalt  }
0x4f: {  	_ =	shalt  }
0x50: {  	_ =	shalt  }
0x51: {  	_ =	shalt  }
0x52: {  	_ =	shalt  }
0x53: {  	_ =	shalt  }
0x54: {  	_ =	shalt  }
0x55: {  	_ =	shalt  }
0x56: {  	_ =	shalt  }
0x57: {  	_ =	shalt  }
0x58: {  	_ =	shalt  }
0x59: {  	_ =	shalt  }
0x5a: {  	_ =	shalt  }
0x5b: {  	_ =	shalt  }
0x5c: {  	_ =	shalt  }
0x5d: {  	_ =	shalt  }
0x5e: {  	_ =	shalt  }
0x5f: {  	_ =	shalt  }
0x60: {  	_ =	shalt  }
0x61: {  	_ =	shalt  }
0x62: {  	_ =	shalt  }
0x63: {  	_ =	shalt  }
0x64: {  	_ =	shalt  }
0x65: {  	_ =	shalt  }
0x66: {  	_ =	shalt  }
0x67: {  	_ =	shalt  }
0x68: {  	_ =	shalt  }
0x69: {  	_ =	shalt  }
0x6a: {  	_ =	shalt  }
0x6b: {  	_ =	shalt  }
0x6c: {  	_ =	shalt  }
0x6d: {  	_ =	shalt  }
0x6e: {  	_ =	shalt  }
0x6f: {  	_ =	shalt  }
0x70: {  	_ =	shalt  }
0x71: {  	_ =	shalt  }
0x72: {  	_ =	shalt  }
0x73: {  	_ =	shalt  }
0x74: {  	_ =	shalt  }
0x75: {  	_ =	shalt  }
0x76: {  	_ =	shalt  }
0x77: {  	_ =	shalt  }
0x78: {  	_ =	shalt  }
0x79: {  	_ =	shalt  }
0x7a: {  	_ =	shalt  }
0x7b: {  	_ =	shalt  }
0x7c: {  	_ =	shalt  }
0x7d: {  	_ =	shalt  }
0x7e: {  	_ =	shalt  }
0x7f: {  	_ =	shalt  }
0x80: {  	_ =	shalt  }
0x81: {  	_ =	shalt  }
0x82: {  	_ =	shalt  }
0x83: {  	_ =	shalt  }
0x84: {  	_ =	shalt  }
0x85: {  	_ =	shalt  }
0x86: {  	_ =	shalt  }
0x87: {  	_ =	shalt  }
.Lfunc_end0:
.L_simem_size_0:
called_computation_lowered:
.L_overlay_start_0:
0x88: {  	s2 =	sld [smem:$0x3FD9]  }
0x89: {  	s3 =	sld [smem:$0x3FFE];
	_ =	sdelay $0x1  }
0x8a: {  	s1 =	srdreg.scid  }
0x8b: {  	s0 =	sand.u32 $0x1, s1  }
0x8c: {  	s14 =	sshll.u32 s0, $0xA;
	s2 =	sadd.s32 s3, s2  }
0x8d: {  	s2 =	sadd.s32 s2, s14  }
0x8e: {  	[smem:$0x3FC5] =	sst s2  }
0x8f: {  	_ = 	snop  }
0x90: {  	s2 =	sld [smem:$0x3FD0];
	_ =	sdelay $0x2  }
0x91: {  	s15 =	simm.s32 $0xA;
	s4 =	simm.s32 $0x10  }
0x92: {  	[smem:s4], [sflag:s15] =	dma.local [hbm:s2], $0x1  }
0x93: {  	_ =	swait.eq [sflag:s15], $0x1  }
0x94: {  	[sflag:s15] =	ssyncset.done $0x0  }
0x95: {  	[sflag:s15] =	ssyncadd.s32 $0xFFFFFFFF  }
0x96: {  	s16 =	sld [smem:$0x10];
	(tm) =	ssettm $0x1  }
0x97: {  	s17 =	sld [smem:$0x3FFB];
	_ =	sdelay $0x3  }
0x98: {  	_ =	strace s17  }
0x99: {  	s3 =	sld [smem:$0x3FFC];
	_ =	sdelay $0x3  }
0x9a: {  	_ =	strace s3  }
0x9b: {  	s3 =	sld [smem:$0x3FFD];
	_ =	sdelay $0x3  }
0x9c: {  	_ =	strace s3  }
0x9d: {  	_ =	strace $0x8FFFFFFF  }
0x9e: {  	s18 =	sld [smem:$0x3FDB];
	_ =	sdelay $0x1  }
0x9f: {  	s19 =	simm.s32 $_scs_section_size  }
0xa0: {  	s5 =	simm.s32 $_size__tile_overlayer_lowered;
	s6 =	simm.s32 $_tile_overlayer_lowered  }
0xa1: {  	s22 =	simm.s32 $0x1BFF;
	s21 =	sshll.u32 s6, $0x1;
	s3 =	sadd.s32 s19, s18  }
0xa2: {  	s7 =	simm.s32 $0x0;
	s20 =	sshll.u32 s5, $0x1;
	s5 =	sadd.s32 s21, s3  }
0xa3: {  	[timem:s7], [sflag:s22] =	dma.local [hbm:s5], s20  }
0xa4: {  	_ =	swait.ge [sflag:s22], s20  }
0xa5: {  	s4 =	ssub.s32 $0x0, s20;
	[sflag:s22] =	ssyncset.done $0x0  }
0xa6: {  	[sflag:s22] =	ssyncadd.s32 s4;
	_ =	sdelay $0x1  }
0xa7: {  	s23 =	simm.s32 $0x1B8B  }
0xa8: {  	_ =	swait.ge [sflag:s23], $0x1  }
0xa9: {  	[sflag:s23] =	ssyncset.done $0x0  }
0xaa: {  	s25 =	simm.s32 $0x1B8E;
	s24 =	sld [smem:$0x3FFE];
	[sflag:s23] =	ssyncadd.s32 $0xFFFFFFFF  }
0xab: {  	s26 =	simm.s32 $execute0_lowered;
	[smem:$0x3FD2] =	sst s25  }
0xac: {  	s5 =	sshll.u32 s26, $0x1;
	_ =	strace $0x80000046;
	[dreg:$0x1] =	wrdreg $0xFFFFFFFF  }
0xad: {  	s28 =	simm.s32 $_size_execute0_lowered;
	s3 =	sadd.s32 s3, s5;
	[dreg:$0x0] =	wrdreg $0x0  }
0xae: {  	s5 =	sshll.u32 s28, $0x1;
	[dreg:$0x2] =	wrdreg s3  }
0xaf: {  	[dreg:$0x3] =	wrdreg s5  }
0xb0: {  	[dreg:$0x4] =	wrdreg $0xC0  }
0xb1: {  	_ =	task [dreg:s7], $0x5FFFF  }
0xb2: {  	[dreg:$0x1] =	wrdreg $0xFFFFFFFF  }
0xb3: {  	[dreg:$0x0] =	wrdreg $0x60  }
0xb4: {  	[dreg:$0x2] =	wrdreg s24  }
0xb5: {  	[dreg:$0x3] =	wrdreg s16  }
0xb6: {  	[dreg:$0x4] =	wrdreg $0x9  }
0xb7: {  	_ =	task.clear_ibuf [dreg:s7], $0x5FFFF;
	_ =	strace $0x90000046  }
0xb8: {  	s29 =	simm.s32 $0x9;
	_ =	strace $0x80000048  }
0xb9: {  	_ =	swait.ge [sflag:s29], $0x1  }
0xba: {  	[sflag:s29] =	ssyncadd.s32 $0xFFFFFFFF  }
0xbb: {  	_ =	strace $0x90000048  }
0xbc: {  	_ =	sfence  }
0xbd: {  	s30 =	sld [smem:$0x0];
	_ =	sdelay $0x2  }
0xbe: {  	s31 =	sshll.u32 s1, $0xD;
	s1 =	sshrl.u32 s1, $0x2  }
0xbf: {  	s3 =	sand.u32 $0x4000, s31;
	s1 =	sadd.s32 s1, s30  }
0xc0: {  	s0 =	sor.u32 s3, s0;
	s1 =	sshll.u32 s1, $0x11  }
0xc1: {  	s0 =	sor.u32 s1, s0  }
0xc2: {  	s0 =	sadd.s32 $0x8F2B, s0  }
0xc3: {  	[sflag:s0] =	ssyncadd.remote.s32 $0x1  }
0xc4: {  	_ =	sfence.sel $0xFFFF  }
0xc5: {  	[dreg:$0x0] =	wrdreg $0xFFFFFFFF;
	(pc) =	sbr.abs _section_cstart, $3  }
0xc6: {  	[dreg:$0x1] =	wrdreg $0xFFFFFFFF  }
0xc7: {  	_ =	task.clear_ibuf [dreg:s7], $0x2FFFF;
	_ =	strace $0x9FFFFFFF  }
0xc8: {  	(tm) =	ssettm $0x7FFFFFFF  }
0xc9: {  	_ =	shalt  }
tec
execute0_lowered:
.L_overlay_start_1:
0x0: {  	(tag) =	ssettag $0x1  }
0x1: {  	s8 =	rddreg [dreg:$0x0]  }
0x2: {  	s2 =	rddreg [dreg:$0x1];
	s3 =	simm.s32 $0x0;
	s0 =	srdreg.scid  }
0x3: {  	s1 =	stileid.u32;
	[smem:$0x7FF] =	sst s3  }
0x4: {  	s0 =	sand.u32 $0x1, s0;
	s1 =	sshll.u32 s1, $0x1;
	s7 =	sadd.s32 $0x4800, s8  }
0x5: {  	s5 =	sadd.s32 $0x1400, s8;
	s6 =	sadd.s32 $0x2E00, s8;
	s12 =	sadd.s32 $0x1200, s8  }
0x6: {  	s25 =	sadd.s32 $0x1410, s8;
	_ =	strace $0x80000047;
	[dreg:$0x3] =	wrdreg s12  }
0x7: {  	s26 =	sadd.s32 $0x1420, s8;
	s4 =	sor.u32 s0, s1;
	[dreg:$0xb] =	wrdreg s25  }
0x8: {  	s0 =	ssub.s32 $0x2, s0;
	[dreg:$0xc] =	wrdreg s26;
	s12 =	sadd.s32 $0x1470, s8  }
0x9: {  	s25 =	sadd.s32 $0x2E60, s8;
	s26 =	sadd.s32 $0x2E70, s8;
	s1 =	smul.u32 $0x3E8, s4  }
0xa: {  	s9 =	sor.u32 $0x20, s4;
	s11 =	sor.u32 $0x40, s4;
	s17 =	sor.u32 $0x60, s4  }
0xb: {  	s13 =	sshll.u32 s4, $0x4;
	s15 =	smul.u32 $0xC8, s4;
	[dreg:$0x11] =	wrdreg s12  }
0xc: {  	s31 =	sshrl.u32 s0, $0x1;
	[dreg:$0x19] =	wrdreg s25;
	s12 =	smul.u32 $0x64000, s4  }
0xd: {  	[dreg:$0x1a] =	wrdreg s26;
	p0 =	sgt.u32 s4, $0x1C;
	s10 =	smul.u32 $0x3E8, s9  }
0xe: {  	s25 =	simm.s32 $0x18B80;
	s26 =	simm.s32 $0x3;
	s30 =	smul.u32 $0x3E8, s11  }
0xf: {  	s14 =	smul.u32 $0x3E8, s17;
	s19 =	ssub.s32 s0, s31;
	s31 =	sadd.s32 $0x1440, s8  }
0x10: {  	s18 =	sadd.s32 s13, s8;
	s13 =	sadd.s32 s7, s1;
	[dreg:$0xe] =	wrdreg s31  }
0x11: {  	s0 =	sshll.u32 s17, $0x3;
	s22 =	sadd.s32 s5, s15;
	[dreg:$0x4] =	wrdreg s13  }
0x12: {  	s17 =	smul.u32 $0x64000, s17;
	s23 =	sadd.s32 $0x23200, s18;
	[dreg:$0x8] =	wrdreg s22  }
0x13: {  	s15 =	smul.u32 $0x64000, s9;
	s24 =	smax.u32 s19, $0x1;
	[dreg:$0x9] =	wrdreg s23  }
0x14: {  	s1 =	sshll.u32 s11, $0x3;
	s18 =	sadd.s32 $0x1480, s8;
	[dreg:$0xa] =	wrdreg s24  }
0x15: {  	s19 =	sadd.s32 $0x1490, s8;
	s31 =	sshll.u32 s4, $0x3;
	[dreg:$0x12] =	wrdreg s18  }
0x16: {  	s29 =	sadd.s32 $0x8, s0;
	s16 =	sadd.s32 s7, s10;
	[dreg:$0x13] =	wrdreg s19  }
0x17: {  	s20 =	sadd.s32 s7, s30;
	s21 =	sadd.s32 s7, s14;
	[dreg:$0x5] =	wrdreg s16  }
0x18: {  	s13 =	sadd.s32 $0x14A0, s8;
	s14 =	sadd.s32 $0x2EA0, s8;
	[dreg:$0x6] =	wrdreg s20  }
0x19: {  	s7 =	sshll.u32 s9, $0x3;
	s30 =	sadd.s32 $0x1430, s8;
	[dreg:$0x7] =	wrdreg s21  }
0x1a: {  	s10 =	sadd.s32 $0x1450, s8;
	s22 =	sadd.s32 $0x2E30, s8;
	[dreg:$0xd] =	wrdreg s30  }
0x1b: {  	s23 =	sadd.s32 $0x2E40, s8;
	s24 =	sadd.s32 $0x2E50, s8;
	[dreg:$0xf] =	wrdreg s10  }
0x1c: {  	s28 =	sadd.s32 $0x8, s1;
	s18 =	simm.s32 $0x5;
	[dreg:$0x16] =	wrdreg s22  }
0x1d: {  	s19 =	simm.s32 $0x9100;
	v7 =	vmov s29;
	s29 =	simm.s32 $0x0;
	[dreg:$0x17] =	wrdreg s23  }
0x1e: {  	s16 =	smul.u32 $0x64000, s11;
	s11 =	sadd.s32 $0x1460, s8;
	[dreg:$0x18] =	wrdreg s24  }
0x1f: {  	s20 =	sadd.s32 $0x2E10, s8;
	s21 =	sadd.s32 $0x2E20, s8;
	[dreg:$0x10] =	wrdreg s11  }
.Ltmp0:
0x20: {  	s30 =	sadd.s32 $0x2E80, s8;
	[dreg:$0x14] =	wrdreg s20;
	(pc) =	sbr.rel .LBB2_1-.Ltmp0, $4  }
0x21: {  	s8 =	sadd.s32 $0x2E90, s8;
	s24 =	sadd.s32 $0x8, s7;
	[dreg:$0x15] =	wrdreg s21  }
0x22: {  	v6 =	vmov s0;
	s22 =	simm.s32 $0xEB80;
	s23 =	simm.s32 $0x13B80;
	[dreg:$0x1b] =	wrdreg s30  }
0x23: {  	v0 =	vmov s31;
	v4 =	vmov s1;
	v5 =	vmov s28;
	s28 =	simm.s32 $0x4;
	[dreg:$0x1c] =	wrdreg s8;
	s21 =	sadd.s32 $0x8, s31  }
0x24: {  	v2 =	vmov s7;
	s20 =	simm.s32 $0x9B80;
	v3 =	vmov s24;
	s24 =	simm.s32 $0x16380;
	v1 =	vmov s21;
	s21 =	simm.s32 $0xC380  }
.LBB2_13:
0x25: {  	_ =	swait.ge [sflag:s26], $0x2800  }
0x26: {  	[sflag:s26] =	ssyncset.done $0x0  }
0x27: {  	[sflag:s26] =	ssyncadd.s32 $0xFFFFD800  }
0x28: {  	_ =	swait.ge [sflag:s26], $0x2800  }
0x29: {  	[sflag:s26] =	ssyncset.done $0x0  }
0x2a: {  	[sflag:s26] =	ssyncadd.s32 $0xFFFFD800  }
0x2b: {  	_ =	swait.ge [sflag:s26], $0x2800  }
0x2c: {  	[sflag:s26] =	ssyncset.done $0x0  }
0x2d: {  	s0 =	simm.s32 @!p0 $0x3;
	[sflag:s26] =	ssyncadd.s32 $0xFFFFD800  }
0x2e: {  	_ =	swait.ge @!p0 [sflag:s0], $0x2800  }
0x2f: {  	[sflag:s0] =	ssyncset.done @!p0 $0x0  }
0x30: {  	[sflag:s0] =	ssyncadd.s32 @!p0 $0xFFFFD800;
	s0 =	simm.s32 @!p0 $0x4  }
0x31: {  	_ =	swait.ge @!p0 [sflag:s0], $0x2800  }
0x32: {  	[sflag:s0] =	ssyncset.done @!p0 $0x0  }
0x33: {  	[sflag:s0] =	ssyncadd.s32 @!p0 $0xFFFFD800  }
0x34: {  	_ =	swait.ge [sflag:s28], $0x2800  }
0x35: {  	[sflag:s28] =	ssyncset.done $0x0  }
0x36: {  	[sflag:s28] =	ssyncadd.s32 $0xFFFFD800  }
0x37: {  	_ =	swait.ge [sflag:s28], $0x2800  }
0x38: {  	[sflag:s28] =	ssyncset.done $0x0  }
0x39: {  	[sflag:s28] =	ssyncadd.s32 $0xFFFFD800  }
0x3a: {  	_ =	swait.ge [sflag:s28], $0x2800  }
0x3b: {  	[sflag:s28] =	ssyncset.done $0x0  }
0x3c: {  	[sflag:s28] =	ssyncadd.s32 $0xFFFFD800  }
0x3d: {  	s1 =	simm.s32 $0x1DB80;
	s30 =	rddreg [dreg:$0x9];
	[tilespmem:$0x1DB80] =	vst v8  }
0x3e: {  	[hbm4b:s30+s3] =	stream.linear.scatter [tilespmem:s1], [sflag:$0x5], $0x80, $0x38;
	[tilespmem:$0x1DC00] =	vst v63  }
0x3f: {  	_ =	swait.ge [sflag:s18], $0x80  }
0x40: {  	s29 =	sadd.s32 $0x1, s29;
	s31 =	rddreg [dreg:$0xa]  }
0x41: {  	p1 =	sne.s32 s29, s31  }
.Ltmp1:
0x42: {  	_ = 	snop;
	(pc) =	sbr.rel @!p1 .LBB2_14-.Ltmp1, $3  }
0x43: {  	_ =	sdelay $0x1  }
0x44: {  	[sflag:s18] =	ssyncset.done $0x0  }
0x45: {  	[sflag:s18] =	ssyncadd.s32 $0xFFFFFF80  }
.LBB2_1:
0x46: {  	s0 =	rddreg [dreg:$0x4]  }
0x47: {  	[tilespmem:s3], [sflag:$0x5] =	stream.linear.gather [hbm4b:s0+s3], $0x1F40, $0x38;
	[tilespmem:$0x1DC00] =	vst v63  }
0x48: {  	_ =	swait.ge [sflag:s18], $0x1F40  }
0x49: {  	[sflag:s18] =	ssyncset.done $0x0  }
0x4a: {  	s1 =	simm.s32 $0x1F40;
	s7 =	rddreg [dreg:$0x5];
	[sflag:s18] =	ssyncadd.s32 $0xFFFFE0C0  }
0x4b: {  	[tilespmem:s1], [sflag:$0x5] =	stream.linear.gather [hbm4b:s7+s3], $0x1F40, $0x38;
	[tilespmem:$0x1DC00] =	vst v63  }
0x4c: {  	_ =	swait.ge [sflag:s18], $0x1F40  }
0x4d: {  	[sflag:s18] =	ssyncset.done $0x0  }
0x4e: {  	s9 =	simm.s32 $0x3E80;
	s8 =	rddreg [dreg:$0x6];
	[sflag:s18] =	ssyncadd.s32 $0xFFFFE0C0  }
0x4f: {  	[tilespmem:s9], [sflag:$0x5] =	stream.linear.gather [hbm4b:s8+s3], $0x1F40, $0x38;
	[tilespmem:$0x1DC00] =	vst v63  }
0x50: {  	_ =	swait.ge [sflag:s18], $0x1F40  }
0x51: {  	s0 =	simm.s32 @!p0 $0x0;
	[sflag:s18] =	ssyncset.done $0x0  }
0x52: {  	s1 =	simm.s32 @!p0 $0x5DC0;
	s7 =	rddreg [dreg:$0x7];
	[sflag:s18] =	ssyncadd.s32 $0xFFFFE0C0  }
0x53: {  	[tilespmem:s1], [sflag:$0x5] =	stream.linear.gather @!p0 [hbm4b:s7+s0], $0x1F40, $0x38;
	[tilespmem:$0x1DC00] =	vst v63  }
0x54: {  	s0 =	simm.s32 @!p0 $0x5  }
0x55: {  	_ =	swait.ge @!p0 [sflag:s0], $0x1F40  }
0x56: {  	[sflag:s0] =	ssyncset.done @!p0 $0x0  }
0x57: {  	s10 =	rddreg [dreg:$0x3];
	[sflag:s0] =	ssyncadd.s32 @!p0 $0xFFFFE0C0  }
0x58: {  	[tilespmem:s19], [sflag:$0x5] =	stream.linear.gather [hbm4b:s10+s3], $0x400, $0x38;
	[tilespmem:$0x1DC00] =	vst v63  }
0x59: {  	_ =	swait.ge [sflag:s18], $0x400  }
0x5a: {  	[sflag:s18] =	ssyncset.done $0x0  }
0x5b: {  	s30 =	simm.s32 $0x9500;
	s11 =	rddreg [dreg:$0x8];
	[sflag:s18] =	ssyncadd.s32 $0xFFFFFC00  }
0x5c: {  	[tilespmem:s30], [sflag:$0x5] =	stream.linear.gather [hbm4b:s11+s3], $0x640, $0x38;
	[tilespmem:$0x1DC00] =	vst v63  }
0x5d: {  	_ =	swait.ge [sflag:s18], $0x640  }
0x5e: {  	[sflag:s18] =	ssyncset.done $0x0  }
0x5f: {  	s31 =	simm.s32 $0x9540;
	[sflag:s18] =	ssyncadd.s32 $0xFFFFF9C0  }
0x60: {  	v8 =	vld [tilespmem:s31+$0xFFFFFFC0];
	_ =	sdelay $0x1  }
0x61: {  	v9 =	vld [tilespmem:s31+$0xFFFFFFD0];
	_ =	sdelay $0x1  }
0x62: {  	v11 =	vld [tilespmem:s31+$0xFFFFFFE0];
	_ =	sdelay $0x1  }
0x63: {  	v14 =	vld [tilespmem:s31+$0xFFFFFFF0]  }
0x64: {  	v10 =	vld [tilespmem:s31+$0x0]  }
0x65: {  	v15 =	vld.idx.msk [tilespmem:v8+s19+$0x0], $0xffff  }
0x66: {  	v8 =	vld [tilespmem:s31+$0x10]  }
0x67: {  	v13 =	vld.idx.msk [tilespmem:v9+s19+$0x0], $0xffff  }
0x68: {  	v9 =	vld [tilespmem:s31+$0x20]  }
0x69: {  	v12 =	vld.idx.msk [tilespmem:v11+s19+$0x0], $0xffff  }
0x6a: {  	v16 =	vimm.f32 $0.0e+00;
	v11 =	vld [tilespmem:s31+$0x30]  }
0x6b: {  	s1 =	simm.s32 $0x95C0;
	s0 =	simm.s32 $0x0;
	v14 =	vld.idx.msk [tilespmem:v14+s19+$0x0], $0xffff;
	v15 =	vadd.f32 v15, v16  }
.LBB2_2:
0x6c: {  	v16 =	vld [tilespmem:s1+$0xFFFFFFC0]  }
0x6d: {  	s0 =	sadd.s32 $0x8, s0;
	v13 =	vadd.f32 v13, v15;
	v10 =	vld.idx.msk [tilespmem:v10+s19+$0x0], $0xffff  }
0x6e: {  	p1 =	slt.u32 s0, $0x58;
	v15 =	vld [tilespmem:s1+$0xFFFFFFD0]  }
0x6f: {  	v12 =	vadd.f32 v12, v13;
	v8 =	vld.idx.msk [tilespmem:v8+s19+$0x0], $0xffff  }
0x70: {  	v17 =	vld [tilespmem:s1+$0xFFFFFFE0]  }
0x71: {  	v12 =	vadd.f32 v14, v12;
	v9 =	vld.idx.msk [tilespmem:v9+s19+$0x0], $0xffff  }
0x72: {  	v14 =	vld [tilespmem:s1+$0xFFFFFFF0]  }
0x73: {  	v12 =	vadd.f32 v10, v12;
	v11 =	vld.idx.msk [tilespmem:v11+s19+$0x0], $0xffff  }
0x74: {  	v10 =	vld [tilespmem:s1+$0x0]  }
0x75: {  	v16 =	vld.idx.msk [tilespmem:v16+s19+$0x0], $0xffff;
	v12 =	vadd.f32 v8, v12  }
0x76: {  	v8 =	vld [tilespmem:s1+$0x10]  }
.Ltmp2:
0x77: {  	v13 =	vld.idx.msk [tilespmem:v15+s19+$0x0], $0xffff;
	v15 =	vadd.f32 v9, v12;
	(pc) =	sbr.rel @p1 .LBB2_2-.Ltmp2, $4  }
0x78: {  	v9 =	vld [tilespmem:s1+$0x20]  }
0x79: {  	v12 =	vld.idx.msk [tilespmem:v17+s19+$0x0], $0xffff;
	v15 =	vadd.f32 v11, v15  }
0x7a: {  	v11 =	vld [tilespmem:s1+$0x30]  }
0x7b: {  	s1 =	sadd.s32 $0x80, s1;
	v15 =	vadd.f32 v16, v15;
	v14 =	vld.idx.msk [tilespmem:v14+s19+$0x0], $0xffff  }
0x7c: {  	_ =	sdelay $0x2  }
0x7d: {  	v13 =	vadd.f32 v13, v15  }
0x7e: {  	v10 =	vld.idx.msk [tilespmem:v10+s19+$0x0], $0xffff  }
0x7f: {  	v12 =	vadd.f32 v12, v13  }
0x80: {  	v8 =	vld.idx.msk [tilespmem:v8+s19+$0x0], $0xffff  }
0x81: {  	v12 =	vadd.f32 v14, v12  }
0x82: {  	v9 =	vld.idx.msk [tilespmem:v9+s19+$0x0], $0xffff  }
0x83: {  	v10 =	vadd.f32 v10, v12  }
0x84: {  	v11 =	vld.idx.msk [tilespmem:v11+s19+$0x0], $0xffff  }
0x85: {  	v8 =	vadd.f32 v8, v10;
	_ =	sdelay $0x1  }
0x86: {  	v8 =	vadd.f32 v9, v8;
	_ =	sdelay $0x1  }
0x87: {  	s0 =	simm.s32 $0x0;
	v8 =	vadd.f32 v11, v8  }
.LBB2_4:
0x88: {  	s1 =	sshra.s32 s0, $0x2  }
0x89: {  	v9 =	vld [tilespmem:s1+$0x9B00];
	_ =	sdelay $0x7  }
0x8a: {  	p1 =	seq.s32 s0, $0xC0;
	v9 =	vld.idx.msk [tilespmem:v9+s19+$0x0], $0xffff  }
.Ltmp3:
0x8b: {  	_ = 	snop;
	(pc) =	sbr.rel @!p1 .LBB2_4-.Ltmp3, $2  }
0x8c: {  	_ =	sdelay $0x2  }
0x8d: {  	s0 =	sadd.s32 $0x40, s0;
	v8 =	vadd.f32 v9, v8  }
0x8e: {  	s30 =	simm.s32 $0x0;
	s0 =	simm.s32 $0x7D00  }
0x8f: {  	[tilespmem:s0], [sflag:$0x1] =	stream.linear.gather [hbm4b:s5+s30], $0x80, $0x38;
	[tilespmem:$0x1DC00] =	vst v63  }
0x90: {  	s8 =	rddreg [dreg:$0xb];
	s1 =	simm.s32 $0x7E00  }
0x91: {  	[tilespmem:s1], [sflag:$0x1] =	stream.linear.gather [hbm4b:s8+s30], $0x80, $0x38;
	[tilespmem:$0x1DC00] =	vst v63  }
0x92: {  	s9 =	rddreg [dreg:$0xc];
	s10 =	simm.s32 $0x7F00  }
0x93: {  	[tilespmem:s10], [sflag:$0x1] =	stream.linear.gather [hbm4b:s9+s30], $0x80, $0x38;
	[tilespmem:$0x1DC00] =	vst v63  }
0x94: {  	s11 =	rddreg [dreg:$0xd];
	s31 =	simm.s32 $0x8000  }
0x95: {  	[tilespmem:s31], [sflag:$0x1] =	stream.linear.gather [hbm4b:s11+s30], $0x80, $0x38;
	[tilespmem:$0x1DC00] =	vst v63  }
0x96: {  	s7 =	rddreg [dreg:$0xe];
	s8 =	simm.s32 $0x8100  }
0x97: {  	[tilespmem:s8], [sflag:$0x1] =	stream.linear.gather [hbm4b:s7+s30], $0x80, $0x38;
	[tilespmem:$0x1DC00] =	vst v63  }
0x98: {  	s9 =	rddreg [dreg:$0xf];
	s10 =	simm.s32 $0x8200  }
0x99: {  	[tilespmem:s10], [sflag:$0x1] =	stream.linear.gather [hbm4b:s9+s30], $0x80, $0x38;
	[tilespmem:$0x1DC00] =	vst v63  }
0x9a: {  	s11 =	rddreg [dreg:$0x10];
	s31 =	simm.s32 $0x8300  }
0x9b: {  	[tilespmem:s31], [sflag:$0x1] =	stream.linear.gather [hbm4b:s11+s30], $0x80, $0x38;
	[tilespmem:$0x1DC00] =	vst v63  }
0x9c: {  	s7 =	rddreg [dreg:$0x11];
	s8 =	simm.s32 $0x8400  }
0x9d: {  	[tilespmem:s8], [sflag:$0x1] =	stream.linear.gather [hbm4b:s7+s30], $0x80, $0x38;
	[tilespmem:$0x1DC00] =	vst v63  }
0x9e: {  	s9 =	rddreg [dreg:$0x12];
	s10 =	simm.s32 $0x8500  }
0x9f: {  	[tilespmem:s10], [sflag:$0x1] =	stream.linear.gather [hbm4b:s9+s30], $0x80, $0x38;
	[tilespmem:$0x1DC00] =	vst v63  }
0xa0: {  	s11 =	rddreg [dreg:$0x13];
	s31 =	simm.s32 $0x8600  }
0xa1: {  	[tilespmem:s31], [sflag:$0x1] =	stream.linear.gather [hbm4b:s11+s30], $0x80, $0x38;
	[tilespmem:$0x1DC00] =	vst v63  }
0xa2: {  	s1 =	simm.s32 $0x8700  }
0xa3: {  	[tilespmem:s1], [sflag:$0x1] =	stream.linear.gather [hbm4b:s6+s30], $0x80, $0x38;
	[tilespmem:$0x1DC00] =	vst v63  }
0xa4: {  	s7 =	rddreg [dreg:$0x14];
	s8 =	simm.s32 $0x8800  }
0xa5: {  	[tilespmem:s8], [sflag:$0x1] =	stream.linear.gather [hbm4b:s7+s30], $0x80, $0x38;
	[tilespmem:$0x1DC00] =	vst v63  }
0xa6: {  	s9 =	rddreg [dreg:$0x15];
	s10 =	simm.s32 $0x8900  }
0xa7: {  	[tilespmem:s10], [sflag:$0x1] =	stream.linear.gather [hbm4b:s9+s30], $0x80, $0x38;
	[tilespmem:$0x1DC00] =	vst v63  }
0xa8: {  	s11 =	rddreg [dreg:$0x16];
	s31 =	simm.s32 $0x8A00  }
0xa9: {  	[tilespmem:s31], [sflag:$0x1] =	stream.linear.gather [hbm4b:s11+s30], $0x80, $0x38;
	[tilespmem:$0x1DC00] =	vst v63  }
0xaa: {  	s7 =	rddreg [dreg:$0x17];
	s8 =	simm.s32 $0x8B00  }
0xab: {  	[tilespmem:s8], [sflag:$0x1] =	stream.linear.gather [hbm4b:s7+s30], $0x80, $0x38;
	[tilespmem:$0x1DC00] =	vst v63  }
0xac: {  	s9 =	rddreg [dreg:$0x18];
	s10 =	simm.s32 $0x8C00  }
0xad: {  	[tilespmem:s10], [sflag:$0x1] =	stream.linear.gather [hbm4b:s9+s30], $0x80, $0x38;
	[tilespmem:$0x1DC00] =	vst v63  }
0xae: {  	s11 =	rddreg [dreg:$0x19];
	s31 =	simm.s32 $0x8D00  }
0xaf: {  	[tilespmem:s31], [sflag:$0x1] =	stream.linear.gather [hbm4b:s11+s30], $0x80, $0x38;
	[tilespmem:$0x1DC00] =	vst v63  }
0xb0: {  	s7 =	rddreg [dreg:$0x1a];
	s8 =	simm.s32 $0x8E00  }
0xb1: {  	[tilespmem:s8], [sflag:$0x1] =	stream.linear.gather [hbm4b:s7+s30], $0x80, $0x38;
	[tilespmem:$0x1DC00] =	vst v63  }
0xb2: {  	s9 =	rddreg [dreg:$0x1b];
	s10 =	simm.s32 $0x8F00  }
0xb3: {  	[tilespmem:s10], [sflag:$0x1] =	stream.linear.gather [hbm4b:s9+s30], $0x80, $0x38;
	[tilespmem:$0x1DC00] =	vst v63  }
0xb4: {  	s11 =	rddreg [dreg:$0x1c];
	s31 =	simm.s32 $0x9000  }
0xb5: {  	[tilespmem:s31], [sflag:$0x1] =	stream.linear.gather [hbm4b:s11+s30], $0x80, $0x38;
	[tilespmem:$0x1DC00] =	vst v63  }
0xb6: {  	s1 =	simm.s32 $0x7D80  }
0xb7: {  	[tilespmem:s1], [sflag:$0x2] =	stream.linear.gather [hbm4b:s13+s30], $0x80, $0x38;
	[tilespmem:$0x1DC00] =	vst v63  }
0xb8: {  	s7 =	sadd.s32 $0x10, s13;
	s8 =	simm.s32 $0x7E80  }
0xb9: {  	[tilespmem:s8], [sflag:$0x2] =	stream.linear.gather [hbm4b:s7+s30], $0x80, $0x38;
	[tilespmem:$0x1DC00] =	vst v63  }
0xba: {  	s9 =	sadd.s32 $0x20, s13;
	s10 =	simm.s32 $0x7F80  }
0xbb: {  	[tilespmem:s10], [sflag:$0x2] =	stream.linear.gather [hbm4b:s9+s30], $0x80, $0x38;
	[tilespmem:$0x1DC00] =	vst v63  }
0xbc: {  	s11 =	sadd.s32 $0x30, s13;
	s31 =	simm.s32 $0x8080  }
0xbd: {  	[tilespmem:s31], [sflag:$0x2] =	stream.linear.gather [hbm4b:s11+s30], $0x80, $0x38;
	[tilespmem:$0x1DC00] =	vst v63  }
0xbe: {  	s7 =	sadd.s32 $0x40, s13;
	s8 =	simm.s32 $0x8180  }
0xbf: {  	[tilespmem:s8], [sflag:$0x2] =	stream.linear.gather [hbm4b:s7+s30], $0x80, $0x38;
	[tilespmem:$0x1DC00] =	vst v63  }
0xc0: {  	s9 =	sadd.s32 $0x50, s13;
	s10 =	simm.s32 $0x8280  }
0xc1: {  	[tilespmem:s10], [sflag:$0x2] =	stream.linear.gather [hbm4b:s9+s30], $0x80, $0x38;
	[tilespmem:$0x1DC00] =	vst v63  }
0xc2: {  	s11 =	sadd.s32 $0x60, s13;
	s31 =	simm.s32 $0x8380  }
0xc3: {  	[tilespmem:s31], [sflag:$0x2] =	stream.linear.gather [hbm4b:s11+s30], $0x80, $0x38;
	[tilespmem:$0x1DC00] =	vst v63  }
0xc4: {  	s7 =	sadd.s32 $0x70, s13;
	s8 =	simm.s32 $0x8480  }
0xc5: {  	[tilespmem:s8], [sflag:$0x2] =	stream.linear.gather [hbm4b:s7+s30], $0x80, $0x38;
	[tilespmem:$0x1DC00] =	vst v63  }
0xc6: {  	s9 =	sadd.s32 $0x80, s13;
	s10 =	simm.s32 $0x8580  }
0xc7: {  	[tilespmem:s10], [sflag:$0x2] =	stream.linear.gather [hbm4b:s9+s30], $0x80, $0x38;
	[tilespmem:$0x1DC00] =	vst v63  }
0xc8: {  	s11 =	sadd.s32 $0x90, s13;
	s31 =	simm.s32 $0x8680  }
0xc9: {  	[tilespmem:s31], [sflag:$0x2] =	stream.linear.gather [hbm4b:s11+s30], $0x80, $0x38;
	[tilespmem:$0x1DC00] =	vst v63  }
0xca: {  	s1 =	simm.s32 $0x8780  }
0xcb: {  	[tilespmem:s1], [sflag:$0x2] =	stream.linear.gather [hbm4b:s14+s30], $0x80, $0x38;
	[tilespmem:$0x1DC00] =	vst v63  }
0xcc: {  	s7 =	sadd.s32 $0x10, s14;
	s8 =	simm.s32 $0x8880  }
0xcd: {  	[tilespmem:s8], [sflag:$0x2] =	stream.linear.gather [hbm4b:s7+s30], $0x80, $0x38;
	[tilespmem:$0x1DC00] =	vst v63  }
0xce: {  	s9 =	sadd.s32 $0x20, s14;
	s10 =	simm.s32 $0x8980  }
0xcf: {  	[tilespmem:s10], [sflag:$0x2] =	stream.linear.gather [hbm4b:s9+s30], $0x80, $0x38;
	[tilespmem:$0x1DC00] =	vst v63  }
0xd0: {  	s11 =	sadd.s32 $0x30, s14;
	s31 =	simm.s32 $0x8A80  }
0xd1: {  	[tilespmem:s31], [sflag:$0x2] =	stream.linear.gather [hbm4b:s11+s30], $0x80, $0x38;
	[tilespmem:$0x1DC00] =	vst v63  }
0xd2: {  	s7 =	sadd.s32 $0x40, s14;
	s8 =	simm.s32 $0x8B80  }
0xd3: {  	[tilespmem:s8], [sflag:$0x2] =	stream.linear.gather [hbm4b:s7+s30], $0x80, $0x38;
	[tilespmem:$0x1DC00] =	vst v63  }
0xd4: {  	s9 =	sadd.s32 $0x50, s14;
	s10 =	simm.s32 $0x8C80  }
0xd5: {  	[tilespmem:s10], [sflag:$0x2] =	stream.linear.gather [hbm4b:s9+s30], $0x80, $0x38;
	[tilespmem:$0x1DC00] =	vst v63  }
0xd6: {  	s11 =	sadd.s32 $0x60, s14;
	s31 =	simm.s32 $0x8D80  }
0xd7: {  	[tilespmem:s31], [sflag:$0x2] =	stream.linear.gather [hbm4b:s11+s30], $0x80, $0x38;
	[tilespmem:$0x1DC00] =	vst v63  }
0xd8: {  	s7 =	sadd.s32 $0x70, s14;
	s8 =	simm.s32 $0x8E80  }
0xd9: {  	[tilespmem:s8], [sflag:$0x2] =	stream.linear.gather [hbm4b:s7+s30], $0x80, $0x38;
	[tilespmem:$0x1DC00] =	vst v63  }
.Ltmp4:
0xda: {  	_ = 	snop;
	(pc) =	sbr.rel .LBB2_6-.Ltmp4, $4  }
0xdb: {  	s9 =	sadd.s32 $0x80, s14;
	s10 =	simm.s32 $0x8F80  }
0xdc: {  	[tilespmem:s10], [sflag:$0x2] =	stream.linear.gather [hbm4b:s9+s30], $0x80, $0x38;
	[tilespmem:$0x1DC00] =	vst v63  }
0xdd: {  	s11 =	sadd.s32 $0x90, s14;
	s31 =	simm.s32 $0x9080  }
0xde: {  	[tilespmem:s31], [sflag:$0x2] =	stream.linear.gather [hbm4b:s11+s30], $0x80, $0x38;
	[tilespmem:$0x1DC00] =	vst v63  }
.LBB2_12:
0xdf: {  	s30 =	sadd.s32 $0x1, s30  }
0xe0: {  	p1 =	sne.s32 s30, $0x28  }
.Ltmp5:
0xe1: {  	_ = 	snop;
	(pc) =	sbr.rel @!p1 .LBB2_13-.Ltmp5, $1  }
0xe2: {  	_ =	sdelay $0x3  }
.LBB2_6:
0xe3: {  	s31 =	sand.u32 $0x1, s30  }
0xe4: {  	p1 =	seq.s32 s31, $0x1  }
0xe5: {  	s0 =	simm.s32 @!p1 $0x1  }
0xe6: {  	_ =	swait.ge @!p1 [sflag:s0], $0x500  }
0xe7: {  	[sflag:s0] =	ssyncset.done @!p1 $0x0  }
0xe8: {  	[sflag:s0] =	ssyncadd.s32 @!p1 $0xFFFFFB00  }
0xe9: {  	_ =	swait.ge @!p1 [sflag:s0], $0x500  }
0xea: {  	p3 =	seq.s32 s31, $0x0;
	[sflag:s0] =	ssyncset.done @!p1 $0x0  }
0xeb: {  	[sflag:s0] =	ssyncadd.s32 @!p1 $0xFFFFFB00;
	s0 =	simm.s32 @!p3 $0x2  }
0xec: {  	_ =	swait.ge @!p3 [sflag:s0], $0x500  }
0xed: {  	[sflag:s0] =	ssyncset.done @!p3 $0x0  }
0xee: {  	p2 =	slt.u32 s30, $0x2;
	[sflag:s0] =	ssyncadd.s32 @!p3 $0xFFFFFB00  }
0xef: {  	p4 =	sne.s32 @!p2 s31, $0x0;
	_ =	swait.ge @!p3 [sflag:s0], $0x500  }
0xf0: {  	p5 =	por p4, p2;
	[sflag:s0] =	ssyncset.done @!p3 $0x0  }
0xf1: {  	[sflag:s0] =	ssyncadd.s32 @!p3 $0xFFFFFB00;
	s0 =	simm.s32 @!p5 $0x3  }
0xf2: {  	_ =	swait.ge @!p5 [sflag:s0], $0x2800  }
0xf3: {  	[sflag:s0] =	ssyncset.done @!p5 $0x0  }
0xf4: {  	[sflag:s0] =	ssyncadd.s32 @!p5 $0xFFFFD800  }
0xf5: {  	_ =	swait.ge @!p5 [sflag:s0], $0x2800  }
0xf6: {  	[sflag:s0] =	ssyncset.done @!p5 $0x0  }
0xf7: {  	p3 =	sgt.u32 @!p5 s4, $0x1C;
	[sflag:s0] =	ssyncadd.s32 @!p5 $0xFFFFD800  }
0xf8: {  	p3 =	por @!p2 p3, p4;
	_ =	swait.ge @!p5 [sflag:s0], $0x2800  }
0xf9: {  	p3 =	por p3, p2;
	[sflag:s0] =	ssyncset.done @!p5 $0x0  }
0xfa: {  	[sflag:s0] =	ssyncadd.s32 @!p5 $0xFFFFD800;
	s0 =	simm.s32 @!p3 $0x3  }
0xfb: {  	p6 =	por !p1, !p1;
	_ =	swait.ge @!p3 [sflag:s0], $0x2800  }
0xfc: {  	p2 =	por p2, p6;
	[sflag:s0] =	ssyncset.done @!p3 $0x0  }
0xfd: {  	[sflag:s0] =	ssyncadd.s32 @!p3 $0xFFFFD800;
	s0 =	simm.s32 @!p2 $0x4  }
0xfe: {  	_ =	swait.ge @!p2 [sflag:s0], $0x2800  }
0xff: {  	[sflag:s0] =	ssyncset.done @!p2 $0x0  }
0x100: {  	[sflag:s0] =	ssyncadd.s32 @!p2 $0xFFFFD800  }
0x101: {  	_ =	swait.ge @!p2 [sflag:s0], $0x2800  }
0x102: {  	[sflag:s0] =	ssyncset.done @!p2 $0x0  }
0x103: {  	[sflag:s0] =	ssyncadd.s32 @!p2 $0xFFFFD800  }
0x104: {  	s1 =	smul.u32 $0x28000, s31;
	p3 =	sgt.u32 @!p2 s4, $0x1C;
	_ =	swait.ge @!p2 [sflag:s0], $0x2800  }
0x105: {  	s7 =	sshll.u32 s30, $0x7;
	p3 =	por p3, p2;
	[sflag:s0] =	ssyncset.done @!p2 $0x0  }
0x106: {  	s1 =	sshrl.u32 s1, $0x2;
	[sflag:s0] =	ssyncadd.s32 @!p2 $0xFFFFD800;
	s0 =	simm.s32 @!p3 $0x4  }
0x107: {  	s8 =	sadd.s32 $0x9B80, s1;
	s9 =	sadd.s32 $0xC380, s1;
	_ =	swait.ge @!p3 [sflag:s0], $0x2800  }
0x108: {  	s11 =	sadd.s32 $0xEB80, s1;
	s1 =	sor.u32 $0x11380, s1;
	v9 =	vmov s8;
	[sflag:s0] =	ssyncset.done @!p3 $0x0  }
0x109: {  	v10 =	vmov s9;
	v11 =	vmov s11;
	v12 =	vmov s1;
	s1 =	simm.s32 $0x0;
	[sflag:s0] =	ssyncadd.s32 @!p3 $0xFFFFD800;
	s0 =	sand.u32 $0x80, s7  }
.LBB2_7:
0x10a: {  	s7 =	sshll.u32 s1, $0x1  }
0x10b: {  	s8 =	sor.u32 s0, s7  }
0x10c: {  	v13 =	vld [tilespmem:s8+$0x7D00];
	_ =	sdelay $0x7  }
0x10d: {  	v14 =	vld.idx.msk [tilespmem:v13+s3+$0x0], $0xffff  }
0x10e: {  	v16 =	vadd.s32 $0x3E8, v13;
	_ =	sdelay $0x2  }
0x10f: {  	s10 =	sshll.u32 s1, $0x3  }
0x110: {  	v15 =	vld [tilespmem:s8+$0x8700];
	[tilespmem:v9+s10+$0x0 ss:$0x1] =	vst.idx.msk $0xffff, v14  }
0x111: {  	v14 =	vld.idx.msk [tilespmem:v16+s3+$0x0], $0xffff  }
0x112: {  	v33 =	vadd.s32 $0x7D0, v13;
	_ =	sdelay $0x3  }
0x113: {  	[tilespmem:v9+s10+$0x80 ss:$0x1] =	vst.idx.msk $0xffff, v14  }
0x114: {  	v14 =	vld.idx.msk [tilespmem:v33+s3+$0x0], $0xffff  }
0x115: {  	v34 =	vadd.s32 $0xBB8, v13;
	_ =	sdelay $0x1  }
0x116: {  	v19 =	vadd.s32 $0x2EE0, v13;
	_ =	sdelay $0x1  }
0x117: {  	v17 =	vadd.s32 $0x3E80, v13;
	[tilespmem:v9+s10+$0x100 ss:$0x1] =	vst.idx.msk $0xffff, v14  }
0x118: {  	v14 =	vld.idx.msk [tilespmem:v34+s3+$0x0], $0xffff;
	_ =	sdelay $0x1  }
0x119: {  	v18 =	vadd.s32 $0xFA0, v13;
	v19 =	vld.idx.msk [tilespmem:v19+s3+$0x0], $0xffff  }
0x11a: {  	v25 =	vadd.s32 $0x32C8, v13  }
0x11b: {  	v26 =	vld.idx.msk [tilespmem:v17+s3+$0x0], $0xffff;
	v16 =	vadd.s32 $0x5DC0, v13  }
0x11c: {  	[tilespmem:v9+s10+$0x180 ss:$0x1] =	vst.idx.msk $0xffff, v14;
	v14 =	vadd.s32 $0x4268, v13  }
0x11d: {  	v20 =	vadd.s32 $0x1F40, v13  }
0x11e: {  	v18 =	vld.idx.msk [tilespmem:v18+s3+$0x0], $0xffff;
	[tilespmem:v10+s10+$0x200 ss:$0x1] =	vst.idx.msk $0xffff, v19  }
0x11f: {  	v21 =	vadd.s32 $0x4E20, v13;
	v25 =	vld.idx.msk [tilespmem:v25+s3+$0x0], $0xffff  }
0x120: {  	v38 =	vadd.s32 $0x36B0, v13;
	[tilespmem:v11+s10+$0x0 ss:$0x1] =	vst.idx.msk $0xffff, v26;
	v27 =	vld.idx.msk [tilespmem:v16+s3+$0x0], $0xffff  }
0x121: {  	v22 =	vadd.s32 $0x1388, v13;
	v14 =	vld.idx.msk [tilespmem:v14+s3+$0x0], $0xffff  }
0x122: {  	v36 =	vadd.s32 $0x61A8, v13;
	v23 =	vld.idx.msk [tilespmem:v20+s3+$0x0], $0xffff  }
0x123: {  	v24 =	vadd.s32 $0x2328, v13;
	[tilespmem:v9+s10+$0x200 ss:$0x1] =	vst.idx.msk $0xffff, v18  }
0x124: {  	v21 =	vld.idx.msk [tilespmem:v21+s3+$0x0], $0xffff;
	[tilespmem:v10+s10+$0x280 ss:$0x1] =	vst.idx.msk $0xffff, v25  }
0x125: {  	v35 =	vadd.s32 $0x5208, v13;
	v26 =	vld.idx.msk [tilespmem:v38+s3+$0x0], $0xffff;
	[tilespmem:v12+s10+$0x0 ss:$0x1] =	vst.idx.msk $0xffff, v27  }
0x126: {  	v22 =	vld.idx.msk [tilespmem:v22+s3+$0x0], $0xffff;
	[tilespmem:v11+s10+$0x80 ss:$0x1] =	vst.idx.msk $0xffff, v14;
	v14 =	vadd.s32 $0x3A98, v13  }
0x127: {  	[tilespmem:v10+s10+$0x0 ss:$0x1] =	vst.idx.msk $0xffff, v23;
	v23 =	vld.idx.msk [tilespmem:v36+s3+$0x0], $0xffff  }
0x128: {  	v42 =	vadd.s32 $0x6590, v13;
	v24 =	vld.idx.msk [tilespmem:v24+s3+$0x0], $0xffff  }
0x129: {  	v28 =	vadd.s32 $0x1770, v13;
	[tilespmem:v11+s10+$0x200 ss:$0x1] =	vst.idx.msk $0xffff, v21  }
0x12a: {  	v48 =	vadd.s32 $0x6D60, v13;
	v18 =	vld.idx.msk [tilespmem:v35+s3+$0x0], $0xffff;
	[tilespmem:v10+s10+$0x300 ss:$0x1] =	vst.idx.msk $0xffff, v26  }
0x12b: {  	v37 =	vadd.s32 $0x2710, v13;
	[tilespmem:v9+s10+$0x280 ss:$0x1] =	vst.idx.msk $0xffff, v22;
	v14 =	vld.idx.msk [tilespmem:v14+s3+$0x0], $0xffff  }
0x12c: {  	v40 =	vadd.s32 $0x55F0, v13;
	[tilespmem:v12+s10+$0x80 ss:$0x1] =	vst.idx.msk $0xffff, v23  }
0x12d: {  	[tilespmem:v10+s10+$0x80 ss:$0x1] =	vst.idx.msk $0xffff, v24;
	v24 =	vld.idx.msk [tilespmem:v42+s3+$0x0], $0xffff  }
0x12e: {  	v39 =	vadd.s32 $0x4650, v13;
	v41 =	vld.idx.msk [tilespmem:v28+s3+$0x0], $0xffff  }
0x12f: {  	v43 =	vadd.s32 $0x1B58, v13;
	v50 =	vld.idx.msk [tilespmem:v48+s3+$0x0], $0xffff;
	[tilespmem:v11+s10+$0x280 ss:$0x1] =	vst.idx.msk $0xffff, v18  }
0x130: {  	v19 =	vld.idx.msk [tilespmem:v37+s3+$0x0], $0xffff;
	[tilespmem:v10+s10+$0x380 ss:$0x1] =	vst.idx.msk $0xffff, v14;
	v14 =	vadd.s32 $0x7148, v13  }
0x131: {  	v44 =	vadd.s32 $0x2AF8, v13;
	v22 =	vld.idx.msk [tilespmem:v40+s3+$0x0], $0xffff  }
0x132: {  	v46 =	vadd.s32 $0x59D8, v13;
	[tilespmem:v12+s10+$0x100 ss:$0x1] =	vst.idx.msk $0xffff, v24;
	v24 =	vld [tilespmem:s8+$0x7D10]  }
0x133: {  	v47 =	vadd.s32 $0x6978, v13;
	[tilespmem:v9+s10+$0x300 ss:$0x1] =	vst.idx.msk $0xffff, v41;
	v21 =	vld.idx.msk [tilespmem:v39+s3+$0x0], $0xffff  }
0x134: {  	v45 =	vadd.s32 $0x4A38, v13;
	[tilespmem:v12+s10+$0x200 ss:$0x1] =	vst.idx.msk $0xffff, v50;
	v27 =	vld.idx.msk [tilespmem:v43+s3+$0x0], $0xffff  }
0x135: {  	[tilespmem:v10+s10+$0x100 ss:$0x1] =	vst.idx.msk $0xffff, v19;
	v14 =	vld.idx.msk [tilespmem:v14+s3+$0x0], $0xffff  }
0x136: {  	v51 =	vadd.s32 $0x7530, v13;
	[tilespmem:v11+s10+$0x300 ss:$0x1] =	vst.idx.msk $0xffff, v22;
	v25 =	vld.idx.msk [tilespmem:v44+s3+$0x0], $0xffff  }
0x137: {  	v49 =	vld.idx.msk [tilespmem:v46+s3+$0x0], $0xffff;
	v52 =	vadd.s32 $0xFA0, v24  }
0x138: {  	v19 =	vld.idx.msk [tilespmem:v47+s3+$0x0], $0xffff;
	[tilespmem:v11+s10+$0x100 ss:$0x1] =	vst.idx.msk $0xffff, v21  }
0x139: {  	[tilespmem:v9+s10+$0x380 ss:$0x1] =	vst.idx.msk $0xffff, v27;
	v18 =	vld.idx.msk [tilespmem:v45+s3+$0x0], $0xffff  }
0x13a: {  	[tilespmem:v12+s10+$0x280 ss:$0x1] =	vst.idx.msk $0xffff, v14;
	v14 =	vld.idx.msk [tilespmem:v24+s3+$0x0], $0xffff  }
0x13b: {  	[tilespmem:v10+s10+$0x180 ss:$0x1] =	vst.idx.msk $0xffff, v25;
	v54 =	vadd.s32 $0x3E8, v24;
	v53 =	vld.idx.msk [tilespmem:v51+s3+$0x0], $0xffff  }
0x13c: {  	v55 =	vadd.s32 $0x7918, v13;
	[tilespmem:v11+s10+$0x380 ss:$0x1] =	vst.idx.msk $0xffff, v49;
	v56 =	vld.idx.msk [tilespmem:v52+s3+$0x0], $0xffff  }
0x13d: {  	v57 =	vadd.s32 $0x1388, v24;
	[tilespmem:v12+s10+$0x180 ss:$0x1] =	vst.idx.msk $0xffff, v19  }
0x13e: {  	v19 =	vadd.s32 $0x1F40, v24;
	[tilespmem:v11+s10+$0x180 ss:$0x1] =	vst.idx.msk $0xffff, v18  }
0x13f: {  	v60 =	vadd.s32 $0x2EE0, v24;
	v18 =	vld [tilespmem:s8+$0x8710];
	[tilespmem:v9+s10+$0x10 ss:$0x1] =	vst.idx.msk $0xffff, v14  }
0x140: {  	v21 =	vadd.s32 $0x3E80, v24;
	[tilespmem:v12+s10+$0x300 ss:$0x1] =	vst.idx.msk $0xffff, v53;
	v59 =	vld.idx.msk [tilespmem:v54+s3+$0x0], $0xffff  }
0x141: {  	v38 =	vadd.s32 $0x4E20, v24;
	[tilespmem:v9+s10+$0x210 ss:$0x1] =	vst.idx.msk $0xffff, v56;
	v23 =	vld.idx.msk [tilespmem:v55+s3+$0x0], $0xffff  }
0x142: {  	vm0 =	vge.s32 v15, v0;
	v58 =	vsub.s32 v15, v0;
	vm1 =	vlt.s32 v15, v1;
	v25 =	vld.idx.msk [tilespmem:v57+s3+$0x0], $0xffff  }
0x143: {  	vm15 =	vge.s32 v15, v2;
	v43 =	vadd.s32 $0x6D60, v24;
	v14 =	vmul.u32 $0x3E8, v58;
	v63 =	vld.idx.msk [tilespmem:v19+s3+$0x0], $0xffff  }
0x144: {  	vm4 =	vlt.s32 v15, v3;
	vm2 =	vmand vm0, vm1;
	v61 =	vadd.s32 $0x7D0, v24;
	v22 =	vld.idx.msk [tilespmem:v60+s3+$0x0], $0xffff  }
0x145: {  	v29 =	vimm.s32 $0x0;
	vm0 =	vmand vm15, vm4;
	v13 =	vadd.s32 v13, v14;
	v41 =	vld.idx.msk [tilespmem:v21+s3+$0x0], $0xffff  }
0x146: {  	v29 =	vsel vm0, $0xFFFFFFFF, v29;
	v62 =	vadd.s32 $0x1770, v24;
	v44 =	vld.idx.msk [tilespmem:v38+s3+$0x0], $0xffff  }
0x147: {  	v33 =	vadd.s32 $0x2328, v24;
	v14 =	vsub.s32 v15, v2;
	[tilespmem:$0x1FFA0] =	vst v29;
	v26 =	vld [tilespmem:s8+$0x7D20]  }
0x148: {  	v35 =	vadd.s32 $0x32C8, v24;
	v29 =	vld.idx.msk [tilespmem:v43+s3+$0x0], $0xffff;
	v14 =	vmul.u32 $0x3E8, v14;
	[tilespmem:v9+s10+$0x90 ss:$0x1] =	vst.idx.msk $0xffff, v59  }
0x149: {  	v42 =	vadd.s32 $0x4268, v24;
	[tilespmem:v12+s10+$0x380 ss:$0x1] =	vst.idx.msk $0xffff, v23;
	v34 =	vld.idx.msk [tilespmem:v61+s3+$0x0], $0xffff  }
0x14a: {  	v20 =	vadd.s32 v14, v20;
	[tilespmem:v9+s10+$0x290 ss:$0x1] =	vst.idx.msk $0xffff, v25;
	v14 =	vld.idx.msk [tilespmem:v13+s3+$0x0], vm2  }
0x14b: {  	[tilespmem:v10+s10+$0x10 ss:$0x1] =	vst.idx.msk $0xffff, v63;
	v25 =	vld.idx.msk [tilespmem:v62+s3+$0x0], $0xffff  }
0x14c: {  	[tilespmem:v10+s10+$0x210 ss:$0x1] =	vst.idx.msk $0xffff, v22;
	v54 =	vadd.s32 $0xFA0, v26;
	v28 =	vld.idx.msk [tilespmem:v33+s3+$0x0], $0xffff  }
0x14d: {  	v30 =	vadd.s32 $0xBB8, v24;
	[tilespmem:v11+s10+$0x10 ss:$0x1] =	vst.idx.msk $0xffff, v41;
	v22 =	vld.idx.msk [tilespmem:v35+s3+$0x0], $0xffff  }
0x14e: {  	v46 =	vadd.s32 $0x5208, v24;
	v33 =	vld.idx.msk [tilespmem:v42+s3+$0x0], $0xffff  }
0x14f: {  	v37 =	vadd.s32 $0x2710, v24;
	v13 =	vld.idx.msk [tilespmem:v20+s3+$0x0], vm0  }
0x150: {  	v49 =	vadd.s32 $0x7148, v24;
	[tilespmem:v12+s10+$0x210 ss:$0x1] =	vst.idx.msk $0xffff, v29;
	v58 =	vld.idx.msk [tilespmem:v26+s3+$0x0], $0xffff  }
0x151: {  	v36 =	vadd.s32 $0x1B58, v24;
	[tilespmem:v9+s10+$0x110 ss:$0x1] =	vst.idx.msk $0xffff, v34;
	v29 =	vld.idx.msk [tilespmem:v54+s3+$0x0], $0xffff  }
0x152: {  	v40 =	vadd.s32 $0x36B0, v24;
	[tilespmem:v11+s10+$0x210 ss:$0x1] =	vst.idx.msk $0xffff, v44;
	v39 =	vld.idx.msk [tilespmem:v30+s3+$0x0], $0xffff  }
0x153: {  	v20 =	vadd.s32 $0x5DC0, v24;
	[tilespmem:v10+s10+$0x90 ss:$0x1] =	vst.idx.msk $0xffff, v28;
	v30 =	vld.idx.msk [tilespmem:v46+s3+$0x0], $0xffff  }
0x154: {  	v50 =	vadd.s32 $0x4650, v24;
	[tilespmem:v9+s10+$0x310 ss:$0x1] =	vst.idx.msk $0xffff, v25;
	v28 =	vld.idx.msk [tilespmem:v37+s3+$0x0], $0xffff  }
0x155: {  	v35 =	vadd.s32 $0x55F0, v24;
	[tilespmem:v10+s10+$0x290 ss:$0x1] =	vst.idx.msk $0xffff, v22;
	v22 =	vld.idx.msk [tilespmem:v49+s3+$0x0], $0xffff  }
0x156: {  	vm5 =	vge.s32 v15, v4;
	v55 =	vadd.s32 $0x7530, v24;
	v31 =	vld.idx.msk [tilespmem:v36+s3+$0x0], $0xffff  }
0x157: {  	vm6 =	vlt.s32 v15, v5;
	vm7 =	vge.s32 v15, v6;
	[tilespmem:v11+s10+$0x90 ss:$0x1] =	vst.idx.msk $0xffff, v33;
	v45 =	vld.idx.msk [tilespmem:v40+s3+$0x0], $0xffff  }
0x158: {  	vm8 =	vlt.s32 v15, v7;
	vm3 =	vmand vm5, vm6;
	v32 =	vadd.s32 $0x2AF8, v24;
	v47 =	vld.idx.msk [tilespmem:v20+s3+$0x0], $0xffff;
	[tilespmem:v11+s10+$0x290 ss:$0x1] =	vst.idx.msk $0xffff, v30  }
0x159: {  	vm4 =	vmand vm7, vm8;
	v48 =	vadd.s32 $0x3A98, v24;
	v44 =	vimm.s32 $0x0;
	[tilespmem:v10+s10+$0x110 ss:$0x1] =	vst.idx.msk $0xffff, v28;
	v28 =	vld.idx.msk [tilespmem:v50+s3+$0x0], $0xffff  }
0x15a: {  	v59 =	vadd.s32 $0x3E8, v26;
	v23 =	vsel vm4, $0xFFFFFFFF, v44;
	v40 =	vimm.s32 $0x0;
	[tilespmem:v12+s10+$0x290 ss:$0x1] =	vst.idx.msk $0xffff, v22;
	v56 =	vld.idx.msk [tilespmem:v35+s3+$0x0], $0xffff  }
0x15b: {  	v63 =	vadd.s32 $0x1388, v26;
	[tilespmem:$0x1FFC0] =	vst v23;
	v22 =	vsel vm3, $0xFFFFFFFF, v40;
	v62 =	vld.idx.msk [tilespmem:v55+s3+$0x0], $0xffff  }
0x15c: {  	v23 =	vadd.s32 $0x1F40, v26;
	[tilespmem:$0x1FFB0] =	vst v22;
	v22 =	vld [tilespmem:s8+$0x8720]  }
0x15d: {  	v34 =	vadd.s32 $0x61A8, v24;
	[tilespmem:v10+s10+$0x310 ss:$0x1] =	vst.idx.msk $0xffff, v45;
	v32 =	vld.idx.msk [tilespmem:v32+s3+$0x0], $0xffff  }
0x15e: {  	v57 =	vadd.s32 $0x4A38, v24;
	v36 =	vsub.s32 v15, v6;
	[tilespmem:v9+s10+$0x20 ss:$0x1] =	vst.idx.msk $0xffff, v58;
	v52 =	vld.idx.msk [tilespmem:v48+s3+$0x0], $0xffff  }
0x15f: {  	v60 =	vsub.s32 v15, v4;
	v61 =	vadd.s32 $0x59D8, v24;
	v42 =	vmul.u32 $0x3E8, v36;
	[tilespmem:v9+s10+$0x220 ss:$0x1] =	vst.idx.msk $0xffff, v29;
	v15 =	vld.idx.msk [tilespmem:v59+s3+$0x0], $0xffff  }
0x160: {  	v43 =	vadd.s32 $0x7918, v24;
	[tilespmem:v9+s10+$0x190 ss:$0x1] =	vst.idx.msk $0xffff, v39;
	v49 =	vld.idx.msk [tilespmem:v63+s3+$0x0], $0xffff  }
0x161: {  	v45 =	vadd.s32 v42, v16;
	[tilespmem:v12+s10+$0x10 ss:$0x1] =	vst.idx.msk $0xffff, v47;
	v59 =	vld.idx.msk [tilespmem:v23+s3+$0x0], $0xffff  }
0x162: {  	v47 =	vadd.s32 $0x7D0, v26;
	v48 =	vsub.s32 v18, v0;
	v51 =	vld.idx.msk [tilespmem:v34+s3+$0x0], $0xffff;
	[tilespmem:v11+s10+$0x110 ss:$0x1] =	vst.idx.msk $0xffff, v28  }
0x163: {  	v34 =	vmul.u32 $0x3E8, v60;
	v50 =	vmul.u32 $0x3E8, v48;
	v60 =	vadd.s32 $0x2328, v26;
	[tilespmem:v11+s10+$0x310 ss:$0x1] =	vst.idx.msk $0xffff, v56;
	v33 =	vld.idx.msk [tilespmem:v57+s3+$0x0], $0xffff  }
0x164: {  	v53 =	vadd.s32 $0x6590, v24;
	[tilespmem:v12+s10+$0x310 ss:$0x1] =	vst.idx.msk $0xffff, v62;
	v46 =	vld.idx.msk [tilespmem:v61+s3+$0x0], $0xffff  }
0x165: {  	v41 =	vadd.s32 $0x6978, v24;
	v54 =	vadd.s32 v24, v50;
	v24 =	vadd.s32 $0x3E80, v26;
	[tilespmem:v10+s10+$0x390 ss:$0x1] =	vst.idx.msk $0xffff, v52;
	v52 =	vld.idx.msk [tilespmem:v43+s3+$0x0], $0xffff  }
0x166: {  	v17 =	vadd.s32 v34, v17;
	[tilespmem:v9+s10+$0xA0 ss:$0x1] =	vst.idx.msk $0xffff, v15;
	v15 =	vld.idx.msk [tilespmem:v45+s3+$0x0], vm4  }
0x167: {  	vm9 =	vge.s32 v18, v0;
	v56 =	vadd.s32 $0x2EE0, v26;
	[tilespmem:v10+s10+$0x20 ss:$0x1] =	vst.idx.msk $0xffff, v59;
	v55 =	vld.idx.msk [tilespmem:v47+s3+$0x0], $0xffff  }
0x168: {  	vm10 =	vlt.s32 v18, v1;
	v61 =	vadd.s32 $0x4E20, v26;
	[tilespmem:v12+s10+$0x90 ss:$0x1] =	vst.idx.msk $0xffff, v51;
	v30 =	vld.idx.msk [tilespmem:v60+s3+$0x0], $0xffff  }
0x169: {  	vm0 =	vmand vm9, vm10;
	v25 =	vadd.s32 $0x5DC0, v26;
	[tilespmem:v9+s10+$0x390 ss:$0x1] =	vst.idx.msk $0xffff, v31;
	v27 =	vld.idx.msk [tilespmem:v53+s3+$0x0], $0xffff;
	v53 =	vimm.s32 $0x0  }
0x16a: {  	[tilespmem:v10+s10+$0x190 ss:$0x1] =	vst.idx.msk $0xffff, v32;
	v51 =	vadd.s32 $0x1770, v26;
	v16 =	vsel vm0, $0xFFFFFFFF, v53;
	v63 =	vld.idx.msk [tilespmem:v24+s3+$0x0], $0xffff  }
0x16b: {  	v57 =	vadd.s32 $0xBB8, v26;
	[tilespmem:$0x1FFD0] =	vst v16;
	v16 =	vld.idx.msk [tilespmem:v17+s3+$0x0], vm3  }
0x16c: {  	v42 =	vadd.s32 $0x2710, v26;
	[tilespmem:v9+s10+$0x2A0 ss:$0x1] =	vst.idx.msk $0xffff, v49;
	v32 =	vld.idx.msk [tilespmem:v56+s3+$0x0], $0xffff  }
0x16d: {  	[tilespmem:v11+s10+$0x390 ss:$0x1] =	vst.idx.msk $0xffff, v46;
	v43 =	vld.idx.msk [tilespmem:v61+s3+$0x0], $0xffff  }
0x16e: {  	v40 =	vadd.s32 $0x4268, v26;
	v46 =	vld.idx.msk [tilespmem:v25+s3+$0x0], $0xffff;
	[tilespmem:v9+s10+$0x120 ss:$0x1] =	vst.idx.msk $0xffff, v55  }
0x16f: {  	v62 =	vadd.s32 $0x32C8, v26;
	[tilespmem:v12+s10+$0x110 ss:$0x1] =	vst.idx.msk $0xffff, v27;
	v27 =	vld.idx.msk [tilespmem:v51+s3+$0x0], $0xffff  }
0x170: {  	v45 =	vadd.s32 $0x5208, v26;
	[tilespmem:v10+s10+$0xA0 ss:$0x1] =	vst.idx.msk $0xffff, v30;
	v31 =	vld.idx.msk [tilespmem:v57+s3+$0x0], $0xffff  }
0x171: {  	vm11 =	vge.s32 v18, v2;
	v38 =	vadd.s32 $0x61A8, v26;
	[tilespmem:v12+s10+$0x390 ss:$0x1] =	vst.idx.msk $0xffff, v52;
	v36 =	vld.idx.msk [tilespmem:v42+s3+$0x0], $0xffff  }
0x172: {  	vm12 =	vlt.s32 v18, v3;
	vm13 =	vge.s32 v18, v4;
	v28 =	vld.idx.msk [tilespmem:v41+s3+$0x0], $0xffff;
	[tilespmem:v11+s10+$0x20 ss:$0x1] =	vst.idx.msk $0xffff, v63  }
0x173: {  	vm14 =	vlt.s32 v18, v5;
	v58 =	vadd.s32 $0x1B58, v26;
	[tilespmem:v10+s10+$0x220 ss:$0x1] =	vst.idx.msk $0xffff, v32;
	v29 =	vld.idx.msk [tilespmem:v40+s3+$0x0], $0xffff  }
0x174: {  	vm9 =	vge.s32 v18, v6;
	v41 =	vadd.s32 $0x6D60, v26;
	v44 =	vld.idx.msk [tilespmem:v62+s3+$0x0], $0xffff;
	[tilespmem:v11+s10+$0x220 ss:$0x1] =	vst.idx.msk $0xffff, v43  }
0x175: {  	vm10 =	vlt.s32 v18, v7;
	v39 =	vadd.s32 $0x2AF8, v26;
	[tilespmem:v12+s10+$0x20 ss:$0x1] =	vst.idx.msk $0xffff, v46;
	v49 =	vld.idx.msk [tilespmem:v45+s3+$0x0], $0xffff  }
0x176: {  	v61 =	vsub.s32 v18, v2;
	v63 =	vsub.s32 v18, v4;
	v18 =	vsub.s32 v18, v6;
	v52 =	vld.idx.msk [tilespmem:v38+s3+$0x0], $0xffff  }
0x177: {  	v47 =	vadd.s32 $0x4650, v26;
	v18 =	vmul.u32 $0x3E8, v18;
	[tilespmem:v9+s10+$0x320 ss:$0x1] =	vst.idx.msk $0xffff, v27;
	v27 =	vld [tilespmem:s8+$0x7D30]  }
0x178: {  	vm7 =	vmand vm9, vm10;
	v37 =	vadd.s32 $0x36B0, v26;
	[tilespmem:v12+s10+$0x190 ss:$0x1] =	vst.idx.msk $0xffff, v28;
	v28 =	vld.idx.msk [tilespmem:v58+s3+$0x0], $0xffff  }
0x179: {  	v18 =	vadd.s32 v18, v20;
	[tilespmem:v10+s10+$0x120 ss:$0x1] =	vst.idx.msk $0xffff, v36;
	v35 =	vld.idx.msk [tilespmem:v41+s3+$0x0], $0xffff  }
0x17a: {  	[tilespmem:v11+s10+$0x190 ss:$0x1] =	vst.idx.msk $0xffff, v33;
	v51 =	vadd.s32 $0x55F0, v26;
	v59 =	vld.idx.msk [tilespmem:v39+s3+$0x0], $0xffff  }
0x17b: {  	v53 =	vadd.s32 $0x6590, v26;
	v17 =	vld.idx.msk [tilespmem:v54+s3+$0x0], vm0;
	[tilespmem:v11+s10+$0xA0 ss:$0x1] =	vst.idx.msk $0xffff, v29  }
0x17c: {  	[tilespmem:v10+s10+$0x2A0 ss:$0x1] =	vst.idx.msk $0xffff, v44;
	v30 =	vld.idx.msk [tilespmem:v47+s3+$0x0], $0xffff  }
0x17d: {  	v48 =	vadd.s32 $0x7148, v26;
	[tilespmem:v9+s10+$0x1A0 ss:$0x1] =	vst.idx.msk $0xffff, v31;
	v50 =	vld.idx.msk [tilespmem:v37+s3+$0x0], $0xffff  }
0x17e: {  	[tilespmem:v11+s10+$0x2A0 ss:$0x1] =	vst.idx.msk $0xffff, v49;
	v20 =	vld.idx.msk [tilespmem:v18+s3+$0x0], vm7  }
0x17f: {  	v56 =	vadd.s32 $0x4A38, v26;
	[tilespmem:v12+s10+$0xA0 ss:$0x1] =	vst.idx.msk $0xffff, v52;
	v57 =	vld.idx.msk [tilespmem:v51+s3+$0x0], $0xffff  }
0x180: {  	v54 =	vadd.s32 $0x3A98, v26;
	v62 =	vld.idx.msk [tilespmem:v53+s3+$0x0], $0xffff;
	[tilespmem:v12+s10+$0x220 ss:$0x1] =	vst.idx.msk $0xffff, v35  }
0x181: {  	v44 =	vadd.s32 $0xFA0, v27;
	[tilespmem:v9+s10+$0x3A0 ss:$0x1] =	vst.idx.msk $0xffff, v28;
	v28 =	vld [tilespmem:s8+$0x8730]  }
0x182: {  	v60 =	vadd.s32 $0x59D8, v26;
	v29 =	vmul.u32 $0x3E8, v61;
	[tilespmem:v10+s10+$0x1A0 ss:$0x1] =	vst.idx.msk $0xffff, v59;
	v32 =	vld.idx.msk [tilespmem:v48+s3+$0x0], $0xffff  }
0x183: {  	vm15 =	vmand vm13, vm14;
	v40 =	vadd.s32 $0x6978, v26;
	v45 =	vimm.s32 $0x0;
	[tilespmem:v11+s10+$0x120 ss:$0x1] =	vst.idx.msk $0xffff, v30;
	v48 =	vld.idx.msk [tilespmem:v27+s3+$0x0], $0xffff  }
0x184: {  	v19 =	vadd.s32 v29, v19;
	v29 =	vsel vm15, $0xFFFFFFFF, v45;
	v59 =	vadd.s32 $0x2EE0, v27;
	[tilespmem:v10+s10+$0x320 ss:$0x1] =	vst.idx.msk $0xffff, v50;
	v46 =	vld.idx.msk [tilespmem:v56+s3+$0x0], $0xffff  }
0x185: {  	vm3 =	vmand vm11, vm12;
	[tilespmem:$0x1FFF0] =	vst v29;
	v29 =	vadd.s32 $0x5DC0, v27;
	v31 =	vld.idx.msk [tilespmem:v54+s3+$0x0], $0xffff  }
0x186: {  	[tilespmem:v11+s10+$0x320 ss:$0x1] =	vst.idx.msk $0xffff, v57;
	v52 =	vld.idx.msk [tilespmem:v44+s3+$0x0], $0xffff  }
0x187: {  	v55 =	vadd.s32 $0x7530, v26;
	[tilespmem:v12+s10+$0x120 ss:$0x1] =	vst.idx.msk $0xffff, v62;
	v36 =	vld.idx.msk [tilespmem:v60+s3+$0x0], $0xffff  }
0x188: {  	v42 =	vmul.u32 $0x3E8, v63;
	v51 =	vsub.s32 v22, v0;
	v50 =	vadd.s32 $0x3E8, v27;
	v49 =	vld.idx.msk [tilespmem:v40+s3+$0x0], $0xffff  }
0x189: {  	v54 =	vmul.u32 $0x3E8, v51;
	v62 =	vadd.s32 $0x4E20, v27;
	v45 =	vld.idx.msk [tilespmem:v59+s3+$0x0], $0xffff  }
0x18a: {  	v58 =	vimm.s32 $0x0;
	v59 =	vld.idx.msk [tilespmem:v29+s3+$0x0], $0xffff;
	[tilespmem:v12+s10+$0x2A0 ss:$0x1] =	vst.idx.msk $0xffff, v32;
	v32 =	vadd.s32 v42, v21  }
0x18b: {  	v47 =	vadd.s32 $0x7918, v26;
	v21 =	vld.idx.msk [tilespmem:v19+s3+$0x0], vm3;
	v56 =	vadd.s32 v26, v54;
	v26 =	vadd.s32 $0x1F40, v27  }
0x18c: {  	v37 =	vsel vm3, $0xFFFFFFFF, v58;
	v43 =	vld.idx.msk [tilespmem:v55+s3+$0x0], $0xffff;
	v55 =	vadd.s32 $0x1388, v27;
	[tilespmem:v9+s10+$0x30 ss:$0x1] =	vst.idx.msk $0xffff, v48  }
0x18d: {  	[tilespmem:$0x1FFE0] =	vst v37;
	v57 =	vld.idx.msk [tilespmem:v50+s3+$0x0], $0xffff  }
0x18e: {  	v58 =	vadd.s32 $0x7D0, v27;
	[tilespmem:v10+s10+$0x3A0 ss:$0x1] =	vst.idx.msk $0xffff, v31;
	v33 =	vld.idx.msk [tilespmem:v62+s3+$0x0], $0xffff  }
0x18f: {  	vm13 =	vge.s32 v22, v2;
	[tilespmem:v9+s10+$0x230 ss:$0x1] =	vst.idx.msk $0xffff, v52;
	v31 =	vadd.s32 $0x3E80, v27;
	v19 =	vld.idx.msk [tilespmem:v32+s3+$0x0], vm15  }
0x190: {  	vm14 =	vlt.s32 v22, v3;
	v52 =	vadd.s32 $0x5208, v27;
	[tilespmem:v11+s10+$0x3A0 ss:$0x1] =	vst.idx.msk $0xffff, v36;
	v61 =	vld.idx.msk [tilespmem:v26+s3+$0x0], $0xffff  }
0x191: {  	vm11 =	vge.s32 v22, v0;
	v63 =	vadd.s32 $0x2328, v27;
	[tilespmem:v12+s10+$0x320 ss:$0x1] =	vst.idx.msk $0xffff, v43;
	v30 =	vld.idx.msk [tilespmem:v55+s3+$0x0], $0xffff  }
0x192: {  	vm12 =	vlt.s32 v22, v1;
	v55 =	vadd.s32 $0x6D60, v27;
	v53 =	vld.idx.msk [tilespmem:v47+s3+$0x0], $0xffff;
	[tilespmem:v9+s10+$0xB0 ss:$0x1] =	vst.idx.msk $0xffff, v57  }
0x193: {  	v60 =	vadd.s32 $0x1770, v27;
	v42 =	vsub.s32 v22, v2;
	[tilespmem:v12+s10+$0x1A0 ss:$0x1] =	vst.idx.msk $0xffff, v49;
	v32 =	vld.idx.msk [tilespmem:v58+s3+$0x0], $0xffff  }
0x194: {  	vm8 =	vmand vm11, vm12;
	v42 =	vmul.u32 $0x3E8, v42;
	v47 =	vadd.s32 $0x32C8, v27;
	v49 =	vld.idx.msk [tilespmem:v31+s3+$0x0], $0xffff;
	[tilespmem:v11+s10+$0x230 ss:$0x1] =	vst.idx.msk $0xffff, v33  }
0x195: {  	vm10 =	vmand vm13, vm14;
	v36 =	vld.idx.msk [tilespmem:v52+s3+$0x0], $0xffff;
	[tilespmem:v10+s10+$0x30 ss:$0x1] =	vst.idx.msk $0xffff, v61  }
0x196: {  	[tilespmem:v11+s10+$0x1A0 ss:$0x1] =	vst.idx.msk $0xffff, v46;
	v23 =	vadd.s32 v42, v23;
	v51 =	vld.idx.msk [tilespmem:v63+s3+$0x0], $0xffff  }
0x197: {  	v44 =	vadd.s32 $0xBB8, v27;
	[tilespmem:v9+s10+$0x2B0 ss:$0x1] =	vst.idx.msk $0xffff, v30;
	v33 =	vld.idx.msk [tilespmem:v55+s3+$0x0], $0xffff  }
0x198: {  	v50 =	vadd.s32 $0x4268, v27;
	[tilespmem:v10+s10+$0x230 ss:$0x1] =	vst.idx.msk $0xffff, v45;
	v46 =	vld.idx.msk [tilespmem:v60+s3+$0x0], $0xffff  }
0x199: {  	v58 =	vadd.s32 $0x55F0, v27;
	[tilespmem:v12+s10+$0x3A0 ss:$0x1] =	vst.idx.msk $0xffff, v53;
	v30 =	vld.idx.msk [tilespmem:v47+s3+$0x0], $0xffff  }
0x19a: {  	v41 =	vadd.s32 $0x2710, v27;
	[tilespmem:v12+s10+$0x30 ss:$0x1] =	vst.idx.msk $0xffff, v59;
	v18 =	vld.idx.msk [tilespmem:v56+s3+$0x0], vm8  }
0x19b: {  	[tilespmem:v9+s10+$0x130 ss:$0x1] =	vst.idx.msk $0xffff, v32;
	v23 =	vld.idx.msk [tilespmem:v23+s3+$0x0], vm10  }
0x19c: {  	v62 =	vadd.s32 $0x7148, v27;
	[tilespmem:v11+s10+$0x30 ss:$0x1] =	vst.idx.msk $0xffff, v49;
	v37 =	vld.idx.msk [tilespmem:v44+s3+$0x0], $0xffff  }
0x19d: {  	v48 =	vadd.s32 $0x1B58, v27;
	v54 =	vld.idx.msk [tilespmem:v50+s3+$0x0], $0xffff;
	[tilespmem:v11+s10+$0x2B0 ss:$0x1] =	vst.idx.msk $0xffff, v36  }
0x19e: {  	v53 =	vadd.s32 $0x36B0, v27;
	v45 =	vld.idx.msk [tilespmem:v58+s3+$0x0], $0xffff;
	[tilespmem:v10+s10+$0xB0 ss:$0x1] =	vst.idx.msk $0xffff, v51  }
0x19f: {  	v60 =	vadd.s32 $0x61A8, v27;
	[tilespmem:v12+s10+$0x230 ss:$0x1] =	vst.idx.msk $0xffff, v33;
	v57 =	vld.idx.msk [tilespmem:v41+s3+$0x0], $0xffff  }
0x1a0: {  	v56 =	vadd.s32 $0x4650, v27;
	[tilespmem:v10+s10+$0x2B0 ss:$0x1] =	vst.idx.msk $0xffff, v30;
	v30 =	vld [tilespmem:s8+$0x7D40]  }
0x1a1: {  	v47 =	vadd.s32 $0x59D8, v27;
	[tilespmem:v9+s10+$0x330 ss:$0x1] =	vst.idx.msk $0xffff, v46;
	v33 =	vld.idx.msk [tilespmem:v62+s3+$0x0], $0xffff  }
0x1a2: {  	v34 =	vld.idx.msk [tilespmem:v48+s3+$0x0], $0xffff;
	[tilespmem:v9+s10+$0x1B0 ss:$0x1] =	vst.idx.msk $0xffff, v37  }
0x1a3: {  	v61 =	vadd.s32 $0x2AF8, v27;
	v35 =	vld.idx.msk [tilespmem:v53+s3+$0x0], $0xffff;
	[tilespmem:v11+s10+$0xB0 ss:$0x1] =	vst.idx.msk $0xffff, v54  }
0x1a4: {  	v63 =	vadd.s32 $0x3A98, v27;
	v37 =	vld.idx.msk [tilespmem:v60+s3+$0x0], $0xffff;
	[tilespmem:v11+s10+$0x330 ss:$0x1] =	vst.idx.msk $0xffff, v45  }
0x1a5: {  	vm5 =	vge.s32 v22, v6;
	v43 =	vadd.s32 $0x6590, v27;
	v32 =	vld.idx.msk [tilespmem:v56+s3+$0x0], $0xffff;
	[tilespmem:v10+s10+$0x130 ss:$0x1] =	vst.idx.msk $0xffff, v57  }
0x1a6: {  	vm6 =	vlt.s32 v22, v7;
	vm4 =	vlt.s32 v22, v5;
	v50 =	vld.idx.msk [tilespmem:v47+s3+$0x0], $0xffff;
	[tilespmem:v12+s10+$0x2B0 ss:$0x1] =	vst.idx.msk $0xffff, v33  }
0x1a7: {  	vm15 =	vge.s32 v22, v4;
	v52 =	vsub.s32 v22, v4;
	v48 =	vadd.s32 $0x7530, v27;
	v33 =	vld [tilespmem:s8+$0x8740];
	[tilespmem:v9+s10+$0x3B0 ss:$0x1] =	vst.idx.msk $0xffff, v34  }
0x1a8: {  	v38 =	vmul.u32 $0x3E8, v52;
	v46 =	vadd.s32 $0x4A38, v27;
	v54 =	vsub.s32 v22, v6;
	v41 =	vld.idx.msk [tilespmem:v61+s3+$0x0], $0xffff;
	[tilespmem:v10+s10+$0x330 ss:$0x1] =	vst.idx.msk $0xffff, v35  }
0x1a9: {  	vm11 =	vmand vm15, vm4;
	v51 =	vadd.s32 $0xFA0, v30;
	v57 =	vmul.u32 $0x3E8, v54;
	v34 =	vld.idx.msk [tilespmem:v63+s3+$0x0], $0xffff;
	[tilespmem:v12+s10+$0xB0 ss:$0x1] =	vst.idx.msk $0xffff, v37  }
0x1aa: {  	vm12 =	vmand vm5, vm6;
	v24 =	vadd.s32 v38, v24;
	v53 =	vld.idx.msk [tilespmem:v43+s3+$0x0], $0xffff  }
0x1ab: {  	vm9 =	vge.s32 v28, v0;
	v22 =	vadd.s32 v57, v25;
	v56 =	vld.idx.msk [tilespmem:v30+s3+$0x0], $0xffff  }
0x1ac: {  	v55 =	vadd.s32 $0x6978, v27;
	v60 =	vsub.s32 v28, v0;
	[tilespmem:v11+s10+$0x130 ss:$0x1] =	vst.idx.msk $0xffff, v32;
	v32 =	vld.idx.msk [tilespmem:v48+s3+$0x0], $0xffff  }
0x1ad: {  	v58 =	vadd.s32 $0x3E8, v30;
	v25 =	vmul.u32 $0x3E8, v60;
	v43 =	vsub.s32 v28, v2;
	v49 =	vld.idx.msk [tilespmem:v46+s3+$0x0], $0xffff  }
0x1ae: {  	vm13 =	vlt.s32 v28, v1;
	v59 =	vadd.s32 $0x7918, v27;
	v44 =	vmul.u32 $0x3E8, v43;
	v61 =	vld.idx.msk [tilespmem:v51+s3+$0x0], $0xffff  }
0x1af: {  	v62 =	vadd.s32 $0x1388, v30;
	v25 =	vadd.s32 v27, v25;
	v27 =	vld.idx.msk [tilespmem:v24+s3+$0x0], vm11;
	[tilespmem:v10+s10+$0x3B0 ss:$0x1] =	vst.idx.msk $0xffff, v34  }
0x1b0: {  	v39 =	vadd.s32 v44, v26;
	v26 =	vld.idx.msk [tilespmem:v22+s3+$0x0], vm12;
	v34 =	vadd.s32 $0x1F40, v30;
	[tilespmem:v12+s10+$0x130 ss:$0x1] =	vst.idx.msk $0xffff, v53  }
0x1b1: {  	vm14 =	vge.s32 v28, v2;
	[tilespmem:v9+s10+$0x40 ss:$0x1] =	vst.idx.msk $0xffff, v56;
	v53 =	vadd.s32 $0x2EE0, v30;
	v63 =	vld.idx.msk [tilespmem:v55+s3+$0x0], $0xffff  }
0x1b2: {  	vm5 =	vlt.s32 v28, v5;
	[tilespmem:v12+s10+$0x330 ss:$0x1] =	vst.idx.msk $0xffff, v32;
	v56 =	vadd.s32 $0x4E20, v30;
	v45 =	vld.idx.msk [tilespmem:v58+s3+$0x0], $0xffff  }
0x1b3: {  	vm15 =	vlt.s32 v28, v3;
	v38 =	vadd.s32 $0x5DC0, v30;
	v46 =	vld.idx.msk [tilespmem:v59+s3+$0x0], $0xffff;
	[tilespmem:v9+s10+$0x240 ss:$0x1] =	vst.idx.msk $0xffff, v61  }
0x1b4: {  	vm13 =	vmand vm9, vm13;
	v47 =	vadd.s32 $0x7D0, v30;
	v48 =	vsub.s32 v28, v4;
	[tilespmem:v11+s10+$0x3B0 ss:$0x1] =	vst.idx.msk $0xffff, v50;
	v37 =	vld.idx.msk [tilespmem:v62+s3+$0x0], $0xffff  }
0x1b5: {  	vm4 =	vge.s32 v28, v4;
	vm14 =	vmand vm14, vm15;
	[tilespmem:v11+s10+$0x1B0 ss:$0x1] =	vst.idx.msk $0xffff, v49;
	v49 =	vmul.u32 $0x3E8, v48;
	v55 =	vld.idx.msk [tilespmem:v34+s3+$0x0], $0xffff  }
0x1b6: {  	vm9 =	vmand vm4, vm5;
	[tilespmem:v10+s10+$0x1B0 ss:$0x1] =	vst.idx.msk $0xffff, v41;
	v36 =	vld.idx.msk [tilespmem:v53+s3+$0x0], $0xffff  }
0x1b7: {  	v51 =	vadd.s32 v49, v31;
	v61 =	vld.idx.msk [tilespmem:v56+s3+$0x0], $0xffff;
	[tilespmem:v12+s10+$0x1B0 ss:$0x1] =	vst.idx.msk $0xffff, v63  }
0x1b8: {  	v31 =	vadd.s32 $0x3E80, v30;
	[tilespmem:v9+s10+$0xC0 ss:$0x1] =	vst.idx.msk $0xffff, v45;
	v63 =	vld.idx.msk [tilespmem:v38+s3+$0x0], $0xffff  }
0x1b9: {  	v62 =	vadd.s32 $0x6D60, v30;
	[tilespmem:v12+s10+$0x3B0 ss:$0x1] =	vst.idx.msk $0xffff, v46;
	v32 =	vld.idx.msk [tilespmem:v47+s3+$0x0], $0xffff  }
0x1ba: {  	v50 =	vadd.s32 $0x1770, v30;
	v25 =	vld.idx.msk [tilespmem:v25+s3+$0x0], vm13  }
0x1bb: {  	v57 =	vadd.s32 $0x2328, v30;
	v24 =	vld.idx.msk [tilespmem:v39+s3+$0x0], vm14  }
0x1bc: {  	v44 =	vadd.s32 $0x5208, v30;
	v22 =	vld.idx.msk [tilespmem:v51+s3+$0x0], vm9  }
0x1bd: {  	v48 =	vadd.s32 $0x61A8, v30;
	[tilespmem:v9+s10+$0x2C0 ss:$0x1] =	vst.idx.msk $0xffff, v37;
	v59 =	vld.idx.msk [tilespmem:v31+s3+$0x0], $0xffff  }
0x1be: {  	v52 =	vadd.s32 $0xBB8, v30;
	v49 =	vld.idx.msk [tilespmem:v62+s3+$0x0], $0xffff;
	[tilespmem:v10+s10+$0x40 ss:$0x1] =	vst.idx.msk $0xffff, v55  }
0x1bf: {  	v58 =	vadd.s32 $0x32C8, v30;
	v37 =	vld.idx.msk [tilespmem:v50+s3+$0x0], $0xffff;
	[tilespmem:v10+s10+$0x240 ss:$0x1] =	vst.idx.msk $0xffff, v36  }
0x1c0: {  	v60 =	vadd.s32 $0x4268, v30;
	v41 =	vld.idx.msk [tilespmem:v57+s3+$0x0], $0xffff;
	[tilespmem:v11+s10+$0x240 ss:$0x1] =	vst.idx.msk $0xffff, v61  }
0x1c1: {  	v51 =	vadd.s32 $0x7148, v30;
	v50 =	vld.idx.msk [tilespmem:v44+s3+$0x0], $0xffff;
	[tilespmem:v12+s10+$0x40 ss:$0x1] =	vst.idx.msk $0xffff, v63  }
0x1c2: {  	v54 =	vadd.s32 $0x1B58, v30;
	[tilespmem:v9+s10+$0x140 ss:$0x1] =	vst.idx.msk $0xffff, v32;
	v36 =	vld.idx.msk [tilespmem:v48+s3+$0x0], $0xffff  }
0x1c3: {  	v45 =	vadd.s32 $0x2710, v30;
	v35 =	vld.idx.msk [tilespmem:v52+s3+$0x0], $0xffff;
	[tilespmem:v11+s10+$0x40 ss:$0x1] =	vst.idx.msk $0xffff, v59  }
0x1c4: {  	v53 =	vadd.s32 $0x55F0, v30;
	[tilespmem:v9+s10+$0x340 ss:$0x1] =	vst.idx.msk $0xffff, v37;
	v37 =	vld.idx.msk [tilespmem:v58+s3+$0x0], $0xffff  }
0x1c5: {  	[tilespmem:v12+s10+$0x240 ss:$0x1] =	vst.idx.msk $0xffff, v49;
	v39 =	vld.idx.msk [tilespmem:v60+s3+$0x0], $0xffff  }
0x1c6: {  	v46 =	vadd.s32 $0x36B0, v30;
	v57 =	vld.idx.msk [tilespmem:v51+s3+$0x0], $0xffff  }
0x1c7: {  	v47 =	vadd.s32 $0x4650, v30;
	v43 =	vld.idx.msk [tilespmem:v54+s3+$0x0], $0xffff;
	[tilespmem:v10+s10+$0xC0 ss:$0x1] =	vst.idx.msk $0xffff, v41  }
0x1c8: {  	vm6 =	vge.s32 v28, v6;
	v54 =	vadd.s32 $0x6590, v30;
	v52 =	vld.idx.msk [tilespmem:v45+s3+$0x0], $0xffff;
	[tilespmem:v11+s10+$0x2C0 ss:$0x1] =	vst.idx.msk $0xffff, v50  }
0x1c9: {  	v63 =	vsub.s32 v28, v6;
	v59 =	vadd.s32 $0x7530, v30;
	v58 =	vld.idx.msk [tilespmem:v53+s3+$0x0], $0xffff;
	[tilespmem:v10+s10+$0x2C0 ss:$0x1] =	vst.idx.msk $0xffff, v37  }
0x1ca: {  	vm15 =	vlt.s32 v28, v7;
	v55 =	vadd.s32 $0x2AF8, v30;
	v41 =	vmul.u32 $0x3E8, v63;
	[tilespmem:v11+s10+$0xC0 ss:$0x1] =	vst.idx.msk $0xffff, v39;
	v39 =	vld [tilespmem:s8+$0x7D50]  }
0x1cb: {  	vm15 =	vmand vm6, vm15;
	v61 =	vadd.s32 $0x59D8, v30;
	v37 =	vld.idx.msk [tilespmem:v46+s3+$0x0], $0xffff  }
0x1cc: {  	[tilespmem:v12+s10+$0xC0 ss:$0x1] =	vst.idx.msk $0xffff, v36;
	v29 =	vadd.s32 v41, v29;
	v47 =	vld.idx.msk [tilespmem:v47+s3+$0x0], $0xffff  }
0x1cd: {  	v56 =	vadd.s32 $0x3A98, v30;
	[tilespmem:v12+s10+$0x2C0 ss:$0x1] =	vst.idx.msk $0xffff, v57;
	v42 =	vld.idx.msk [tilespmem:v54+s3+$0x0], $0xffff  }
0x1ce: {  	v49 =	vsub.s32 v33, v0;
	v60 =	vadd.s32 $0x4A38, v30;
	v40 =	vld.idx.msk [tilespmem:v59+s3+$0x0], $0xffff;
	[tilespmem:v10+s10+$0x140 ss:$0x1] =	vst.idx.msk $0xffff, v52  }
0x1cf: {  	v62 =	vadd.s32 $0x6978, v30;
	v28 =	vmul.u32 $0x3E8, v49;
	v44 =	vld.idx.msk [tilespmem:v55+s3+$0x0], $0xffff;
	[tilespmem:v11+s10+$0x340 ss:$0x1] =	vst.idx.msk $0xffff, v58  }
0x1d0: {  	v36 =	vld.idx.msk [tilespmem:v61+s3+$0x0], $0xffff;
	[tilespmem:v10+s10+$0x340 ss:$0x1] =	vst.idx.msk $0xffff, v37  }
0x1d1: {  	v48 =	vadd.s32 $0xFA0, v39;
	[tilespmem:v11+s10+$0x140 ss:$0x1] =	vst.idx.msk $0xffff, v47;
	v47 =	vadd.s32 $0x7918, v30;
	v30 =	vadd.s32 v30, v28;
	v28 =	vld.idx.msk [tilespmem:v29+s3+$0x0], vm15  }
0x1d2: {  	[tilespmem:v9+s10+$0x1C0 ss:$0x1] =	vst.idx.msk $0xffff, v35;
	v55 =	vadd.s32 $0x2EE0, v39;
	v32 =	vld.idx.msk [tilespmem:v56+s3+$0x0], $0xffff  }
0x1d3: {  	[tilespmem:v12+s10+$0x140 ss:$0x1] =	vst.idx.msk $0xffff, v42;
	v45 =	vld.idx.msk [tilespmem:v60+s3+$0x0], $0xffff  }
0x1d4: {  	[tilespmem:v12+s10+$0x340 ss:$0x1] =	vst.idx.msk $0xffff, v40;
	v40 =	vadd.s32 $0x1F40, v39;
	v37 =	vld.idx.msk [tilespmem:v62+s3+$0x0], $0xffff  }
0x1d5: {  	vm4 =	vge.s32 v33, v0;
	[tilespmem:v9+s10+$0x3C0 ss:$0x1] =	vst.idx.msk $0xffff, v43;
	v50 =	vld.idx.msk [tilespmem:v39+s3+$0x0], $0xffff  }
0x1d6: {  	vm5 =	vlt.s32 v33, v1;
	v51 =	vadd.s32 $0x3E8, v39;
	[tilespmem:v10+s10+$0x1C0 ss:$0x1] =	vst.idx.msk $0xffff, v44;
	v42 =	vld.idx.msk [tilespmem:v48+s3+$0x0], $0xffff  }
0x1d7: {  	vm6 =	vge.s32 v33, v2;
	[tilespmem:v11+s10+$0x3C0 ss:$0x1] =	vst.idx.msk $0xffff, v36;
	v36 =	vadd.s32 $0x3E80, v39;
	v43 =	vld.idx.msk [tilespmem:v55+s3+$0x0], $0xffff  }
0x1d8: {  	vm5 =	vmand vm4, vm5;
	v53 =	vsub.s32 v33, v2;
	v52 =	vadd.s32 $0x1388, v39;
	v35 =	vld.idx.msk [tilespmem:v47+s3+$0x0], $0xffff;
	[tilespmem:v10+s10+$0x3C0 ss:$0x1] =	vst.idx.msk $0xffff, v32  }
0x1d9: {  	vm4 =	vlt.s32 v33, v3;
	v54 =	vmul.u32 $0x3E8, v53;
	v62 =	vadd.s32 $0x32C8, v39;
	v60 =	vld.idx.msk [tilespmem:v40+s3+$0x0], $0xffff;
	[tilespmem:v11+s10+$0x1C0 ss:$0x1] =	vst.idx.msk $0xffff, v45  }
0x1da: {  	vm4 =	vmand vm6, vm4;
	v32 =	vld [tilespmem:s8+$0x8750];
	[tilespmem:v9+s10+$0x50 ss:$0x1] =	vst.idx.msk $0xffff, v50  }
0x1db: {  	v57 =	vadd.s32 v54, v34;
	[tilespmem:v12+s10+$0x1C0 ss:$0x1] =	vst.idx.msk $0xffff, v37;
	v41 =	vld.idx.msk [tilespmem:v51+s3+$0x0], $0xffff  }
0x1dc: {  	v50 =	vadd.s32 $0x4E20, v39;
	v48 =	vld.idx.msk [tilespmem:v36+s3+$0x0], $0xffff;
	[tilespmem:v9+s10+$0x250 ss:$0x1] =	vst.idx.msk $0xffff, v42  }
0x1dd: {  	v61 =	vadd.s32 $0x2328, v39;
	[tilespmem:v10+s10+$0x250 ss:$0x1] =	vst.idx.msk $0xffff, v43;
	v58 =	vld.idx.msk [tilespmem:v52+s3+$0x0], $0xffff  }
0x1de: {  	v56 =	vadd.s32 $0x7D0, v39;
	[tilespmem:v12+s10+$0x3C0 ss:$0x1] =	vst.idx.msk $0xffff, v35;
	v43 =	vld.idx.msk [tilespmem:v62+s3+$0x0], $0xffff  }
0x1df: {  	v49 =	vadd.s32 $0x4268, v39;
	v29 =	vld.idx.msk [tilespmem:v30+s3+$0x0], vm5  }
0x1e0: {  	v34 =	vadd.s32 $0x5DC0, v39;
	v30 =	vld.idx.msk [tilespmem:v57+s3+$0x0], vm4  }
0x1e1: {  	v59 =	vadd.s32 $0x1770, v39;
	[tilespmem:v10+s10+$0x50 ss:$0x1] =	vst.idx.msk $0xffff, v60;
	v42 =	vld.idx.msk [tilespmem:v50+s3+$0x0], $0xffff  }
0x1e2: {  	v54 =	vadd.s32 $0x36B0, v39;
	[tilespmem:v9+s10+$0xD0 ss:$0x1] =	vst.idx.msk $0xffff, v41;
	v41 =	vld.idx.msk [tilespmem:v61+s3+$0x0], $0xffff  }
0x1e3: {  	v57 =	vadd.s32 $0x6D60, v39;
	[tilespmem:v11+s10+$0x50 ss:$0x1] =	vst.idx.msk $0xffff, v48;
	v35 =	vld.idx.msk [tilespmem:v56+s3+$0x0], $0xffff  }
0x1e4: {  	v63 =	vadd.s32 $0xBB8, v39;
	v46 =	vld.idx.msk [tilespmem:v49+s3+$0x0], $0xffff  }
0x1e5: {  	v52 =	vadd.s32 $0x2710, v39;
	[tilespmem:v9+s10+$0x2D0 ss:$0x1] =	vst.idx.msk $0xffff, v58;
	v58 =	vld.idx.msk [tilespmem:v34+s3+$0x0], $0xffff  }
0x1e6: {  	v56 =	vadd.s32 $0x5208, v39;
	[tilespmem:v10+s10+$0x2D0 ss:$0x1] =	vst.idx.msk $0xffff, v43;
	v37 =	vld.idx.msk [tilespmem:v59+s3+$0x0], $0xffff  }
0x1e7: {  	v55 =	vadd.s32 $0x4650, v39;
	v45 =	vld.idx.msk [tilespmem:v54+s3+$0x0], $0xffff  }
0x1e8: {  	v43 =	vld.idx.msk [tilespmem:v57+s3+$0x0], $0xffff;
	[tilespmem:v9+s10+$0x150 ss:$0x1] =	vst.idx.msk $0xffff, v35  }
0x1e9: {  	vm0 =	vge.s32 v33, v4;
	[tilespmem:v10+s10+$0xD0 ss:$0x1] =	vst.idx.msk $0xffff, v41;
	v53 =	vld.idx.msk [tilespmem:v63+s3+$0x0], $0xffff;
	v63 =	vadd.s32 $0x7148, v39  }
0x1ea: {  	v60 =	vsub.s32 v33, v4;
	v59 =	vadd.s32 $0x61A8, v39;
	[tilespmem:v11+s10+$0x250 ss:$0x1] =	vst.idx.msk $0xffff, v42;
	v35 =	vld.idx.msk [tilespmem:v52+s3+$0x0], $0xffff  }
0x1eb: {  	vm6 =	vlt.s32 v33, v5;
	v51 =	vadd.s32 $0x1B58, v39;
	v50 =	vmul.u32 $0x3E8, v60;
	[tilespmem:v11+s10+$0xD0 ss:$0x1] =	vst.idx.msk $0xffff, v46;
	v41 =	vld.idx.msk [tilespmem:v56+s3+$0x0], $0xffff  }
0x1ec: {  	vm3 =	vmand vm0, vm6;
	v61 =	vadd.s32 $0x3A98, v39;
	v49 =	vld.idx.msk [tilespmem:v55+s3+$0x0], $0xffff;
	[tilespmem:v9+s10+$0x350 ss:$0x1] =	vst.idx.msk $0xffff, v37  }
0x1ed: {  	v31 =	vadd.s32 v50, v31;
	v37 =	vld [tilespmem:s8+$0x7D60];
	[tilespmem:v12+s10+$0x250 ss:$0x1] =	vst.idx.msk $0xffff, v43  }
0x1ee: {  	v48 =	vadd.s32 $0x2AF8, v39;
	[tilespmem:v12+s10+$0x50 ss:$0x1] =	vst.idx.msk $0xffff, v58;
	v55 =	vld.idx.msk [tilespmem:v63+s3+$0x0], $0xffff  }
0x1ef: {  	v58 =	vadd.s32 $0x7530, v39;
	v42 =	vld.idx.msk [tilespmem:v59+s3+$0x0], $0xffff  }
0x1f0: {  	v62 =	vadd.s32 $0x4A38, v39;
	[tilespmem:v10+s10+$0x350 ss:$0x1] =	vst.idx.msk $0xffff, v45;
	v47 =	vld.idx.msk [tilespmem:v51+s3+$0x0], $0xffff  }
0x1f1: {  	v51 =	vadd.s32 $0x55F0, v39;
	v44 =	vld.idx.msk [tilespmem:v61+s3+$0x0], $0xffff;
	[tilespmem:v10+s10+$0x150 ss:$0x1] =	vst.idx.msk $0xffff, v35  }
0x1f2: {  	v35 =	vld.idx.msk [tilespmem:v31+s3+$0x0], vm3;
	[tilespmem:v9+s10+$0x1D0 ss:$0x1] =	vst.idx.msk $0xffff, v53  }
0x1f3: {  	v48 =	vld.idx.msk [tilespmem:v48+s3+$0x0], $0xffff;
	v53 =	vadd.s32 $0x6590, v39;
	[tilespmem:v12+s10+$0x2D0 ss:$0x1] =	vst.idx.msk $0xffff, v55  }
0x1f4: {  	[tilespmem:v11+s10+$0x150 ss:$0x1] =	vst.idx.msk $0xffff, v49;
	v52 =	vld.idx.msk [tilespmem:v58+s3+$0x0], $0xffff  }
0x1f5: {  	[tilespmem:v11+s10+$0x2D0 ss:$0x1] =	vst.idx.msk $0xffff, v41;
	v54 =	vld.idx.msk [tilespmem:v62+s3+$0x0], $0xffff  }
0x1f6: {  	vm0 =	vge.s32 v33, v6;
	vm6 =	vlt.s32 v33, v7;
	v56 =	vadd.s32 $0xFA0, v37;
	v57 =	vld.idx.msk [tilespmem:v51+s3+$0x0], $0xffff  }
0x1f7: {  	[tilespmem:v12+s10+$0xD0 ss:$0x1] =	vst.idx.msk $0xffff, v42;
	v62 =	vsub.s32 v33, v6;
	v31 =	vadd.s32 $0x1F40, v37;
	v61 =	vld.idx.msk [tilespmem:v37+s3+$0x0], $0xffff  }
0x1f8: {  	v59 =	vadd.s32 $0x59D8, v39;
	v49 =	vnsel vm2, $0x0, v14;
	v14 =	vmul.u32 $0x3E8, v62;
	v42 =	vld.idx.msk [tilespmem:v53+s3+$0x0], $0xffff  }
0x1f9: {  	v60 =	vadd.s32 $0x6978, v39;
	vm2 =	vmand vm0, vm6;
	v63 =	vadd.s32 $0x3E8, v37;
	[tilespmem:v12+s10+$0x350 ss:$0x1] =	vst.idx.msk $0xffff, v52;
	v52 =	vld [tilespmem:$0x1FFA0]  }
0x1fa: {  	vm0 =	vge.s32 v32, v0;
	vm6 =	vlt.s32 v32, v1;
	v55 =	vadd.s32 v14, v38;
	v14 =	vld [tilespmem:s8+$0x8760]  }
0x1fb: {  	vm1 =	vmand vm0, vm6;
	[tilespmem:v11+s10+$0x1D0 ss:$0x1] =	vst.idx.msk $0xffff, v54;
	v43 =	vld.idx.msk [tilespmem:v56+s3+$0x0], $0xffff  }
0x1fc: {  	vm0 =	vge.s32 v32, v2;
	vm6 =	vlt.s32 v32, v3;
	v62 =	vld.idx.msk [tilespmem:v31+s3+$0x0], $0xffff;
	[tilespmem:v11+s10+$0x350 ss:$0x1] =	vst.idx.msk $0xffff, v57  }
0x1fd: {  	v8 =	vsub.f32 v8, v49;
	v53 =	vadd.s32 $0x1388, v37;
	v54 =	vld.idx.msk [tilespmem:v59+s3+$0x0], $0xffff;
	[tilespmem:v9+s10+$0x60 ss:$0x1] =	vst.idx.msk $0xffff, v61  }
0x1fe: {  	vm0 =	vmand vm0, vm6;
	v58 =	vadd.s32 $0x2EE0, v37;
	[tilespmem:v12+s10+$0x150 ss:$0x1] =	vst.idx.msk $0xffff, v42;
	v41 =	vld.idx.msk [tilespmem:v63+s3+$0x0], $0xffff;
	vm6 =	vnez.u8 v52  }
0x1ff: {  	v56 =	vadd.s32 $0x7918, v39;
	v42 =	vld.idx.msk [tilespmem:v60+s3+$0x0], $0xffff;
	v13 =	vnsel vm6, $0x0, v13  }
0x200: {  	v60 =	vadd.s32 $0x7D0, v37;
	v8 =	vsub.f32 v8, v13;
	v13 =	vld [tilespmem:$0x1FFB0]  }
0x201: {  	v33 =	vld.idx.msk [tilespmem:v55+s3+$0x0], vm2;
	[tilespmem:v9+s10+$0x260 ss:$0x1] =	vst.idx.msk $0xffff, v43  }
0x202: {  	[tilespmem:v9+s10+$0x3D0 ss:$0x1] =	vst.idx.msk $0xffff, v47;
	v47 =	vld.idx.msk [tilespmem:v53+s3+$0x0], $0xffff  }
0x203: {  	[tilespmem:v10+s10+$0x3D0 ss:$0x1] =	vst.idx.msk $0xffff, v44;
	v61 =	vadd.s32 $0x1770, v37;
	v53 =	vld.idx.msk [tilespmem:v58+s3+$0x0], $0xffff  }
0x204: {  	v55 =	vadd.s32 $0x32C8, v37;
	v38 =	vld.idx.msk [tilespmem:v56+s3+$0x0], $0xffff;
	[tilespmem:v9+s10+$0xE0 ss:$0x1] =	vst.idx.msk $0xffff, v41  }
0x205: {  	v57 =	vsub.s32 v32, v0;
	v63 =	vadd.s32 $0x2328, v37;
	[tilespmem:v11+s10+$0x3D0 ss:$0x1] =	vst.idx.msk $0xffff, v54;
	v54 =	vld.idx.msk [tilespmem:v60+s3+$0x0], $0xffff;
	vm6 =	vnez.u8 v13  }
0x206: {  	v44 =	vmul.u32 $0x3E8, v57;
	v59 =	vsub.s32 v32, v2;
	[tilespmem:v10+s10+$0x60 ss:$0x1] =	vst.idx.msk $0xffff, v62;
	v60 =	vld [tilespmem:$0x1FFD0];
	v13 =	vnsel vm6, $0x0, v16  }
0x207: {  	v45 =	vmul.u32 $0x3E8, v59;
	v62 =	vadd.s32 $0x4E20, v37;
	[tilespmem:v9+s10+$0x2E0 ss:$0x1] =	vst.idx.msk $0xffff, v47;
	v8 =	vsub.f32 v8, v13;
	v13 =	vld [tilespmem:$0x1FFC0]  }
0x208: {  	v39 =	vadd.s32 v39, v44;
	[tilespmem:v10+s10+$0x260 ss:$0x1] =	vst.idx.msk $0xffff, v53;
	v57 =	vld.idx.msk [tilespmem:v61+s3+$0x0], $0xffff  }
0x209: {  	v40 =	vadd.s32 v45, v40;
	v61 =	vld.idx.msk [tilespmem:v55+s3+$0x0], $0xffff  }
0x20a: {  	[tilespmem:v10+s10+$0x1D0 ss:$0x1] =	vst.idx.msk $0xffff, v48;
	v59 =	vld.idx.msk [tilespmem:v63+s3+$0x0], $0xffff;
	v63 =	vadd.s32 $0x36B0, v37  }
0x20b: {  	v49 =	vld [tilespmem:$0x1FFF0];
	[tilespmem:v12+s10+$0x1D0 ss:$0x1] =	vst.idx.msk $0xffff, v42  }
0x20c: {  	v56 =	vadd.s32 $0xBB8, v37;
	v52 =	vld.idx.msk [tilespmem:v62+s3+$0x0], $0xffff;
	[tilespmem:v12+s10+$0x3D0 ss:$0x1] =	vst.idx.msk $0xffff, v38;
	vm6 =	vnez.u8 v13  }
0x20d: {  	v39 =	vld.idx.msk [tilespmem:v39+s3+$0x0], vm1;
	v13 =	vnsel vm6, $0x0, v15;
	v15 =	vadd.s32 $0x2710, v37  }
0x20e: {  	v38 =	vld.idx.msk [tilespmem:v40+s3+$0x0], vm0;
	[tilespmem:v10+s10+$0x2E0 ss:$0x1] =	vst.idx.msk $0xffff, v61;
	vm6 =	vnez.u8 v60;
	v8 =	vsub.f32 v8, v13;
	v13 =	vadd.s32 $0x3E80, v37  }
0x20f: {  	[tilespmem:v9+s10+$0x160 ss:$0x1] =	vst.idx.msk $0xffff, v54;
	v54 =	vadd.s32 $0x5208, v37;
	v53 =	vld.idx.msk [tilespmem:v63+s3+$0x0], $0xffff;
	v17 =	vnsel vm6, $0x0, v17  }
0x210: {  	v58 =	vadd.s32 $0x1B58, v37;
	[tilespmem:v10+s10+$0xE0 ss:$0x1] =	vst.idx.msk $0xffff, v59;
	v17 =	vsub.f32 v8, v17;
	v8 =	vld [tilespmem:$0x1FFE0]  }
0x211: {  	[tilespmem:v9+s10+$0x360 ss:$0x1] =	vst.idx.msk $0xffff, v57;
	v57 =	vadd.s32 $0x3A98, v37;
	v16 =	vld.idx.msk [tilespmem:v56+s3+$0x0], $0xffff  }
0x212: {  	v48 =	vld.idx.msk [tilespmem:v15+s3+$0x0], $0xffff;
	v15 =	vadd.s32 $0x6D60, v37  }
0x213: {  	[tilespmem:v11+s10+$0x260 ss:$0x1] =	vst.idx.msk $0xffff, v52;
	v50 =	vld.idx.msk [tilespmem:v13+s3+$0x0], $0xffff  }
0x214: {  	v51 =	vadd.s32 $0x4268, v37;
	v62 =	vld.idx.msk [tilespmem:v54+s3+$0x0], $0xffff  }
0x215: {  	v43 =	vld.idx.msk [tilespmem:v58+s3+$0x0], $0xffff;
	v63 =	vadd.s32 $0x55F0, v37;
	[tilespmem:v10+s10+$0x360 ss:$0x1] =	vst.idx.msk $0xffff, v53;
	vm6 =	vnez.u8 v8  }
0x216: {  	[tilespmem:v9+s10+$0x1E0 ss:$0x1] =	vst.idx.msk $0xffff, v16;
	v16 =	vld.idx.msk [tilespmem:v57+s3+$0x0], $0xffff;
	v8 =	vadd.s32 $0x5DC0, v37;
	v21 =	vnsel vm6, $0x0, v21  }
0x217: {  	vm6 =	vnez.u8 v49;
	v17 =	vsub.f32 v17, v21;
	v58 =	vld.idx.msk [tilespmem:v15+s3+$0x0], $0xffff  }
0x218: {  	v55 =	vadd.s32 $0x2AF8, v37;
	v19 =	vnsel vm6, $0x0, v19;
	v15 =	vld [tilespmem:s8+$0x7D70];
	[tilespmem:v11+s10+$0x60 ss:$0x1] =	vst.idx.msk $0xffff, v50  }
0x219: {  	v60 =	vadd.s32 $0x7148, v37;
	[tilespmem:v11+s10+$0x2E0 ss:$0x1] =	vst.idx.msk $0xffff, v62;
	v17 =	vsub.f32 v17, v19;
	v19 =	vld.idx.msk [tilespmem:v51+s3+$0x0], $0xffff  }
0x21a: {  	v20 =	vnsel vm7, $0x0, v20;
	v61 =	vadd.s32 $0x4650, v37;
	v41 =	vld.idx.msk [tilespmem:v63+s3+$0x0], $0xffff  }
0x21b: {  	v23 =	vnsel vm10, $0x0, v23;
	v27 =	vnsel vm11, $0x0, v27;
	vm10 =	vge.s32 v32, v4;
	[tilespmem:v10+s10+$0x3E0 ss:$0x1] =	vst.idx.msk $0xffff, v16;
	v56 =	vld.idx.msk [tilespmem:v8+s3+$0x0], $0xffff  }
0x21c: {  	vm11 =	vlt.s32 v32, v5;
	v59 =	vadd.s32 $0x61A8, v37;
	v16 =	vld [tilespmem:s8+$0x8770];
	[tilespmem:v10+s10+$0x160 ss:$0x1] =	vst.idx.msk $0xffff, v48;
	v17 =	vsub.f32 v17, v20  }
0x21d: {  	v18 =	vnsel vm8, $0x0, v18;
	v47 =	vsub.s32 v32, v4;
	v20 =	vld.idx.msk [tilespmem:v55+s3+$0x0], $0xffff;
	v55 =	vadd.s32 $0x59D8, v37;
	[tilespmem:v12+s10+$0x260 ss:$0x1] =	vst.idx.msk $0xffff, v58  }
0x21e: {  	v42 =	vmul.u32 $0x3E8, v47;
	v46 =	vadd.s32 $0xFA0, v15;
	v17 =	vsub.f32 v17, v18;
	v40 =	vld.idx.msk [tilespmem:v60+s3+$0x0], $0xffff;
	[tilespmem:v11+s10+$0xE0 ss:$0x1] =	vst.idx.msk $0xffff, v19  }
0x21f: {  	v25 =	vnsel vm13, $0x0, v25;
	v49 =	vadd.s32 $0x7530, v37;
	vm6 =	vmand vm10, vm11;
	v21 =	vld.idx.msk [tilespmem:v61+s3+$0x0], $0xffff  }
0x220: {  	v50 =	vadd.s32 v42, v36;
	v17 =	vsub.f32 v17, v23;
	[tilespmem:v12+s10+$0x60 ss:$0x1] =	vst.idx.msk $0xffff, v56;
	v51 =	vld.idx.msk [tilespmem:v15+s3+$0x0], $0xffff  }
0x221: {  	v24 =	vnsel vm14, $0x0, v24;
	vm13 =	vge.s32 v32, v6;
	[tilespmem:v11+s10+$0x360 ss:$0x1] =	vst.idx.msk $0xffff, v41;
	v52 =	vadd.s32 $0x3E8, v15;
	v18 =	vld.idx.msk [tilespmem:v59+s3+$0x0], $0xffff  }
0x222: {  	vm14 =	vlt.s32 v32, v7;
	v54 =	vadd.s32 $0x4A38, v37;
	v62 =	vld.idx.msk [tilespmem:v55+s3+$0x0], $0xffff;
	v17 =	vsub.f32 v17, v27  }
0x223: {  	v26 =	vnsel vm12, $0x0, v26;
	v48 =	vadd.s32 $0x6590, v37;
	v56 =	vsub.s32 v32, v6;
	v27 =	vld.idx.msk [tilespmem:v46+s3+$0x0], $0xffff;
	[tilespmem:v12+s10+$0x2E0 ss:$0x1] =	vst.idx.msk $0xffff, v40  }
0x224: {  	v53 =	vadd.s32 $0x1388, v15;
	v17 =	vsub.f32 v17, v26;
	v23 =	vld.idx.msk [tilespmem:v49+s3+$0x0], $0xffff;
	v26 =	vmul.u32 $0x3E8, v56;
	[tilespmem:v11+s10+$0x160 ss:$0x1] =	vst.idx.msk $0xffff, v21  }
0x225: {  	vm8 =	vmand vm13, vm14;
	v58 =	vadd.s32 $0x7918, v37;
	v21 =	vld.idx.msk [tilespmem:v50+s3+$0x0], vm6;
	[tilespmem:v9+s10+$0x70 ss:$0x1] =	vst.idx.msk $0xffff, v51  }
0x226: {  	[tilespmem:v12+s10+$0xE0 ss:$0x1] =	vst.idx.msk $0xffff, v18;
	v18 =	vld.idx.msk [tilespmem:v52+s3+$0x0], $0xffff;
	v26 =	vadd.s32 v26, v34  }
0x227: {  	v40 =	vadd.s32 $0x2EE0, v15;
	v60 =	vld.idx.msk [tilespmem:v54+s3+$0x0], $0xffff  }
0x228: {  	v59 =	vadd.s32 $0x7D0, v15;
	v19 =	vld.idx.msk [tilespmem:v48+s3+$0x0], $0xffff;
	[tilespmem:v9+s10+$0x270 ss:$0x1] =	vst.idx.msk $0xffff, v27  }
0x229: {  	v47 =	vnsel vm4, $0x0, v30;
	v30 =	vadd.s32 $0x5DC0, v15;
	v17 =	vsub.f32 v17, v25;
	v25 =	vld.idx.msk [tilespmem:v53+s3+$0x0], $0xffff;
	[tilespmem:v12+s10+$0x360 ss:$0x1] =	vst.idx.msk $0xffff, v23  }
0x22a: {  	[tilespmem:v9+s10+$0x3E0 ss:$0x1] =	vst.idx.msk $0xffff, v43;
	v61 =	vadd.s32 $0x1770, v15;
	v27 =	vld.idx.msk [tilespmem:v58+s3+$0x0], $0xffff  }
0x22b: {  	vm12 =	vge.s32 v14, v0;
	v57 =	vadd.s32 $0x6978, v37;
	[tilespmem:v10+s10+$0x1E0 ss:$0x1] =	vst.idx.msk $0xffff, v20;
	v26 =	vld.idx.msk [tilespmem:v26+s3+$0x0], vm8  }
0x22c: {  	v24 =	vsub.f32 v17, v24;
	v17 =	vadd.s32 $0x1F40, v15;
	[tilespmem:v9+s10+$0xF0 ss:$0x1] =	vst.idx.msk $0xffff, v18;
	v18 =	vld.idx.msk [tilespmem:v40+s3+$0x0], $0xffff  }
0x22d: {  	v22 =	vnsel vm9, $0x0, v22;
	vm13 =	vlt.s32 v14, v1;
	v51 =	vadd.s32 $0x6D60, v15;
	[tilespmem:v11+s10+$0x3E0 ss:$0x1] =	vst.idx.msk $0xffff, v62;
	v41 =	vld.idx.msk [tilespmem:v59+s3+$0x0], $0xffff  }
0x22e: {  	v48 =	vadd.s32 $0x32C8, v15;
	v22 =	vsub.f32 v24, v22;
	v59 =	vld.idx.msk [tilespmem:v30+s3+$0x0], $0xffff;
	[tilespmem:v9+s10+$0x2F0 ss:$0x1] =	vst.idx.msk $0xffff, v25  }
0x22f: {  	vm14 =	vge.s32 v14, v2;
	v42 =	vnsel vm15, $0x0, v28;
	v49 =	vadd.s32 $0x4E20, v15;
	[tilespmem:v12+s10+$0x160 ss:$0x1] =	vst.idx.msk $0xffff, v19;
	v19 =	vld.idx.msk [tilespmem:v61+s3+$0x0], $0xffff  }
0x230: {  	v44 =	vadd.s32 $0x1B58, v15;
	[tilespmem:v11+s10+$0x1E0 ss:$0x1] =	vst.idx.msk $0xffff, v60;
	v22 =	vsub.f32 v22, v42;
	v20 =	vld.idx.msk [tilespmem:v57+s3+$0x0], $0xffff  }
0x231: {  	v29 =	vnsel vm5, $0x0, v29;
	v63 =	vsub.s32 v14, v0;
	v45 =	vld.idx.msk [tilespmem:v17+s3+$0x0], $0xffff;
	[tilespmem:v12+s10+$0x3E0 ss:$0x1] =	vst.idx.msk $0xffff, v27;
	v27 =	vadd.s32 $0x3E80, v15  }
0x232: {  	v43 =	vadd.s32 $0xBB8, v15;
	v23 =	vmul.u32 $0x3E8, v63;
	v22 =	vsub.f32 v22, v29;
	v29 =	vld.idx.msk [tilespmem:v51+s3+$0x0], $0xffff;
	[tilespmem:v10+s10+$0x270 ss:$0x1] =	vst.idx.msk $0xffff, v18  }
0x233: {  	vm5 =	vlt.s32 v14, v5;
	vm7 =	vmand vm12, vm13;
	v46 =	vadd.s32 $0x2328, v15;
	[tilespmem:v9+s10+$0x170 ss:$0x1] =	vst.idx.msk $0xffff, v41;
	v24 =	vld.idx.msk [tilespmem:v48+s3+$0x0], $0xffff  }
0x234: {  	vm4 =	vge.s32 v14, v4;
	v23 =	vadd.s32 v37, v23;
	[tilespmem:v9+s10+$0x370 ss:$0x1] =	vst.idx.msk $0xffff, v19;
	v19 =	vld.idx.msk [tilespmem:v49+s3+$0x0], $0xffff  }
0x235: {  	v62 =	vadd.s32 $0x7148, v15;
	v22 =	vsub.f32 v22, v47;
	[tilespmem:v12+s10+$0x70 ss:$0x1] =	vst.idx.msk $0xffff, v59;
	v25 =	vld.idx.msk [tilespmem:v44+s3+$0x0], $0xffff  }
0x236: {  	vm9 =	vlt.s32 v16, v1;
	v50 =	vnsel vm3, $0x0, v35;
	v58 =	vadd.s32 $0x5208, v15;
	[tilespmem:v12+s10+$0x1E0 ss:$0x1] =	vst.idx.msk $0xffff, v20;
	v54 =	vld.idx.msk [tilespmem:v27+s3+$0x0], $0xffff  }
0x237: {  	v55 =	vadd.s32 $0x4268, v15;
	v28 =	vld.idx.msk [tilespmem:v43+s3+$0x0], $0xffff;
	[tilespmem:v10+s10+$0x70 ss:$0x1] =	vst.idx.msk $0xffff, v45;
	v22 =	vsub.f32 v22, v50  }
0x238: {  	vm12 =	vge.s32 v16, v4;
	v52 =	vnsel vm2, $0x0, v33;
	v61 =	vadd.s32 $0x61A8, v15;
	v20 =	vld.idx.msk [tilespmem:v46+s3+$0x0], $0xffff;
	[tilespmem:v12+s10+$0x270 ss:$0x1] =	vst.idx.msk $0xffff, v29  }
0x239: {  	v57 =	vadd.s32 $0x36B0, v15;
	v23 =	vld.idx.msk [tilespmem:v23+s3+$0x0], vm7;
	v22 =	vsub.f32 v22, v52;
	[tilespmem:v11+s10+$0x270 ss:$0x1] =	vst.idx.msk $0xffff, v19  }
0x23a: {  	vm13 =	vlt.s32 v16, v5;
	v56 =	vnsel vm1, $0x0, v39;
	v53 =	vadd.s32 $0x2710, v15;
	v18 =	vld.idx.msk [tilespmem:v62+s3+$0x0], $0xffff;
	[tilespmem:v9+s10+$0x3F0 ss:$0x1] =	vst.idx.msk $0xffff, v25  }
0x23b: {  	v42 =	vadd.s32 $0x7530, v15;
	v22 =	vsub.f32 v22, v56;
	[tilespmem:v11+s10+$0x70 ss:$0x1] =	vst.idx.msk $0xffff, v54;
	v25 =	vld.idx.msk [tilespmem:v58+s3+$0x0], $0xffff  }
0x23c: {  	vm15 =	vlt.s32 v14, v3;
	v39 =	vadd.s32 $0x55F0, v15;
	v60 =	vnsel vm0, $0x0, v38;
	[tilespmem:v10+s10+$0x2F0 ss:$0x1] =	vst.idx.msk $0xffff, v24;
	v32 =	vld.idx.msk [tilespmem:v55+s3+$0x0], $0xffff  }
0x23d: {  	v37 =	vadd.s32 $0x4650, v15;
	[tilespmem:v10+s10+$0xF0 ss:$0x1] =	vst.idx.msk $0xffff, v20;
	v22 =	vsub.f32 v22, v60;
	v20 =	vld.idx.msk [tilespmem:v61+s3+$0x0], $0xffff  }
0x23e: {  	v21 =	vnsel vm6, $0x0, v21;
	v40 =	vadd.s32 $0x6590, v15;
	v41 =	vsub.s32 v14, v2;
	[tilespmem:v9+s10+$0x1F0 ss:$0x1] =	vst.idx.msk $0xffff, v28;
	v36 =	vld.idx.msk [tilespmem:v57+s3+$0x0], $0xffff  }
0x23f: {  	v38 =	vadd.s32 $0x3A98, v15;
	v43 =	vmul.u32 $0x3E8, v41;
	v33 =	vld.idx.msk [tilespmem:v53+s3+$0x0], $0xffff;
	[tilespmem:v12+s10+$0x2F0 ss:$0x1] =	vst.idx.msk $0xffff, v18;
	v21 =	vsub.f32 v22, v21  }
0x240: {  	v63 =	vadd.s32 $0x2AF8, v15;
	vm0 =	vmand vm14, vm15;
	v26 =	vnsel vm8, $0x0, v26;
	v51 =	vld.idx.msk [tilespmem:v42+s3+$0x0], $0xffff;
	[tilespmem:v11+s10+$0x2F0 ss:$0x1] =	vst.idx.msk $0xffff, v25  }
0x241: {  	v22 =	vadd.s32 v43, v31;
	v21 =	vsub.f32 v21, v26;
	[tilespmem:v11+s10+$0xF0 ss:$0x1] =	vst.idx.msk $0xffff, v32;
	v26 =	vld.idx.msk [tilespmem:v39+s3+$0x0], $0xffff  }
0x242: {  	vm10 =	vge.s32 v16, v2;
	v53 =	vadd.s32 $0x7918, v15;
	[tilespmem:v12+s10+$0xF0 ss:$0x1] =	vst.idx.msk $0xffff, v20;
	v19 =	vld.idx.msk [tilespmem:v37+s3+$0x0], $0xffff  }
0x243: {  	v48 =	vadd.s32 $0x59D8, v15;
	v44 =	vsub.s32 v14, v4;
	[tilespmem:v10+s10+$0x370 ss:$0x1] =	vst.idx.msk $0xffff, v36;
	v49 =	vld.idx.msk [tilespmem:v40+s3+$0x0], $0xffff  }
0x244: {  	vm11 =	vlt.s32 v16, v3;
	v50 =	vadd.s32 $0x6978, v15;
	v47 =	vmul.u32 $0x3E8, v44;
	v28 =	vld.idx.msk [tilespmem:v38+s3+$0x0], $0xffff;
	[tilespmem:v10+s10+$0x170 ss:$0x1] =	vst.idx.msk $0xffff, v33  }
0x245: {  	vm1 =	vmand vm4, vm5;
	vm6 =	vge.s32 v14, v6;
	v45 =	vadd.s32 $0x4A38, v15;
	v24 =	vld.idx.msk [tilespmem:v63+s3+$0x0], $0xffff;
	[tilespmem:v12+s10+$0x370 ss:$0x1] =	vst.idx.msk $0xffff, v51  }
0x246: {  	v52 =	vsub.s32 v14, v6;
	v13 =	vadd.s32 v47, v13;
	v22 =	vld.idx.msk [tilespmem:v22+s3+$0x0], vm0;
	[tilespmem:v11+s10+$0x370 ss:$0x1] =	vst.idx.msk $0xffff, v26  }
0x247: {  	v46 =	vnsel vm7, $0x0, v23;
	vm7 =	vlt.s32 v14, v7;
	v57 =	vld.idx.msk [tilespmem:v53+s3+$0x0], $0xffff;
	[tilespmem:v11+s10+$0x170 ss:$0x1] =	vst.idx.msk $0xffff, v19;
	v19 =	vmul.u32 $0x3E8, v52  }
0x248: {  	v54 =	vsub.s32 v16, v0;
	vm2 =	vmand vm6, vm7;
	[tilespmem:v12+s10+$0x170 ss:$0x1] =	vst.idx.msk $0xffff, v49;
	v14 =	vld.idx.msk [tilespmem:v48+s3+$0x0], $0xffff  }
0x249: {  	vm8 =	vge.s32 v16, v0;
	v18 =	vmul.u32 $0x3E8, v54;
	v55 =	vld.idx.msk [tilespmem:v50+s3+$0x0], $0xffff;
	v8 =	vadd.s32 v19, v8  }
0x24a: {  	vm3 =	vmand vm8, vm9;
	v56 =	vsub.s32 v16, v2;
	[tilespmem:v10+s10+$0x3F0 ss:$0x1] =	vst.idx.msk $0xffff, v28;
	v25 =	vld.idx.msk [tilespmem:v45+s3+$0x0], $0xffff  }
0x24b: {  	vm4 =	vmand vm10, vm11;
	v58 =	vmul.u32 $0x3E8, v56;
	v15 =	vadd.s32 v15, v18;
	[tilespmem:v10+s10+$0x1F0 ss:$0x1] =	vst.idx.msk $0xffff, v24  }
0x24c: {  	vm14 =	vge.s32 v16, v6;
	v59 =	vsub.s32 v16, v4;
	v13 =	vld.idx.msk [tilespmem:v13+s3+$0x0], vm1;
	[tilespmem:v12+s10+$0x3F0 ss:$0x1] =	vst.idx.msk $0xffff, v57  }
0x24d: {  	v62 =	vsub.s32 v16, v6;
	v60 =	vmul.u32 $0x3E8, v59;
	[tilespmem:v11+s10+$0x3F0 ss:$0x1] =	vst.idx.msk $0xffff, v14;
	v14 =	vadd.s32 v58, v17  }
0x24e: {  	v20 =	vsub.f32 v21, v46;
	v61 =	vnsel vm0, $0x0, v22;
	vm0 =	vmand vm12, vm13;
	[tilespmem:v12+s10+$0x1F0 ss:$0x1] =	vst.idx.msk $0xffff, v55;
	v8 =	vld.idx.msk [tilespmem:v8+s3+$0x0], vm2  }
0x24f: {  	vm15 =	vlt.s32 v16, v7;
	v63 =	vmul.u32 $0x3E8, v62;
	v17 =	vadd.s32 v60, v27;
	[tilespmem:v11+s10+$0x1F0 ss:$0x1] =	vst.idx.msk $0xffff, v25  }
0x250: {  	vm5 =	vmand vm14, vm15;
	v18 =	vsub.f32 v20, v61;
	v15 =	vld.idx.msk [tilespmem:v15+s3+$0x0], vm3  }
0x251: {  	v13 =	vnsel vm1, $0x0, v13;
	v16 =	vadd.s32 v63, v30  }
0x252: {  	v13 =	vsub.f32 v18, v13;
	v14 =	vld.idx.msk [tilespmem:v14+s3+$0x0], vm4  }
0x253: {  	v8 =	vnsel vm2, $0x0, v8  }
0x254: {  	v8 =	vsub.f32 v13, v8;
	v13 =	vld.idx.msk [tilespmem:v17+s3+$0x0], vm0  }
0x255: {  	v15 =	vnsel vm3, $0x0, v15  }
0x256: {  	v8 =	vsub.f32 v8, v15;
	v15 =	vld.idx.msk [tilespmem:v16+s3+$0x0], vm5  }
0x257: {  	p2 =	slt.u32 s1, $0x480;
	v14 =	vnsel vm4, $0x0, v14  }
.Ltmp6:
0x258: {  	v8 =	vsub.f32 v8, v14;
	(pc) =	sbr.rel @p2 .LBB2_7-.Ltmp6, $4  }
0x259: {  	v13 =	vnsel vm0, $0x0, v13  }
0x25a: {  	v8 =	vsub.f32 v8, v13  }
0x25b: {  	s11 =	sadd.s32 $0x80, s1;
	v13 =	vnsel vm5, $0x0, v15  }
0x25c: {  	s1 =	smov.u32 s11;
	v8 =	vsub.f32 v8, v13  }
0x25d: {  	p2 =	sne.s32 s31, $0x0  }
.Ltmp7:
0x25e: {  	_ = 	snop;
	(pc) =	sbr.rel @p2 .LBB2_10-.Ltmp7, $3  }
0x25f: {  	_ = 	snop  }
0x260: {  	s1 =	smul.u32 $0x2800, s30;
	_ =	sdelay $0x1  }
0x261: {  	s7 =	sadd.s32 s12, s1;
	s0 =	sadd.s32 @!p0 s17, s1  }
0x262: {  	s8 =	sshrl.u32 s7, $0x3  }
0x263: {  	s11 =	sadd.s32 s15, s1;
	s8 =	sadd.s32 s2, s8  }
0x264: {  	[hbm4b:s8+s3] =	stream.linear.scatter [tilespmem:s20], [sflag:$0x3], $0x2800, $0x38;
	[tilespmem:$0x1DC00] =	vst v63  }
0x265: {  	s8 =	sshrl.u32 s11, $0x3  }
0x266: {  	s31 =	sadd.s32 s16, s1;
	s8 =	sadd.s32 s2, s8  }
0x267: {  	[hbm4b:s8+s3] =	stream.linear.scatter [tilespmem:s21], [sflag:$0x3], $0x2800, $0x38;
	[tilespmem:$0x1DC00] =	vst v63  }
0x268: {  	s8 =	sshrl.u32 s31, $0x3  }
0x269: {  	s8 =	sadd.s32 s2, s8  }
0x26a: {  	[hbm4b:s8+s3] =	stream.linear.scatter [tilespmem:s22], [sflag:$0x3], $0x2800, $0x38;
	[tilespmem:$0x1DC00] =	vst v63  }
0x26b: {  	p2 =	sgt.u32 s30, $0x25;
	s9 =	simm.s32 @!p0 $0x0;
	s8 =	sshrl.u32 @!p0 s0, $0x3  }
0x26c: {  	s10 =	smul.u32 @!p2 $0x500, s30;
	s31 =	simm.s32 @!p0 $0x11380;
	s8 =	sadd.s32 @!p0 s2, s8  }
0x26d: {  	[hbm4b:s8+s9] =	stream.linear.scatter @!p0 [tilespmem:s31], [sflag:$0x3], $0x2800, $0x38;
	[tilespmem:$0x1DC00] =	vst v63  }
0x26e: {  	s8 =	sshrl.u32 @!p2 s10, $0x3  }
0x26f: {  	s8 =	sadd.s32 @!p2 $0x140, s8  }
0x270: {  	s10 =	simm.s32 @!p2 $0x0;
	s31 =	simm.s32 @!p2 $0x7D00;
	s9 =	sadd.s32 @!p2 s5, s8  }
0x271: {  	[tilespmem:s31], [sflag:$0x1] =	stream.linear.gather @!p2 [hbm4b:s9+s10], $0x80, $0x38;
	[tilespmem:$0x1DC00] =	vst v63  }
0x272: {  	s11 =	simm.s32 @!p2 $0x7E00;
	s31 =	sadd.s32 @!p2 $0x10, s9  }
0x273: {  	[tilespmem:s11], [sflag:$0x1] =	stream.linear.gather @!p2 [hbm4b:s31+s10], $0x80, $0x38;
	[tilespmem:$0x1DC00] =	vst v63  }
0x274: {  	s11 =	sadd.s32 @!p2 $0x20, s9;
	s31 =	simm.s32 @!p2 $0x7F00  }
0x275: {  	[tilespmem:s31], [sflag:$0x1] =	stream.linear.gather @!p2 [hbm4b:s11+s10], $0x80, $0x38;
	[tilespmem:$0x1DC00] =	vst v63  }
0x276: {  	s11 =	sadd.s32 @!p2 $0x30, s9;
	s31 =	simm.s32 @!p2 $0x8000  }
0x277: {  	[tilespmem:s31], [sflag:$0x1] =	stream.linear.gather @!p2 [hbm4b:s11+s10], $0x80, $0x38;
	[tilespmem:$0x1DC00] =	vst v63  }
0x278: {  	s11 =	sadd.s32 @!p2 $0x40, s9;
	s31 =	simm.s32 @!p2 $0x8100  }
0x279: {  	[tilespmem:s31], [sflag:$0x1] =	stream.linear.gather @!p2 [hbm4b:s11+s10], $0x80, $0x38;
	[tilespmem:$0x1DC00] =	vst v63  }
0x27a: {  	s11 =	sadd.s32 @!p2 $0x50, s9;
	s31 =	simm.s32 @!p2 $0x8200  }
0x27b: {  	[tilespmem:s31], [sflag:$0x1] =	stream.linear.gather @!p2 [hbm4b:s11+s10], $0x80, $0x38;
	[tilespmem:$0x1DC00] =	vst v63  }
0x27c: {  	s11 =	sadd.s32 @!p2 $0x60, s9;
	s31 =	simm.s32 @!p2 $0x8300  }
0x27d: {  	[tilespmem:s31], [sflag:$0x1] =	stream.linear.gather @!p2 [hbm4b:s11+s10], $0x80, $0x38;
	[tilespmem:$0x1DC00] =	vst v63  }
0x27e: {  	s11 =	sadd.s32 @!p2 $0x70, s9;
	s31 =	simm.s32 @!p2 $0x8400  }
0x27f: {  	[tilespmem:s31], [sflag:$0x1] =	stream.linear.gather @!p2 [hbm4b:s11+s10], $0x80, $0x38;
	[tilespmem:$0x1DC00] =	vst v63  }
0x280: {  	s11 =	sadd.s32 @!p2 $0x80, s9;
	s31 =	simm.s32 @!p2 $0x8500  }
0x281: {  	[tilespmem:s31], [sflag:$0x1] =	stream.linear.gather @!p2 [hbm4b:s11+s10], $0x80, $0x38;
	[tilespmem:$0x1DC00] =	vst v63  }
0x282: {  	s9 =	sadd.s32 @!p2 $0x90, s9;
	s11 =	simm.s32 @!p2 $0x8600  }
0x283: {  	[tilespmem:s11], [sflag:$0x1] =	stream.linear.gather @!p2 [hbm4b:s9+s10], $0x80, $0x38;
	[tilespmem:$0x1DC00] =	vst v63  }
0x284: {  	s8 =	sadd.s32 @!p2 s6, s8;
	s9 =	simm.s32 @!p2 $0x8700  }
0x285: {  	[tilespmem:s9], [sflag:$0x1] =	stream.linear.gather @!p2 [hbm4b:s8+s10], $0x80, $0x38;
	[tilespmem:$0x1DC00] =	vst v63  }
0x286: {  	s11 =	simm.s32 @!p2 $0x8800;
	s9 =	sadd.s32 @!p2 $0x10, s8  }
0x287: {  	[tilespmem:s11], [sflag:$0x1] =	stream.linear.gather @!p2 [hbm4b:s9+s10], $0x80, $0x38;
	[tilespmem:$0x1DC00] =	vst v63  }
0x288: {  	s9 =	sadd.s32 @!p2 $0x20, s8;
	s11 =	simm.s32 @!p2 $0x8900  }
0x289: {  	[tilespmem:s11], [sflag:$0x1] =	stream.linear.gather @!p2 [hbm4b:s9+s10], $0x80, $0x38;
	[tilespmem:$0x1DC00] =	vst v63  }
0x28a: {  	s9 =	sadd.s32 @!p2 $0x30, s8;
	s11 =	simm.s32 @!p2 $0x8A00  }
0x28b: {  	[tilespmem:s11], [sflag:$0x1] =	stream.linear.gather @!p2 [hbm4b:s9+s10], $0x80, $0x38;
	[tilespmem:$0x1DC00] =	vst v63  }
0x28c: {  	s9 =	sadd.s32 @!p2 $0x40, s8;
	s11 =	simm.s32 @!p2 $0x8B00  }
0x28d: {  	[tilespmem:s11], [sflag:$0x1] =	stream.linear.gather @!p2 [hbm4b:s9+s10], $0x80, $0x38;
	[tilespmem:$0x1DC00] =	vst v63  }
0x28e: {  	s9 =	sadd.s32 @!p2 $0x50, s8;
	s11 =	simm.s32 @!p2 $0x8C00  }
0x28f: {  	[tilespmem:s11], [sflag:$0x1] =	stream.linear.gather @!p2 [hbm4b:s9+s10], $0x80, $0x38;
	[tilespmem:$0x1DC00] =	vst v63  }
0x290: {  	s9 =	sadd.s32 @!p2 $0x60, s8;
	s11 =	simm.s32 @!p2 $0x8D00  }
0x291: {  	[tilespmem:s11], [sflag:$0x1] =	stream.linear.gather @!p2 [hbm4b:s9+s10], $0x80, $0x38;
	[tilespmem:$0x1DC00] =	vst v63  }
0x292: {  	s9 =	sadd.s32 @!p2 $0x70, s8;
	s11 =	simm.s32 @!p2 $0x8E00  }
0x293: {  	[tilespmem:s11], [sflag:$0x1] =	stream.linear.gather @!p2 [hbm4b:s9+s10], $0x80, $0x38;
	[tilespmem:$0x1DC00] =	vst v63  }
0x294: {  	s9 =	sadd.s32 @!p2 $0x80, s8;
	s11 =	simm.s32 @!p2 $0x8F00  }
0x295: {  	[tilespmem:s11], [sflag:$0x1] =	stream.linear.gather @!p2 [hbm4b:s9+s10], $0x80, $0x38;
	[tilespmem:$0x1DC00] =	vst v63  }
0x296: {  	s8 =	sadd.s32 @!p2 $0x90, s8;
	s9 =	simm.s32 @!p2 $0x9000  }
0x297: {  	[tilespmem:s9], [sflag:$0x1] =	stream.linear.gather @!p2 [hbm4b:s8+s10], $0x80, $0x38;
	[tilespmem:$0x1DC00] =	vst v63  }
.LBB2_10:
.Ltmp8:
0x298: {  	(pc) =	sbr.rel @!p1 .LBB2_12-.Ltmp8, $1  }
0x299: {  	_ =	sdelay $0x3  }
0x29a: {  	s7 =	sshrl.u32 s7, $0x3  }
0x29b: {  	s11 =	sadd.s32 s15, s1;
	s7 =	sadd.s32 s2, s7  }
0x29c: {  	[hbm4b:s7+s3] =	stream.linear.scatter [tilespmem:s23], [sflag:$0x4], $0x2800, $0x38;
	[tilespmem:$0x1DC00] =	vst v63  }
0x29d: {  	s31 =	sadd.s32 s16, s1;
	s7 =	sshrl.u32 s11, $0x3  }
0x29e: {  	s0 =	sshrl.u32 @!p0 s0, $0x3;
	s1 =	sshrl.u32 s31, $0x3;
	s7 =	sadd.s32 s2, s7  }
0x29f: {  	[hbm4b:s7+s3] =	stream.linear.scatter [tilespmem:s24], [sflag:$0x4], $0x2800, $0x38;
	[tilespmem:$0x1DC00] =	vst v63  }
0x2a0: {  	p1 =	sgt.u32 s30, $0x25;
	s0 =	sadd.s32 @!p0 s2, s0;
	s1 =	sadd.s32 s2, s1  }
0x2a1: {  	[hbm4b:s1+s3] =	stream.linear.scatter [tilespmem:s25], [sflag:$0x4], $0x2800, $0x38;
	[tilespmem:$0x1DC00] =	vst v63  }
0x2a2: {  	s8 =	smul.u32 @!p1 $0x500, s30;
	s7 =	simm.s32 @!p0 $0x1B380;
	s1 =	simm.s32 @!p0 $0x0  }
0x2a3: {  	[hbm4b:s0+s1] =	stream.linear.scatter @!p0 [tilespmem:s7], [sflag:$0x4], $0x2800, $0x38;
	[tilespmem:$0x1DC00] =	vst v63  }
0x2a4: {  	s0 =	sshrl.u32 @!p1 s8, $0x3  }
0x2a5: {  	s0 =	sadd.s32 @!p1 $0x140, s0  }
0x2a6: {  	s7 =	simm.s32 @!p1 $0x0;
	s8 =	simm.s32 @!p1 $0x7D80;
	s1 =	sadd.s32 @!p1 s5, s0  }
0x2a7: {  	[tilespmem:s8], [sflag:$0x2] =	stream.linear.gather @!p1 [hbm4b:s1+s7], $0x80, $0x38;
	[tilespmem:$0x1DC00] =	vst v63  }
0x2a8: {  	s9 =	simm.s32 @!p1 $0x7E80;
	s8 =	sadd.s32 @!p1 $0x10, s1  }
0x2a9: {  	[tilespmem:s9], [sflag:$0x2] =	stream.linear.gather @!p1 [hbm4b:s8+s7], $0x80, $0x38;
	[tilespmem:$0x1DC00] =	vst v63  }
0x2aa: {  	s8 =	sadd.s32 @!p1 $0x20, s1;
	s9 =	simm.s32 @!p1 $0x7F80  }
0x2ab: {  	[tilespmem:s9], [sflag:$0x2] =	stream.linear.gather @!p1 [hbm4b:s8+s7], $0x80, $0x38;
	[tilespmem:$0x1DC00] =	vst v63  }
0x2ac: {  	s8 =	sadd.s32 @!p1 $0x30, s1;
	s9 =	simm.s32 @!p1 $0x8080  }
0x2ad: {  	[tilespmem:s9], [sflag:$0x2] =	stream.linear.gather @!p1 [hbm4b:s8+s7], $0x80, $0x38;
	[tilespmem:$0x1DC00] =	vst v63  }
0x2ae: {  	s8 =	sadd.s32 @!p1 $0x40, s1;
	s9 =	simm.s32 @!p1 $0x8180  }
0x2af: {  	[tilespmem:s9], [sflag:$0x2] =	stream.linear.gather @!p1 [hbm4b:s8+s7], $0x80, $0x38;
	[tilespmem:$0x1DC00] =	vst v63  }
0x2b0: {  	s8 =	sadd.s32 @!p1 $0x50, s1;
	s9 =	simm.s32 @!p1 $0x8280  }
0x2b1: {  	[tilespmem:s9], [sflag:$0x2] =	stream.linear.gather @!p1 [hbm4b:s8+s7], $0x80, $0x38;
	[tilespmem:$0x1DC00] =	vst v63  }
0x2b2: {  	s8 =	sadd.s32 @!p1 $0x60, s1;
	s9 =	simm.s32 @!p1 $0x8380  }
0x2b3: {  	[tilespmem:s9], [sflag:$0x2] =	stream.linear.gather @!p1 [hbm4b:s8+s7], $0x80, $0x38;
	[tilespmem:$0x1DC00] =	vst v63  }
0x2b4: {  	s8 =	sadd.s32 @!p1 $0x70, s1;
	s9 =	simm.s32 @!p1 $0x8480  }
0x2b5: {  	[tilespmem:s9], [sflag:$0x2] =	stream.linear.gather @!p1 [hbm4b:s8+s7], $0x80, $0x38;
	[tilespmem:$0x1DC00] =	vst v63  }
0x2b6: {  	s8 =	sadd.s32 @!p1 $0x80, s1;
	s9 =	simm.s32 @!p1 $0x8580  }
0x2b7: {  	[tilespmem:s9], [sflag:$0x2] =	stream.linear.gather @!p1 [hbm4b:s8+s7], $0x80, $0x38;
	[tilespmem:$0x1DC00] =	vst v63  }
0x2b8: {  	s1 =	sadd.s32 @!p1 $0x90, s1;
	s8 =	simm.s32 @!p1 $0x8680  }
0x2b9: {  	[tilespmem:s8], [sflag:$0x2] =	stream.linear.gather @!p1 [hbm4b:s1+s7], $0x80, $0x38;
	[tilespmem:$0x1DC00] =	vst v63  }
0x2ba: {  	s0 =	sadd.s32 @!p1 s6, s0;
	s1 =	simm.s32 @!p1 $0x8780  }
0x2bb: {  	[tilespmem:s1], [sflag:$0x2] =	stream.linear.gather @!p1 [hbm4b:s0+s7], $0x80, $0x38;
	[tilespmem:$0x1DC00] =	vst v63  }
0x2bc: {  	s8 =	simm.s32 @!p1 $0x8880;
	s1 =	sadd.s32 @!p1 $0x10, s0  }
0x2bd: {  	[tilespmem:s8], [sflag:$0x2] =	stream.linear.gather @!p1 [hbm4b:s1+s7], $0x80, $0x38;
	[tilespmem:$0x1DC00] =	vst v63  }
0x2be: {  	s1 =	sadd.s32 @!p1 $0x20, s0;
	s8 =	simm.s32 @!p1 $0x8980  }
0x2bf: {  	[tilespmem:s8], [sflag:$0x2] =	stream.linear.gather @!p1 [hbm4b:s1+s7], $0x80, $0x38;
	[tilespmem:$0x1DC00] =	vst v63  }
0x2c0: {  	s1 =	sadd.s32 @!p1 $0x30, s0;
	s8 =	simm.s32 @!p1 $0x8A80  }
0x2c1: {  	[tilespmem:s8], [sflag:$0x2] =	stream.linear.gather @!p1 [hbm4b:s1+s7], $0x80, $0x38;
	[tilespmem:$0x1DC00] =	vst v63  }
0x2c2: {  	s1 =	sadd.s32 @!p1 $0x40, s0;
	s8 =	simm.s32 @!p1 $0x8B80  }
0x2c3: {  	[tilespmem:s8], [sflag:$0x2] =	stream.linear.gather @!p1 [hbm4b:s1+s7], $0x80, $0x38;
	[tilespmem:$0x1DC00] =	vst v63  }
0x2c4: {  	s1 =	sadd.s32 @!p1 $0x50, s0;
	s8 =	simm.s32 @!p1 $0x8C80  }
0x2c5: {  	[tilespmem:s8], [sflag:$0x2] =	stream.linear.gather @!p1 [hbm4b:s1+s7], $0x80, $0x38;
	[tilespmem:$0x1DC00] =	vst v63  }
0x2c6: {  	s1 =	sadd.s32 @!p1 $0x60, s0;
	s8 =	simm.s32 @!p1 $0x8D80  }
0x2c7: {  	[tilespmem:s8], [sflag:$0x2] =	stream.linear.gather @!p1 [hbm4b:s1+s7], $0x80, $0x38;
	[tilespmem:$0x1DC00] =	vst v63  }
0x2c8: {  	s1 =	sadd.s32 @!p1 $0x70, s0;
	s8 =	simm.s32 @!p1 $0x8E80  }
0x2c9: {  	[tilespmem:s8], [sflag:$0x2] =	stream.linear.gather @!p1 [hbm4b:s1+s7], $0x80, $0x38;
	[tilespmem:$0x1DC00] =	vst v63  }
.Ltmp9:
0x2ca: {  	_ = 	snop;
	(pc) =	sbr.rel .LBB2_12-.Ltmp9, $4  }
0x2cb: {  	s1 =	sadd.s32 @!p1 $0x80, s0;
	s8 =	simm.s32 @!p1 $0x8F80  }
0x2cc: {  	[tilespmem:s8], [sflag:$0x2] =	stream.linear.gather @!p1 [hbm4b:s1+s7], $0x80, $0x38;
	[tilespmem:$0x1DC00] =	vst v63  }
0x2cd: {  	s0 =	sadd.s32 @!p1 $0x90, s0;
	s1 =	simm.s32 @!p1 $0x9080  }
0x2ce: {  	[tilespmem:s1], [sflag:$0x2] =	stream.linear.gather @!p1 [hbm4b:s0+s7], $0x80, $0x38;
	[tilespmem:$0x1DC00] =	vst v63  }
.LBB2_14:
0x2cf: {  	_ =	sfence.sel $0x180000  }
0x2d0: {  	[bflag:$0x0] =	sbarrier.arrive $0xFFFF  }
0x2d1: {  	_ =	strace $0x90000047  }
0x2d2: {  	s0 =	stileid.u32;
	[bflag:$0x2] =	sbarrier.arrive $0xFFFF  }
0x2d3: {  	p0 =	sne.s32 s0, $0x0;
	s0 =	rddreg [dreg:$0x2]  }
0x2d4: {  	s0 =	sadd.s32 @!p0 $0x100000, s0  }
0x2d5: {  	[sflag:s0] =	ssyncadd.tile.s32 @!p0 $0x1;
	_ =	shalt  }
.Lfunc_end2:
_tile_overlayer_lowered:
.L_overlay_start_2:
0x2d6: {  	(tag) =	ssettag $0x2  }
0x2d7: {  	s0 =	rddreg [dreg:$0x0];
	s2 =	stileid.u32  }
0x2d8: {  	s1 =	rddreg [dreg:$0x1];
	p0 =	sne.s32 s2, $0x0  }
0x2d9: {  	s3 =	rddreg [dreg:$0x2];
	[bflag:$0x3] =	sbarrier.arrive $0xFFFF;
	s2 =	simm.s32 @!p0 $0x1C05  }
0x2da: {  	[timem:s3], [sflag:s2] =	dma.local @!p0 [hbm:s0], s1  }
0x2db: {  	s0 =	simm.s32 @!p0 $0x5  }
0x2dc: {  	_ =	swait.ge @!p0 [sflag:s0], s1  }
0x2dd: {  	s1 =	ssub.s32 @!p0 $0x0, s1;
	[sflag:s0] =	ssyncset.done @!p0 $0x0  }
0x2de: {  	[sflag:s0] =	ssyncadd.s32 @!p0 s1  }
0x2df: {  	[bflag:$0x3] =	sbarrier.arrive $0xFFFF  }
0x2e0: {  	_ =	shalt  }

</sc_bundles>
